<compile_context>
chip_gen: v7x
topology: tpu7x:2x2x1
jax: 0.10.2.dev20260603
libtpu: 0.0.44.dev20260713+nightly
codegen_flags: <defaults>
</compile_context>

<pallas_src>
import functools

import jax
import jax.numpy as jnp
from jax import lax
from jax.experimental import pallas as pl
from jax.experimental.pallas import tpu as pltpu
from jax.experimental.pallas import tpu_sc as plsc

R, N, C_REL, C_OBJ = 500000, 20000, 51, 151

BR = 1024
R_PAD = 501760

NCORES, NSUB, LANES = 2, 16, 16
NW = NCORES * NSUB
CW = R_PAD // NW
NVW = CW // LANES


def _obj_kernel(x_ref, prob_ref, scores_ref, pred_ref):
    x = x_ref[...]
    m = jnp.max(x, axis=1, keepdims=True)
    e = jnp.exp(x - m)
    z = jnp.sum(e, axis=1, keepdims=True)
    p = e / z
    col = jax.lax.broadcasted_iota(jnp.int32, p.shape, 1)
    p = jnp.where(col == 0, 0.0, p)
    prob_ref[...] = p
    mx = jnp.max(p, axis=1)
    scores_ref[...] = mx
    hit = jnp.where((p == mx[:, None]) & (col >= 1), col, C_OBJ)
    pred_ref[...] = jnp.min(hit, axis=1).astype(jnp.int32)


def _rel_pass_kernel(x_ref, scores_ref, cls_ref):
    x = x_ref[...]
    m_all = jnp.max(x, axis=1, keepdims=True)
    e = jnp.exp(x - m_all)
    z = jnp.sum(e, axis=1, keepdims=True)
    p = e / z
    col = jax.lax.broadcasted_iota(jnp.int32, x.shape, 1)
    p1 = jnp.where(col >= 1, p, -1.0)
    mx1 = jnp.max(p1, axis=1)
    scores_ref[...] = mx1
    hit = jnp.where(p1 == mx1[:, None], col, C_REL)
    cls_ref[...] = jnp.min(hit, axis=1).astype(jnp.int32)


def _post_softmax_kernel(x_ref, prob_ref, logit_ref):
    x = x_ref[...]
    logit_ref[...] = x
    m = jnp.max(x, axis=1, keepdims=True)
    e = jnp.exp(x - m)
    z = jnp.sum(e, axis=1, keepdims=True)
    prob_ref[...] = e / z


def _obj_branch(obj_logit):
    return pl.pallas_call(
        _obj_kernel,
        grid=(pl.cdiv(N, BR),),
        in_specs=[pl.BlockSpec((BR, C_OBJ), lambda i: (i, 0))],
        out_specs=[
            pl.BlockSpec((BR, C_OBJ), lambda i: (i, 0)),
            pl.BlockSpec((BR,), lambda i: (i,)),
            pl.BlockSpec((BR,), lambda i: (i,)),
        ],
        out_shape=[
            jax.ShapeDtypeStruct((N, C_OBJ), jnp.float32),
            jax.ShapeDtypeStruct((N,), jnp.float32),
            jax.ShapeDtypeStruct((N,), jnp.int32),
        ],
    )(obj_logit)


def _rel_branch(rel_logit):
    nb = pl.cdiv(R, BR)
    return pl.pallas_call(
        _rel_pass_kernel,
        grid=(nb,),
        in_specs=[pl.BlockSpec((BR, C_REL), lambda i: (i, 0))],
        out_specs=[
            pl.BlockSpec((BR,), lambda i: (i,)),
            pl.BlockSpec((BR,), lambda i: (i,)),
        ],
        out_shape=[
            jax.ShapeDtypeStruct((R_PAD,), jnp.float32),
            jax.ShapeDtypeStruct((R_PAD,), jnp.int32),
        ],
    )(rel_logit)


def _post_softmax(logit_s_pad):
    nb = pl.cdiv(R, BR)
    return pl.pallas_call(
        _post_softmax_kernel,
        grid=(nb,),
        in_specs=[pl.BlockSpec((BR, C_REL), lambda i: (i, 0))],
        out_specs=[
            pl.BlockSpec((BR, C_REL), lambda i: (i, 0)),
            pl.BlockSpec((BR, C_REL), lambda i: (i, 0)),
        ],
        out_shape=[
            jax.ShapeDtypeStruct((R, C_REL), jnp.float32),
            jax.ShapeDtypeStruct((R, C_REL), jnp.float32),
        ],
    )(logit_s_pad)


def _keys_sc_body(obj_hbm, pairs_hbm, rels_hbm, keys_hbm, obj_v, pairs_v,
                  rel_v, keys_v):
    wid = lax.axis_index("s") * NCORES + lax.axis_index("c")
    base = wid * CW
    pltpu.sync_copy(obj_hbm, obj_v)
    pltpu.sync_copy(pairs_hbm.at[pl.ds(2 * base, 2 * CW)], pairs_v)
    pltpu.sync_copy(rels_hbm.at[pl.ds(base, CW)], rel_v)
    iota = lax.iota(jnp.int32, LANES)

    def body(v, carry):
        iv = v * LANES
        rows = iv + iota
        sidx = plsc.load_gather(pairs_v, [rows * 2])
        oidx = plsc.load_gather(pairs_v, [rows * 2 + 1])
        sidx = jnp.minimum(jnp.maximum(sidx, 0), N - 1)
        oidx = jnp.minimum(jnp.maximum(oidx, 0), N - 1)
        s0 = plsc.load_gather(obj_v, [sidx])
        s1 = plsc.load_gather(obj_v, [oidx])
        r = rel_v[pl.ds(iv, LANES)]
        t = (r * s0) * s1
        ti = plsc.bitcast(t, jnp.int32)
        tu = plsc.bitcast(t, jnp.uint32)
        s_asc = jnp.where(ti < 0, ~tu, tu | jnp.uint32(0x80000000))
        k = ~s_asc
        valid = (base + rows) < R
        k = jnp.where(valid, k, jnp.uint32(0xFFFFFFFF))
        keys_v[pl.ds(iv, LANES)] = k
        return carry

    lax.fori_loop(0, NVW, body, 0)
    pltpu.sync_copy(keys_v, keys_hbm.at[pl.ds(base, CW)])


def _keys_sc(obj_scores, pairs_pad, rel_scores_pad):
    mesh = plsc.VectorSubcoreMesh(core_axis_name="c", subcore_axis_name="s",
                                  num_cores=NCORES, num_subcores=NSUB)
    f = functools.partial(
        pl.kernel,
        out_type=jax.ShapeDtypeStruct((R_PAD,), jnp.uint32),
        mesh=mesh,
        compiler_params=pltpu.CompilerParams(needs_layout_passes=False),
        scratch_types=[
            pltpu.VMEM((N,), jnp.float32),
            pltpu.VMEM((2 * CW,), jnp.int32),
            pltpu.VMEM((CW,), jnp.float32),
            pltpu.VMEM((CW,), jnp.uint32),
        ],
    )(_keys_sc_body)
    return f(obj_scores, pairs_pad.reshape(-1), rel_scores_pad)


CT = R_PAD // NSUB
NVT = CT // LANES
NROWS = CT // 128


def _sort_sc_body(keys_hbm, skeys_hbm, sidx_hbm, kv, vv, hist, histl,
                  cnts, offs, hist_sp, sem):
    cid = lax.axis_index("c")
    wid = lax.axis_index("s")
    base = wid * CT
    iota = lax.iota(jnp.int32, LANES)
    ones16 = jnp.ones((LANES,), jnp.int32)
    zeros16 = jnp.zeros((LANES,), jnp.int32)

    pltpu.sync_copy(keys_hbm.at[pl.ds(base, CT)], kv)

    def vinit(v, c):
        vv[pl.ds(v * LANES, LANES)] = plsc.bitcast(
            base + v * LANES + iota, jnp.uint32)
        return c

    lax.fori_loop(0, NVT, vinit, 0)

    for p in range(4):
        shift = 8 * p

        def hzero(i, c):
            hist[pl.ds(i * LANES, LANES)] = zeros16
            return c

        lax.fori_loop(0, 256, hzero, 0)

        def hbody(v, c):
            k = kv[pl.ds(v * LANES, LANES)]
            d = ((k >> shift) & jnp.uint32(0xFF)).astype(jnp.int32)
            plsc.addupdate_scatter(hist, [d * 16 + iota], ones16)
            return c

        lax.fori_loop(0, NVT, hbody, 0)

        def rbody(g, c):
            dvec = (g * 16 + iota) * 16
            acc = zeros16
            for l in range(16):
                acc = acc + plsc.load_gather(hist, [dvec + l])
            cnts[pl.ds(g * LANES, LANES)] = acc
            return c

        lax.fori_loop(0, 16, rbody, 0)
        pltpu.sync_copy(cnts, hist_sp.at[pl.ds(wid * 256, 256)])
        plsc.subcore_barrier()
        pltpu.sync_copy(hist_sp, histl)

        def obody(d, running):
            dv = zeros16 + d
            col = plsc.load_gather(histl, [iota * 256 + dv])
            csum = plsc.cumsum(col)
            tot = jnp.sum(col)
            excl = csum - col
            mine = jnp.sum(jnp.where(iota == wid, excl, 0))
            val = zeros16 + (running + mine)
            plsc.store_scatter(offs, [dv], val, mask=(iota == 0))
            return running + tot

        lax.fori_loop(0, 256, obody, 0)

        def pbody(j, c):
            descs = []
            for q in range(8):
                v = j * 8 + q
                k = kv[pl.ds(v * LANES, LANES)]
                d = ((k >> shift) & jnp.uint32(0xFF)).astype(jnp.int32)
                cnt, _ = plsc.scan_count(d)
                cnt0, _ = plsc.scan_count(zeros16)
                c0 = cnt0 - iota
                rank = cnt - c0
                cnt_r, _ = plsc.scan_count(lax.rev(d, (0,)))
                cntr = lax.rev(cnt_r, (0,))
                lastm = cntr == c0
                lm = 1 - jnp.minimum(cntr - c0, 1)
                bs = plsc.load_gather(offs, [d])
                sink = d * lm + (1 - lm) * (256 + iota)
                plsc.addupdate_scatter(offs, [sink], rank + 1, mask=lastm)
                pos = bs + rank
                d1 = pltpu.make_async_copy(
                    kv.at[pl.ds(v * LANES, LANES)], skeys_hbm.at[pos], sem)
                d1.start()
                d2 = pltpu.make_async_copy(
                    vv.at[pl.ds(v * LANES, LANES)], sidx_hbm.at[pos], sem)
                d2.start()
                descs.extend((d1, d2))
            for dd in descs:
                dd.wait()
            return c

        lax.fori_loop(0, NROWS, pbody, 0)
        plsc.subcore_barrier()
        pltpu.sync_copy(skeys_hbm.at[pl.ds(base, CT)], kv)
        pltpu.sync_copy(sidx_hbm.at[pl.ds(base, CT)], vv)
        plsc.subcore_barrier()

    def ubody(v, c):
        k = kv[pl.ds(v * LANES, LANES)]
        s_asc = ~k
        u = jnp.where(s_asc >= jnp.uint32(0x80000000),
                      s_asc ^ jnp.uint32(0x80000000), ~s_asc)
        kv[pl.ds(v * LANES, LANES)] = u
        return c

    lax.fori_loop(0, NVT, ubody, 0)

    @pl.when(cid == 0)
    def _():
        pltpu.sync_copy(kv, skeys_hbm.at[pl.ds(base, CT)])
        pltpu.sync_copy(vv, sidx_hbm.at[pl.ds(base, CT)])


def _sort_sc(keys):
    mesh = plsc.VectorSubcoreMesh(core_axis_name="c", subcore_axis_name="s",
                                  num_cores=1, num_subcores=NSUB)
    f = functools.partial(
        pl.kernel,
        out_type=(
            jax.ShapeDtypeStruct((R_PAD,), jnp.uint32),
            jax.ShapeDtypeStruct((R_PAD,), jnp.uint32),
        ),
        mesh=mesh,
        compiler_params=pltpu.CompilerParams(needs_layout_passes=False),
        scratch_types=[
            pltpu.VMEM((CT,), jnp.uint32),
            pltpu.VMEM((CT,), jnp.uint32),
            pltpu.VMEM((4096,), jnp.int32),
            pltpu.VMEM((4096,), jnp.int32),
            pltpu.VMEM((256,), jnp.int32),
            pltpu.VMEM((512,), jnp.int32),
            pltpu.VMEM_SHARED((4096,), jnp.int32),
            pltpu.SemaphoreType.DMA,
        ],
    )(_sort_sc_body)
    return f(keys)


def _unkey(k):
    s_asc = ~k
    u = jnp.where(s_asc >= jnp.uint32(0x80000000),
                  s_asc ^ jnp.uint32(0x80000000), ~s_asc)
    return lax.bitcast_convert_type(u, jnp.float32)


def kernel(rel_logit, obj_logit, bbox, rel_pair_idx):
    rel_pair_idx = rel_pair_idx.astype(jnp.int32)

    obj_class_prob, obj_scores, obj_pred = _obj_branch(obj_logit)
    refined_bbox = jnp.concatenate([bbox, obj_scores[:, None]], axis=-1)

    _rel_scores_b, rel_class_pad = _rel_branch(rel_logit)

    ocp = jax.nn.softmax(obj_logit, axis=-1)
    ocp = ocp.at[:, 0].set(0.0)
    obj_scores_x = jnp.max(ocp[:, 1:], axis=1)
    rcp = jax.nn.softmax(rel_logit, axis=-1)
    rel_scores_x = jnp.max(rcp[:, 1:], axis=1)
    pairs_pad = jnp.pad(rel_pair_idx, ((0, R_PAD - R), (0, 0)))
    rel_scores_pad = jnp.pad(rel_scores_x, (0, R_PAD - R))
    keys = _keys_sc(obj_scores_x, pairs_pad, rel_scores_pad)

    sorting_idx_pad = jnp.argsort(keys, stable=True)
    triple_scores_s = _unkey(keys[sorting_idx_pad][:R])
    sorting_idx = sorting_idx_pad[:R]
    rel_pair_idx_s = rel_pair_idx[sorting_idx]
    rel_labels_s = rel_class_pad[sorting_idx]
    logit_s_pad = jnp.pad(rel_logit[sorting_idx], ((0, R_PAD - R), (0, 0)))

    rel_class_prob_s, rel_logit_s = _post_softmax(logit_s_pad)
    rel = jnp.concatenate(
        [rel_pair_idx_s, rel_labels_s[:, None].astype(rel_pair_idx_s.dtype)],
        axis=-1,
    )
    return (
        refined_bbox,
        obj_class_prob,
        obj_pred,
        rel,
        rel_class_prob_s,
        rel_pair_idx_s,
        triple_scores_s,
        rel_labels_s,
        rel_logit_s,
    )

# --- scband reference (transcript-rebuilt; emitter-appended) ---
"""Pipeline reference for scband-post-processor-25933012533737 (READ-ONLY COPY).

The authoritative reference and input builder live on the scoring server;
editing this copy changes nothing except your own understanding.
"""

import jax, jax.numpy as jnp
import numpy as np

R, N, C_REL, C_OBJ = 500000, 20000, 51, 151


def setup_inputs(seed: int = 0) -> dict:
    key = jax.random.key(seed)
    k1, k2, k3, k4 = jax.random.split(key, 4)
    rel_logit = jax.random.normal(k1, (R, C_REL), dtype=jnp.float32)
    obj_logit = jax.random.normal(k2, (N, C_OBJ), dtype=jnp.float32)
    bbox = jax.random.uniform(k3, (N, 4), dtype=jnp.float32)
    rel_pair_idx = jax.random.randint(k4, (R, 2), 0, N).astype(jnp.int64)
    return {
        "rel_logit": rel_logit,
        "obj_logit": obj_logit,
        "bbox": bbox,
        "rel_pair_idx": rel_pair_idx,
    }


def reference(rel_logit, obj_logit, bbox, rel_pair_idx):
    # Object branch (finetune_obj_logits)
    obj_class_prob = jax.nn.softmax(obj_logit, axis=-1)
    obj_class_prob = obj_class_prob.at[:, 0].set(0.0)  # zero background prob
    obj_scores = jnp.max(obj_class_prob[:, 1:], axis=1)
    obj_pred = jnp.argmax(obj_class_prob[:, 1:], axis=1) + 1  # obj_class
    # bbox has 4 cols -> cat score column
    refined_bbox = jnp.concatenate([bbox, obj_scores[:, None]], axis=-1)
    # Gather subject/object scores for each relation pair
    obj_scores0 = obj_scores[rel_pair_idx[:, 0]]
    obj_scores1 = obj_scores[rel_pair_idx[:, 1]]
    # Relation branch
    rel_class_prob = jax.nn.softmax(rel_logit, axis=-1)
    rel_scores = jnp.max(rel_class_prob[:, 1:], axis=1)
    rel_class = jnp.argmax(rel_class_prob[:, 1:], axis=1) + 1
    triple_scores = rel_scores * obj_scores0 * obj_scores1
    # Sort descending (key_first=False path, no ranking_scores)
    sorting_idx = jnp.argsort(-triple_scores.reshape(-1))
    triple_scores_s = triple_scores.reshape(-1)[sorting_idx]
    rel_pair_idx_s = rel_pair_idx[sorting_idx]
    rel_class_prob_s = rel_class_prob[sorting_idx]
    rel_labels_s = rel_class[sorting_idx]
    rel_logit_s = rel_logit[sorting_idx]
    rel = jnp.concatenate(
        [rel_pair_idx_s, rel_labels_s[:, None].astype(rel_pair_idx_s.dtype)], axis=-1
    )
    return (
        refined_bbox,      # det_result.refine_bboxes[i]
        obj_class_prob,    # det_result.refine_dists[i]
        obj_pred,          # det_result.refine_labels[i]
        rel,               # det_result.rels[i]
        rel_class_prob_s,  # det_result.rel_dists[i]
        rel_pair_idx_s,    # det_result.rel_pair_idxes[i]
        triple_scores_s,   # det_result.triplet_scores[i]
        rel_labels_s,      # det_result.rel_labels[i]
        rel_logit_s,       # det_result.rel_scores[i]
    )

if __name__ == "__main__":
    import jax
    _d = setup_inputs()
    print(jax.jit(kernel)(*tuple(_d.values())))

</pallas_src>

<mosaic_0001>
#map = affine_map<(d0, d1) -> (0)>
module attributes {stable_mosaic.version = 14 : i64} {
  func.func @_keys_sc_body(%arg0: i32, %arg1: i32, %arg2: memref<20000xf32, #tpu.memory_space<hbm>>, %arg3: memref<1003520xi32, #tpu.memory_space<hbm>>, %arg4: memref<501760xf32, #tpu.memory_space<hbm>>, %arg5: memref<501760xi32, #tpu.memory_space<hbm>>, %arg6: memref<20000xf32, #tpu.memory_space<vmem>>, %arg7: memref<31360xi32, #tpu.memory_space<vmem>>, %arg8: memref<15680xf32, #tpu.memory_space<vmem>>, %arg9: memref<15680xi32, #tpu.memory_space<vmem>>) attributes {dimension_semantics = [#tpu.dimension_semantics<core_parallel>, #tpu.dimension_semantics<subcore_parallel>], iteration_bounds = array<i64: 2, 16>, scalar_prefetch = 0 : i64, scratch_operands = 4 : i64, tpu.core_type = #tpu.core_type<sc_vector_subcore>, window_params = [{transform_indices = #map}, {transform_indices = #map}, {transform_indices = #map}, {transform_indices = #map}]} {
    %mul3A = arith.constant 2 : i32
    %mul3A_0 = arith.muli %arg1, %mul3A : i32
    %add3A = arith.addi %mul3A_0, %arg0 : i32
    %mul3A_1 = arith.constant 15680 : i32
    %mul3A_2 = arith.muli %add3A, %mul3A_1 : i32
    "tpu.region"() ({
      %run_scoped3A = tpu.sem_alloc : memref<!tpu.dma_semaphore, #tpu.memory_space<semaphore_mem>>
      tpu.enqueue_dma source(%arg2 : memref<20000xf32, #tpu.memory_space<hbm>>) target(%arg6 : memref<20000xf32, #tpu.memory_space<vmem>>) target_semaphore(%run_scoped3A : memref<!tpu.dma_semaphore, #tpu.memory_space<semaphore_mem>>)
      tpu.wait_dma2 semaphore(%run_scoped3A : memref<!tpu.dma_semaphore, #tpu.memory_space<semaphore_mem>>) src(%arg2 : memref<20000xf32, #tpu.memory_space<hbm>>) dst(%arg6 : memref<20000xf32, #tpu.memory_space<vmem>>)
      tpu.yield
    }) : () -> ()
    %mul3A_3 = arith.constant 2 : i32
    %mul3A_4 = arith.muli %mul3A_3, %mul3A_2 : i32
    "tpu.region"() ({
      %run_scoped3A = tpu.sem_alloc : memref<!tpu.dma_semaphore, #tpu.memory_space<semaphore_mem>>
      %dma_start3A = tpu.memref_slice %arg3[%mul3A_4] : memref<1003520xi32, #tpu.memory_space<hbm>> -> memref<31360xi32, #tpu.memory_space<hbm>>
      %dma_start3A_10 = tpu.memref_slice %arg3[%mul3A_4] : memref<1003520xi32, #tpu.memory_space<hbm>> -> memref<31360xi32, #tpu.memory_space<hbm>>
      tpu.enqueue_dma source(%dma_start3A_10 : memref<31360xi32, #tpu.memory_space<hbm>>) target(%arg7 : memref<31360xi32, #tpu.memory_space<vmem>>) target_semaphore(%run_scoped3A : memref<!tpu.dma_semaphore, #tpu.memory_space<semaphore_mem>>)
      %dma_wait3A = tpu.memref_slice %arg3[%mul3A_4] : memref<1003520xi32, #tpu.memory_space<hbm>> -> memref<31360xi32, #tpu.memory_space<hbm>>
      %dma_wait3A_11 = tpu.memref_slice %arg3[%mul3A_4] : memref<1003520xi32, #tpu.memory_space<hbm>> -> memref<31360xi32, #tpu.memory_space<hbm>>
      tpu.wait_dma2 semaphore(%run_scoped3A : memref<!tpu.dma_semaphore, #tpu.memory_space<semaphore_mem>>) src(%dma_wait3A_11 : memref<31360xi32, #tpu.memory_space<hbm>>) dst(%arg7 : memref<31360xi32, #tpu.memory_space<vmem>>)
      tpu.yield
    }) : () -> ()
    "tpu.region"() ({
      %run_scoped3A = tpu.sem_alloc : memref<!tpu.dma_semaphore, #tpu.memory_space<semaphore_mem>>
      %dma_start3A = tpu.memref_slice %arg4[%mul3A_2] : memref<501760xf32, #tpu.memory_space<hbm>> -> memref<15680xf32, #tpu.memory_space<hbm>>
      %dma_start3A_10 = tpu.memref_slice %arg4[%mul3A_2] : memref<501760xf32, #tpu.memory_space<hbm>> -> memref<15680xf32, #tpu.memory_space<hbm>>
      tpu.enqueue_dma source(%dma_start3A_10 : memref<15680xf32, #tpu.memory_space<hbm>>) target(%arg8 : memref<15680xf32, #tpu.memory_space<vmem>>) target_semaphore(%run_scoped3A : memref<!tpu.dma_semaphore, #tpu.memory_space<semaphore_mem>>)
      %dma_wait3A = tpu.memref_slice %arg4[%mul3A_2] : memref<501760xf32, #tpu.memory_space<hbm>> -> memref<15680xf32, #tpu.memory_space<hbm>>
      %dma_wait3A_11 = tpu.memref_slice %arg4[%mul3A_2] : memref<501760xf32, #tpu.memory_space<hbm>> -> memref<15680xf32, #tpu.memory_space<hbm>>
      tpu.wait_dma2 semaphore(%run_scoped3A : memref<!tpu.dma_semaphore, #tpu.memory_space<semaphore_mem>>) src(%dma_wait3A_11 : memref<15680xf32, #tpu.memory_space<hbm>>) dst(%arg8 : memref<15680xf32, #tpu.memory_space<vmem>>)
      tpu.yield
    }) : () -> ()
    %iota3A = tpu.iota {dimensions = array<i32: 0>} : vector<16xi32>
    %scan3A = arith.constant 0 : i32
    %scan3A_5 = arith.constant 0 : i32
    %scan3A_6 = arith.constant 980 : i32
    %scan3A_7 = arith.addi %scan3A_5, %scan3A_6 : i32
    %scan3A_8 = arith.constant 1 : i32
    scf.for %scan3A_10 = %scan3A_5 to %scan3A_7 step %scan3A_8  : i32 {
      %mul3A_11 = arith.constant 16 : i32
      %mul3A_12 = arith.muli %scan3A_10, %mul3A_11 : i32
      %add3A_13 = vector.broadcast %mul3A_12 : i32 to vector<16xi32>
      %add3A_14 = arith.addi %add3A_13, %iota3A : vector<16xi32>
      %mul3A_15 = arith.constant 2 : i32
      %mul3A_16 = vector.broadcast %mul3A_15 : i32 to vector<16xi32>
      %mul3A_17 = arith.muli %add3A_14, %mul3A_16 : vector<16xi32>
      %gather3A = tpu.vector_load_idx %arg7[%mul3A_17] : memref<31360xi32, #tpu.memory_space<vmem>>[vector<16xi32>], vector<16xi32>,
      %mul3A_18 = arith.constant 2 : i32
      %mul3A_19 = vector.broadcast %mul3A_18 : i32 to vector<16xi32>
      %mul3A_20 = arith.muli %add3A_14, %mul3A_19 : vector<16xi32>
      %add3A_21 = arith.constant 1 : i32
      %add3A_22 = vector.broadcast %add3A_21 : i32 to vector<16xi32>
      %add3A_23 = arith.addi %mul3A_20, %add3A_22 : vector<16xi32>
      %gather3A_24 = tpu.vector_load_idx %arg7[%add3A_23] : memref<31360xi32, #tpu.memory_space<vmem>>[vector<16xi32>], vector<16xi32>,
      %max3A = arith.constant 0 : i32
      %max3A_25 = vector.broadcast %max3A : i32 to vector<16xi32>
      %max3A_26 = arith.maxsi %gather3A, %max3A_25 : vector<16xi32>
      %min3A = arith.constant 19999 : i32
      %min3A_27 = vector.broadcast %min3A : i32 to vector<16xi32>
      %min3A_28 = arith.minsi %max3A_26, %min3A_27 : vector<16xi32>
      %max3A_29 = arith.constant 0 : i32
      %max3A_30 = vector.broadcast %max3A_29 : i32 to vector<16xi32>
      %max3A_31 = arith.maxsi %gather3A_24, %max3A_30 : vector<16xi32>
      %min3A_32 = arith.constant 19999 : i32
      %min3A_33 = vector.broadcast %min3A_32 : i32 to vector<16xi32>
      %min3A_34 = arith.minsi %max3A_31, %min3A_33 : vector<16xi32>
      %gather3A_35 = tpu.vector_load_idx %arg6[%min3A_28] : memref<20000xf32, #tpu.memory_space<vmem>>[vector<16xi32>], vector<16xf32>,
      %gather3A_36 = tpu.vector_load_idx %arg6[%min3A_34] : memref<20000xf32, #tpu.memory_space<vmem>>[vector<16xi32>], vector<16xf32>,
      %get3A = arith.index_cast %mul3A_12 : i32 to index
      %get3A_37 = tpu.vector_load %arg8[%get3A] {strides = array<i32>} : memref<15680xf32, #tpu.memory_space<vmem>>, vector<16xf32>,
      %mul3A_38 = arith.mulf %get3A_37, %gather3A_35 : vector<16xf32>
      %mul3A_39 = arith.mulf %mul3A_38, %gather3A_36 : vector<16xf32>
      %bitcast3A = vector.bitcast %mul3A_39 : vector<16xf32> to vector<16xi32>
      %bitcast3A_40 = vector.bitcast %mul3A_39 : vector<16xf32> to vector<16xi32>
      %lt3A = arith.constant 0 : i32
      %lt3A_41 = vector.broadcast %lt3A : i32 to vector<16xi32>
      %lt3A_42 = arith.cmpi slt, %bitcast3A, %lt3A_41 : vector<16xi32>
      %not3A = arith.constant dense<-1> : vector<16xi32>
      %not3A_43 = arith.xori %bitcast3A_40, %not3A : vector<16xi32>
      %or3A = arith.constant -2147483648 : i32
      %or3A_44 = vector.broadcast %or3A : i32 to vector<16xi32>
      %or3A_45 = arith.ori %bitcast3A_40, %or3A_44 : vector<16xi32>
      %select_n3A = arith.select %lt3A_42, %not3A_43, %or3A_45 : vector<16xi1>, vector<16xi32>
      %not3A_46 = arith.constant dense<-1> : vector<16xi32>
      %not3A_47 = arith.xori %select_n3A, %not3A_46 : vector<16xi32>
      %add3A_48 = vector.broadcast %mul3A_2 : i32 to vector<16xi32>
      %add3A_49 = arith.addi %add3A_48, %add3A_14 : vector<16xi32>
      %lt3A_50 = arith.constant 500000 : i32
      %lt3A_51 = vector.broadcast %lt3A_50 : i32 to vector<16xi32>
      %lt3A_52 = arith.cmpi slt, %add3A_49, %lt3A_51 : vector<16xi32>
      %jit3A = arith.constant -1 : i32
      %broadcast_in_dim3A = vector.broadcast %jit3A : i32 to vector<16xi32>
      %select_n3A_53 = arith.select %lt3A_52, %not3A_47, %broadcast_in_dim3A : vector<16xi1>, vector<16xi32>
      %swap3A = arith.index_cast %mul3A_12 : i32 to index
      %swap3A_54 = tpu.vector_load %arg9[%swap3A] {strides = array<i32>} : memref<15680xi32, #tpu.memory_space<vmem>>, vector<16xi32>,
      tpu.vector_store %arg9[%swap3A], %select_n3A_53 {strides = array<i32>} : memref<15680xi32, #tpu.memory_space<vmem>>, vector<16xi32>,
    }
    %scan3A_9 = arith.constant 980 : i32
    "tpu.region"() ({
      %run_scoped3A = tpu.sem_alloc : memref<!tpu.dma_semaphore, #tpu.memory_space<semaphore_mem>>
      %dma_start3A = tpu.memref_slice %arg5[%mul3A_2] : memref<501760xi32, #tpu.memory_space<hbm>> -> memref<15680xi32, #tpu.memory_space<hbm>>
      %dma_start3A_10 = tpu.memref_slice %arg5[%mul3A_2] : memref<501760xi32, #tpu.memory_space<hbm>> -> memref<15680xi32, #tpu.memory_space<hbm>>
      tpu.enqueue_dma source(%arg9 : memref<15680xi32, #tpu.memory_space<vmem>>) target(%dma_start3A_10 : memref<15680xi32, #tpu.memory_space<hbm>>) target_semaphore(%run_scoped3A : memref<!tpu.dma_semaphore, #tpu.memory_space<semaphore_mem>>)
      %dma_wait3A = tpu.memref_slice %arg5[%mul3A_2] : memref<501760xi32, #tpu.memory_space<hbm>> -> memref<15680xi32, #tpu.memory_space<hbm>>
      %dma_wait3A_11 = tpu.memref_slice %arg5[%mul3A_2] : memref<501760xi32, #tpu.memory_space<hbm>> -> memref<15680xi32, #tpu.memory_space<hbm>>
      tpu.wait_dma2 semaphore(%run_scoped3A : memref<!tpu.dma_semaphore, #tpu.memory_space<semaphore_mem>>) src(%arg9 : memref<15680xi32, #tpu.memory_space<vmem>>) dst(%dma_wait3A_11 : memref<15680xi32, #tpu.memory_space<hbm>>)
      tpu.yield
    }) : () -> ()
    return
  }
}

module attributes {stable_mosaic.version = 14 : i64} {
  func.func @_rel_pass_kernel(%arg0: i32, %arg1: memref<1024x51xf32, #tpu.memory_space<vmem>>, %arg2: memref<1024xf32, #tpu.memory_space<vmem>>, %arg3: memref<1024xi32, #tpu.memory_space<vmem>>) attributes {dimension_semantics = [#tpu.dimension_semantics<arbitrary>], iteration_bounds = array<i64: 489>, scalar_prefetch = 0 : i64, scratch_operands = 0 : i64, tpu.core_type = #tpu.core_type<tc>, window_params = [{transform_indices = @transform_0, window_bounds = array<i64: 1024, 51>}, {transform_indices = @transform_1, window_bounds = array<i64: 1024>}, {transform_indices = @transform_2, window_bounds = array<i64: 1024>}]} {
    %get3A = arith.constant 0 : index
    %get3A_0 = arith.constant 0 : index
    %get3A_1 = vector.load %arg1[%get3A, %get3A_0] : memref<1024x51xf32, #tpu.memory_space<vmem>>, vector<1024x51xf32>
    %reduce_max3A = arith.constant dense<0xFF800000> : vector<1024xf32>
    %reduce_max3A_2 = vector.multi_reduction <maximumf>, %get3A_1, %reduce_max3A [1] : vector<1024x51xf32> to vector<1024xf32>
    %broadcast_in_dim3A = vector.shape_cast %reduce_max3A_2 : vector<1024xf32> to vector<1024x1xf32>
    %sub3A = vector.broadcast %broadcast_in_dim3A : vector<1024x1xf32> to vector<1024x51xf32>
    %sub3A_3 = arith.subf %get3A_1, %sub3A : vector<1024x51xf32>
    %exp3A = math.exp %sub3A_3 : vector<1024x51xf32>
    %reduce_sum3A = arith.constant dense<0.000000e+00> : vector<1024xf32>
    %reduce_sum3A_4 = vector.multi_reduction <add>, %exp3A, %reduce_sum3A [1] : vector<1024x51xf32> to vector<1024xf32>
    %broadcast_in_dim3A_5 = vector.shape_cast %reduce_sum3A_4 : vector<1024xf32> to vector<1024x1xf32>
    %div3A = vector.broadcast %broadcast_in_dim3A_5 : vector<1024x1xf32> to vector<1024x51xf32>
    %div3A_6 = arith.divf %exp3A, %div3A : vector<1024x51xf32>
    %iota3A = tpu.iota {dimensions = array<i32: 1>} : vector<1024x51xi32>
    %ge3A = arith.constant 1 : i32
    %ge3A_7 = vector.broadcast %ge3A : i32 to vector<1024x51xi32>
    %ge3A_8 = arith.cmpi sge, %iota3A, %ge3A_7 : vector<1024x51xi32>
    %jit3A = arith.constant -1.000000e+00 : f32
    %broadcast_in_dim3A_9 = vector.broadcast %jit3A : f32 to vector<1024x51xf32>
    %select_n3A = arith.select %ge3A_8, %div3A_6, %broadcast_in_dim3A_9 : vector<1024x51xi1>, vector<1024x51xf32>
    %reduce_max3A_10 = arith.constant dense<0xFF800000> : vector<1024xf32>
    %reduce_max3A_11 = vector.multi_reduction <maximumf>, %select_n3A, %reduce_max3A_10 [1] : vector<1024x51xf32> to vector<1024xf32>
    %swap3A = arith.constant 0 : index
    %swap3A_12 = vector.load %arg2[%swap3A] : memref<1024xf32, #tpu.memory_space<vmem>>, vector<1024xf32>
    tpu.vector_store %arg2[%swap3A], %reduce_max3A_11 {strides = array<i32>} : memref<1024xf32, #tpu.memory_space<vmem>>, vector<1024xf32>,
    %broadcast_in_dim3A_13 = vector.shape_cast %reduce_max3A_11 : vector<1024xf32> to vector<1024x1xf32>
    %eq3A = vector.broadcast %broadcast_in_dim3A_13 : vector<1024x1xf32> to vector<1024x51xf32>
    %eq3A_14 = arith.cmpf oeq, %select_n3A, %eq3A : vector<1024x51xf32>
    %jit3A_15 = arith.constant 51 : i32
    %broadcast_in_dim3A_16 = vector.broadcast %jit3A_15 : i32 to vector<1024x51xi32>
    %select_n3A_17 = arith.select %eq3A_14, %iota3A, %broadcast_in_dim3A_16 : vector<1024x51xi1>, vector<1024x51xi32>
    %reduce_min3A = arith.constant dense<2147483647> : vector<1024xi32>
    %reduce_min3A_18 = vector.multi_reduction <minsi>, %select_n3A_17, %reduce_min3A [1] : vector<1024x51xi32> to vector<1024xi32>
    %swap3A_19 = arith.constant 0 : index
    %swap3A_20 = vector.load %arg3[%swap3A_19] : memref<1024xi32, #tpu.memory_space<vmem>>, vector<1024xi32>
    tpu.vector_store %arg3[%swap3A_19], %reduce_min3A_18 {strides = array<i32>} : memref<1024xi32, #tpu.memory_space<vmem>>, vector<1024xi32>,
    return
  }
  func.func @transform_0(%arg0: i32) -> (i32, i32) {
    %c0_i32 = arith.constant 0 : i32
    %c0_i32_0 = arith.constant 0 : i32
    return %arg0, %c0_i32 : i32, i32
  }
  func.func @transform_1(%arg0: i32) -> i32 {
    %c0_i32 = arith.constant 0 : i32
    return %arg0 : i32
  }
  func.func @transform_2(%arg0: i32) -> i32 {
    %c0_i32 = arith.constant 0 : i32
    return %arg0 : i32
  }
}

module attributes {stable_mosaic.version = 14 : i64} {
  func.func @_obj_kernel(%arg0: i32, %arg1: memref<1024x151xf32, #tpu.memory_space<vmem>>, %arg2: memref<1024x151xf32, #tpu.memory_space<vmem>>, %arg3: memref<1024xf32, #tpu.memory_space<vmem>>, %arg4: memref<1024xi32, #tpu.memory_space<vmem>>) attributes {dimension_semantics = [#tpu.dimension_semantics<arbitrary>], iteration_bounds = array<i64: 20>, scalar_prefetch = 0 : i64, scratch_operands = 0 : i64, tpu.core_type = #tpu.core_type<tc>, window_params = [{transform_indices = @transform_0, window_bounds = array<i64: 1024, 151>}, {transform_indices = @transform_1, window_bounds = array<i64: 1024, 151>}, {transform_indices = @transform_2, window_bounds = array<i64: 1024>}, {transform_indices = @transform_3, window_bounds = array<i64: 1024>}]} {
    %get3A = arith.constant 0 : index
    %get3A_0 = arith.constant 0 : index
    %get3A_1 = vector.load %arg1[%get3A, %get3A_0] : memref<1024x151xf32, #tpu.memory_space<vmem>>, vector<1024x151xf32>
    %reduce_max3A = arith.constant dense<0xFF800000> : vector<1024xf32>
    %reduce_max3A_2 = vector.multi_reduction <maximumf>, %get3A_1, %reduce_max3A [1] : vector<1024x151xf32> to vector<1024xf32>
    %broadcast_in_dim3A = vector.shape_cast %reduce_max3A_2 : vector<1024xf32> to vector<1024x1xf32>
    %sub3A = vector.broadcast %broadcast_in_dim3A : vector<1024x1xf32> to vector<1024x151xf32>
    %sub3A_3 = arith.subf %get3A_1, %sub3A : vector<1024x151xf32>
    %exp3A = math.exp %sub3A_3 : vector<1024x151xf32>
    %reduce_sum3A = arith.constant dense<0.000000e+00> : vector<1024xf32>
    %reduce_sum3A_4 = vector.multi_reduction <add>, %exp3A, %reduce_sum3A [1] : vector<1024x151xf32> to vector<1024xf32>
    %broadcast_in_dim3A_5 = vector.shape_cast %reduce_sum3A_4 : vector<1024xf32> to vector<1024x1xf32>
    %div3A = vector.broadcast %broadcast_in_dim3A_5 : vector<1024x1xf32> to vector<1024x151xf32>
    %div3A_6 = arith.divf %exp3A, %div3A : vector<1024x151xf32>
    %iota3A = tpu.iota {dimensions = array<i32: 1>} : vector<1024x151xi32>
    %eq3A = arith.constant 0 : i32
    %eq3A_7 = vector.broadcast %eq3A : i32 to vector<1024x151xi32>
    %eq3A_8 = arith.cmpi eq, %iota3A, %eq3A_7 : vector<1024x151xi32>
    %jit3A = arith.constant 0.000000e+00 : f32
    %broadcast_in_dim3A_9 = vector.broadcast %jit3A : f32 to vector<1024x151xf32>
    %select_n3A = arith.select %eq3A_8, %broadcast_in_dim3A_9, %div3A_6 : vector<1024x151xi1>, vector<1024x151xf32>
    %swap3A = arith.constant 0 : index
    %swap3A_10 = arith.constant 0 : index
    %swap3A_11 = vector.load %arg2[%swap3A, %swap3A_10] : memref<1024x151xf32, #tpu.memory_space<vmem>>, vector<1024x151xf32>
    tpu.vector_store %arg2[%swap3A, %swap3A_10], %select_n3A {strides = array<i32>} : memref<1024x151xf32, #tpu.memory_space<vmem>>, vector<1024x151xf32>,
    %reduce_max3A_12 = arith.constant dense<0xFF800000> : vector<1024xf32>
    %reduce_max3A_13 = vector.multi_reduction <maximumf>, %select_n3A, %reduce_max3A_12 [1] : vector<1024x151xf32> to vector<1024xf32>
    %swap3A_14 = arith.constant 0 : index
    %swap3A_15 = vector.load %arg3[%swap3A_14] : memref<1024xf32, #tpu.memory_space<vmem>>, vector<1024xf32>
    tpu.vector_store %arg3[%swap3A_14], %reduce_max3A_13 {strides = array<i32>} : memref<1024xf32, #tpu.memory_space<vmem>>, vector<1024xf32>,
    %broadcast_in_dim3A_16 = vector.shape_cast %reduce_max3A_13 : vector<1024xf32> to vector<1024x1xf32>
    %eq3A_17 = vector.broadcast %broadcast_in_dim3A_16 : vector<1024x1xf32> to vector<1024x151xf32>
    %eq3A_18 = arith.cmpf oeq, %select_n3A, %eq3A_17 : vector<1024x151xf32>
    %ge3A = arith.constant 1 : i32
    %ge3A_19 = vector.broadcast %ge3A : i32 to vector<1024x151xi32>
    %ge3A_20 = arith.cmpi sge, %iota3A, %ge3A_19 : vector<1024x151xi32>
    %and3A = arith.andi %eq3A_18, %ge3A_20 : vector<1024x151xi1>
    %jit3A_21 = arith.constant 151 : i32
    %broadcast_in_dim3A_22 = vector.broadcast %jit3A_21 : i32 to vector<1024x151xi32>
    %select_n3A_23 = arith.select %and3A, %iota3A, %broadcast_in_dim3A_22 : vector<1024x151xi1>, vector<1024x151xi32>
    %reduce_min3A = arith.constant dense<2147483647> : vector<1024xi32>
    %reduce_min3A_24 = vector.multi_reduction <minsi>, %select_n3A_23, %reduce_min3A [1] : vector<1024x151xi32> to vector<1024xi32>
    %swap3A_25 = arith.constant 0 : index
    %swap3A_26 = vector.load %arg4[%swap3A_25] : memref<1024xi32, #tpu.memory_space<vmem>>, vector<1024xi32>
    tpu.vector_store %arg4[%swap3A_25], %reduce_min3A_24 {strides = array<i32>} : memref<1024xi32, #tpu.memory_space<vmem>>, vector<1024xi32>,
    return
  }
  func.func @transform_0(%arg0: i32) -> (i32, i32) {
    %c0_i32 = arith.constant 0 : i32
    %c0_i32_0 = arith.constant 0 : i32
    return %arg0, %c0_i32 : i32, i32
  }
  func.func @transform_1(%arg0: i32) -> (i32, i32) {
    %c0_i32 = arith.constant 0 : i32
    %c0_i32_0 = arith.constant 0 : i32
    return %arg0, %c0_i32 : i32, i32
  }
  func.func @transform_2(%arg0: i32) -> i32 {
    %c0_i32 = arith.constant 0 : i32
    return %arg0 : i32
  }
  func.func @transform_3(%arg0: i32) -> i32 {
    %c0_i32 = arith.constant 0 : i32
    return %arg0 : i32
  }
}

module attributes {stable_mosaic.version = 14 : i64} {
  func.func @_post_softmax_kernel(%arg0: i32, %arg1: memref<1024x51xf32, #tpu.memory_space<vmem>>, %arg2: memref<1024x51xf32, #tpu.memory_space<vmem>>, %arg3: memref<1024x51xf32, #tpu.memory_space<vmem>>) attributes {dimension_semantics = [#tpu.dimension_semantics<arbitrary>], iteration_bounds = array<i64: 489>, scalar_prefetch = 0 : i64, scratch_operands = 0 : i64, tpu.core_type = #tpu.core_type<tc>, window_params = [{transform_indices = @transform_0, window_bounds = array<i64: 1024, 51>}, {transform_indices = @transform_1, window_bounds = array<i64: 1024, 51>}, {transform_indices = @transform_2, window_bounds = array<i64: 1024, 51>}]} {
    %get3A = arith.constant 0 : index
    %get3A_0 = arith.constant 0 : index
    %get3A_1 = vector.load %arg1[%get3A, %get3A_0] : memref<1024x51xf32, #tpu.memory_space<vmem>>, vector<1024x51xf32>
    %swap3A = arith.constant 0 : index
    %swap3A_2 = arith.constant 0 : index
    %swap3A_3 = vector.load %arg3[%swap3A, %swap3A_2] : memref<1024x51xf32, #tpu.memory_space<vmem>>, vector<1024x51xf32>
    tpu.vector_store %arg3[%swap3A, %swap3A_2], %get3A_1 {strides = array<i32>} : memref<1024x51xf32, #tpu.memory_space<vmem>>, vector<1024x51xf32>,
    %reduce_max3A = arith.constant dense<0xFF800000> : vector<1024xf32>
    %reduce_max3A_4 = vector.multi_reduction <maximumf>, %get3A_1, %reduce_max3A [1] : vector<1024x51xf32> to vector<1024xf32>
    %broadcast_in_dim3A = vector.shape_cast %reduce_max3A_4 : vector<1024xf32> to vector<1024x1xf32>
    %sub3A = vector.broadcast %broadcast_in_dim3A : vector<1024x1xf32> to vector<1024x51xf32>
    %sub3A_5 = arith.subf %get3A_1, %sub3A : vector<1024x51xf32>
    %exp3A = math.exp %sub3A_5 : vector<1024x51xf32>
    %reduce_sum3A = arith.constant dense<0.000000e+00> : vector<1024xf32>
    %reduce_sum3A_6 = vector.multi_reduction <add>, %exp3A, %reduce_sum3A [1] : vector<1024x51xf32> to vector<1024xf32>
    %broadcast_in_dim3A_7 = vector.shape_cast %reduce_sum3A_6 : vector<1024xf32> to vector<1024x1xf32>
    %div3A = vector.broadcast %broadcast_in_dim3A_7 : vector<1024x1xf32> to vector<1024x51xf32>
    %div3A_8 = arith.divf %exp3A, %div3A : vector<1024x51xf32>
    %swap3A_9 = arith.constant 0 : index
    %swap3A_10 = arith.constant 0 : index
    %swap3A_11 = vector.load %arg2[%swap3A_9, %swap3A_10] : memref<1024x51xf32, #tpu.memory_space<vmem>>, vector<1024x51xf32>
    tpu.vector_store %arg2[%swap3A_9, %swap3A_10], %div3A_8 {strides = array<i32>} : memref<1024x51xf32, #tpu.memory_space<vmem>>, vector<1024x51xf32>,
    return
  }
  func.func @transform_0(%arg0: i32) -> (i32, i32) {
    %c0_i32 = arith.constant 0 : i32
    %c0_i32_0 = arith.constant 0 : i32
    return %arg0, %c0_i32 : i32, i32
  }
  func.func @transform_1(%arg0: i32) -> (i32, i32) {
    %c0_i32 = arith.constant 0 : i32
    %c0_i32_0 = arith.constant 0 : i32
    return %arg0, %c0_i32 : i32, i32
  }
  func.func @transform_2(%arg0: i32) -> (i32, i32) {
    %c0_i32 = arith.constant 0 : i32
    %c0_i32_0 = arith.constant 0 : i32
    return %arg0, %c0_i32 : i32, i32
  }
}

</mosaic_0001>

<sc_bundles>
// kernel: gather_offload_async_start.1
scs
__scs_entry_jumppad:
0x0: {  	(pc) =	sbr.rel $0x88, $3  }
0x1: {  	(tag) =	ssettag $0x0;
	lr =	simm.s32 $0x1  }
0x2: {  	[smem:$0x3F9D] =	sst lr;
	_ =	strace $0xD0000000  }
0x3: {  	_ = 	snop  }
0x4: {  	_ = 	snop  }
0x5: {  	_ = 	snop  }
0x6: {  	_ = 	snop  }
0x7: {  	_ = 	snop  }
__scs_overlays_trampoline_lowered:
0x8: {  	[smem:$0x3FAC] =	sst s0  }
0x9: {  	[smem:$0x3FAD] =	sst s1  }
0xa: {  	[smem:$0x3FAE] =	sst s2  }
0xb: {  	[smem:$0x3FAF] =	sst s3  }
0xc: {  	[smem:$0x3FB0] =	sst s4  }
0xd: {  	[smem:$0x3FB1] =	sst s5  }
0xe: {  	[smem:$0x3FB2] =	sst s6  }
0xf: {  	[smem:$0x3FB3] =	sst s7  }
0x10: {  	[smem:$0x3FB4] =	sst s8  }
0x11: {  	[smem:$0x3FB5] =	sst s9;
	s0 =	simm.s32 @!p0 $0x0  }
0x12: {  	s1 =	sld [smem:$0x3F9B];
	s0 =	simm.s32 @p0 $0x1  }
0x13: {  	[smem:$0x3FB6] =	sst s0;
	s0 =	simm.s32 @!p1 $0x0  }
0x14: {  	s2 =	sld [smem:$0x3F9A];
	s0 =	simm.s32 @p1 $0x1  }
0x15: {  	[smem:$0x3FB7] =	sst s0;
	s0 =	simm.s32 @!p2 $0x0  }
0x16: {  	s3 =	sld [smem:$0x3FDB];
	s0 =	simm.s32 @p2 $0x1  }
0x17: {  	s4 =	simm.s32 $0x1BF5;
	[smem:$0x3FB9] =	sst s0  }
0x18: {  	s0 =	sld [smem:$0x3F9C];
	_ =	swait.ge [sflag:s4], $0x0  }
0x19: {  	s7 =	sld [smem:$0x3F9D]  }
0x1a: {  	s8 =	sadd.s32 $0xFFFFE003, lr  }
0x1b: {  	s9 =	sadd.s32 $0xFFFFFEF7, lr;
	s5 =	simm.s32 $0xFFFFFFFF;
	p2 =	slt.u32 s8, $0xFFFFF086  }
0x1c: {  	p1 =	slt.u32 s9, $0xF7A;
	s5 =	simm.s32 @!p2 $0x0  }
0x1d: {  	s5 =	simm.s32 @p1 $0x1;
	p0 =	seq.s32 s7, s2  }
0x1e: {  	s7 =	smul.u32 @!p0 $0xF7A, s2;
	p2 =	seq.s32 @!p0 s5, $0x0  }
0x1f: {  	s9 =	smul.u32 $0xF7A, s1;
	s8 =	simm.s32 @!p0 $0x1BF5;
	p2 =	por !p2, p0  }
0x20: {  	[sflag:s8] =	ssyncset.s32 @!p0 $0xFFFFF086;
	s6 =	sadd.s32 @!p0 s3, s7;
	s7 =	simm.s32 @!p0 $0x108  }
0x21: {  	s3 =	sadd.s32 s3, s9;
	s6 =	sadd.s32 @!p0 $0x88, s6;
	s7 =	simm.s32 @p2 $0x1082  }
0x22: {  	[simem:s7], [sflag:s8] =	dma.local @!p0 [hbm:s6], $0xF7A  }
0x23: {  	s9 =	sor.u32 $0xD0000000, s2;
	s6 =	simm.s32 $0x108;
	_ =	swait.ge @!p0 [sflag:s8], $0x0  }
0x24: {  	s3 =	sadd.s32 $0x88, s3;
	s6 =	simm.s32 @!p1 $0x1082;
	[sflag:s4] =	ssyncset.s32 $0xFFFFF086  }
0x25: {  	[simem:s6], [sflag:s4] =	dma.local [hbm:s3], $0xF7A  }
0x26: {  	[smem:$0x3F9D] =	sst s1;
	(tag) =	ssettag s2;
	_ =	strace s9  }
0x27: {  	s1 =	sld [smem:$0x3FAD]  }
0x28: {  	s2 =	sld [smem:$0x3FAE]  }
0x29: {  	s4 =	sld [smem:$0x3FB0]  }
0x2a: {  	p0 =	seq.s32 s5, $0x0;
	s5 =	sld [smem:$0x3FB1]  }
0x2b: {  	s6 =	sld [smem:$0x3FB2]  }
0x2c: {  	s7 =	sld [smem:$0x3FB3]  }
0x2d: {  	s3 =	simm.s32 $0x108;
	s8 =	sld [smem:$0x3FB4]  }
0x2e: {  	s3 =	simm.s32 @!p0 $0x1082;
	s9 =	sld [smem:$0x3FB5]  }
0x2f: {  	lr =	sadd.s32 s0, s3;
	s0 =	sld [smem:$0x3FAC]  }
0x30: {  	s3 =	sld [smem:$0x3FAF]  }
0x31: {  	[smem:$0x3FB8] =	sst s10  }
0x32: {  	s10 =	sld [smem:$0x3FB6];
	_ =	sdelay $0x3  }
0x33: {  	p0 =	seq.s32 s10, $0x1;
	s10 =	sld [smem:$0x3FB8];
	_ =	sdelay $0x3  }
0x34: {  	[smem:$0x3FB8] =	sst s10  }
0x35: {  	s10 =	sld [smem:$0x3FB7];
	_ =	sdelay $0x3  }
0x36: {  	p1 =	seq.s32 s10, $0x1;
	s10 =	sld [smem:$0x3FB8];
	_ =	sdelay $0x3  }
0x37: {  	[smem:$0x3FB8] =	sst s10  }
0x38: {  	s10 =	sld [smem:$0x3FB9]  }
0x39: {  	_ = 	snop;
	(pc) =	sbr.ind lr, $3  }
0x3a: {  	_ = 	snop  }
0x3b: {  	_ = 	snop  }
0x3c: {  	p2 =	seq.s32 s10, $0x1;
	s10 =	sld [smem:$0x3FB8]  }
0x3d: {  	_ =	shalt  }
0x3e: {  	_ =	shalt  }
0x3f: {  	_ =	shalt  }
0x40: {  	_ =	shalt  }
0x41: {  	_ =	shalt  }
0x42: {  	_ =	shalt  }
0x43: {  	_ =	shalt  }
0x44: {  	_ =	shalt  }
0x45: {  	_ =	shalt  }
0x46: {  	_ =	shalt  }
0x47: {  	_ =	shalt  }
0x48: {  	_ =	shalt  }
0x49: {  	_ =	shalt  }
0x4a: {  	_ =	shalt  }
0x4b: {  	_ =	shalt  }
0x4c: {  	_ =	shalt  }
0x4d: {  	_ =	shalt  }
0x4e: {  	_ =	shalt  }
0x4f: {  	_ =	shalt  }
0x50: {  	_ =	shalt  }
0x51: {  	_ =	shalt  }
0x52: {  	_ =	shalt  }
0x53: {  	_ =	shalt  }
0x54: {  	_ =	shalt  }
0x55: {  	_ =	shalt  }
0x56: {  	_ =	shalt  }
0x57: {  	_ =	shalt  }
0x58: {  	_ =	shalt  }
0x59: {  	_ =	shalt  }
0x5a: {  	_ =	shalt  }
0x5b: {  	_ =	shalt  }
0x5c: {  	_ =	shalt  }
0x5d: {  	_ =	shalt  }
0x5e: {  	_ =	shalt  }
0x5f: {  	_ =	shalt  }
0x60: {  	_ =	shalt  }
0x61: {  	_ =	shalt  }
0x62: {  	_ =	shalt  }
0x63: {  	_ =	shalt  }
0x64: {  	_ =	shalt  }
0x65: {  	_ =	shalt  }
0x66: {  	_ =	shalt  }
0x67: {  	_ =	shalt  }
0x68: {  	_ =	shalt  }
0x69: {  	_ =	shalt  }
0x6a: {  	_ =	shalt  }
0x6b: {  	_ =	shalt  }
0x6c: {  	_ =	shalt  }
0x6d: {  	_ =	shalt  }
0x6e: {  	_ =	shalt  }
0x6f: {  	_ =	shalt  }
0x70: {  	_ =	shalt  }
0x71: {  	_ =	shalt  }
0x72: {  	_ =	shalt  }
0x73: {  	_ =	shalt  }
0x74: {  	_ =	shalt  }
0x75: {  	_ =	shalt  }
0x76: {  	_ =	shalt  }
0x77: {  	_ =	shalt  }
0x78: {  	_ =	shalt  }
0x79: {  	_ =	shalt  }
0x7a: {  	_ =	shalt  }
0x7b: {  	_ =	shalt  }
0x7c: {  	_ =	shalt  }
0x7d: {  	_ =	shalt  }
0x7e: {  	_ =	shalt  }
0x7f: {  	_ =	shalt  }
0x80: {  	_ =	shalt  }
0x81: {  	_ =	shalt  }
0x82: {  	_ =	shalt  }
0x83: {  	_ =	shalt  }
0x84: {  	_ =	shalt  }
0x85: {  	_ =	shalt  }
0x86: {  	_ =	shalt  }
0x87: {  	_ =	shalt  }
.Lfunc_end0:
.L_simem_size_0:
called_computation.2_lowered:
.L_overlay_start_0:
0x88: {  	s2 =	sld [smem:$0x3FD9]  }
0x89: {  	s3 =	sld [smem:$0x3FFE];
	_ =	sdelay $0x1  }
0x8a: {  	s1 =	srdreg.scid  }
0x8b: {  	s0 =	sand.u32 $0x1, s1  }
0x8c: {  	s15 =	sshll.u32 s0, $0xA;
	s2 =	sadd.s32 s3, s2  }
0x8d: {  	s2 =	sadd.s32 s2, s15  }
0x8e: {  	[smem:$0x3FC4] =	sst s2  }
0x8f: {  	_ = 	snop  }
0x90: {  	s16 =	sld [smem:$0x3FD0];
	_ =	sdelay $0x2  }
0x91: {  	s4 =	simm.s32 $0xD;
	s5 =	simm.s32 $0x10;
	s2 =	sld [smem:$0x3FC6]  }
0x92: {  	[smem:s5], [sflag:s4] =	dma.local [hbm:s16], $0x1  }
0x93: {  	_ =	swait.eq [sflag:s4], $0x1  }
0x94: {  	[sflag:s4] =	ssyncset.done $0x0  }
0x95: {  	[sflag:s4] =	ssyncadd.s32 $0xFFFFFFFF  }
0x96: {  	s17 =	sld [smem:$0x15];
	(tm) =	ssettm $0x1  }
0x97: {  	s18 =	sld [smem:$0x3FFB];
	_ =	sdelay $0x3  }
0x98: {  	_ =	strace s18  }
0x99: {  	s3 =	sld [smem:$0x3FFC];
	_ =	sdelay $0x3  }
0x9a: {  	_ =	strace s3  }
0x9b: {  	s3 =	sld [smem:$0x3FFD];
	_ =	sdelay $0x3  }
0x9c: {  	_ =	strace s3  }
0x9d: {  	_ =	strace $0x8FFFFFFF  }
0x9e: {  	s19 =	sld [smem:$0x3FDB];
	_ =	sdelay $0x1  }
0x9f: {  	s20 =	simm.s32 $_scs_section_size  }
0xa0: {  	s6 =	simm.s32 $_size__tile_overlayer_lowered;
	s7 =	simm.s32 $_tile_overlayer_lowered  }
0xa1: {  	s8 =	simm.s32 $0x1BFF;
	s21 =	sshll.u32 s7, $0x1;
	s5 =	sadd.s32 s20, s19  }
0xa2: {  	s22 =	simm.s32 $0x0;
	s6 =	sshll.u32 s6, $0x1;
	s7 =	sadd.s32 s21, s5  }
0xa3: {  	[timem:s22], [sflag:s8] =	dma.local [hbm:s7], s6  }
0xa4: {  	_ =	swait.ge [sflag:s8], s6  }
0xa5: {  	s6 =	ssub.s32 $0x0, s6;
	[sflag:s8] =	ssyncset.done $0x0  }
0xa6: {  	[sflag:s8] =	ssyncadd.s32 s6;
	_ =	sdelay $0x1  }
0xa7: {  	s23 =	simm.s32 $0x1B8B  }
0xa8: {  	_ =	swait.ge [sflag:s23], $0x1  }
0xa9: {  	[sflag:s23] =	ssyncset.done $0x0  }
0xaa: {  	[sflag:s23] =	ssyncadd.s32 $0xFFFFFFFF  }
0xab: {  	s6 =	sld [smem:$0x0]  }
0xac: {  	s7 =	sand.u32 $0xFFFFFFFE, s1  }
0xad: {  	p0 =	sne.s32 s1, s7  }
0xae: {  	s7 =	sshll.u32 @p0 s7, $0xE  }
0xaf: {  	s7 =	sadd.s32 @p0 $0x11B8D, s7;
	s8 =	sshll.u32 @p0 s6, $0x11  }
0xb0: {  	s7 =	sor.u32 @p0 s8, s7  }
0xb1: {  	[sflag:s7] =	ssyncadd.remote.s32 @p0 $0x1;
	_ =	sdelay $0x1  }
0xb2: {  	s7 =	simm.s32 @p0 $0x1B8D  }
0xb3: {  	_ =	swait.eq @p0 [sflag:s7], $0x1  }
0xb4: {  	[sflag:s7] =	ssyncadd.s32 @p0 $0xFFFFFFFF  }
0xb5: {  	s8 =	sshll.u32 @!p0 s1, $0xE  }
0xb6: {  	s8 =	sor.u32 @!p0 $0x4000, s8;
	s7 =	simm.s32 @!p0 $0x1B8D  }
0xb7: {  	s6 =	sshll.u32 @!p0 s6, $0x11;
	s8 =	sadd.s32 @!p0 $0x11B8D, s8;
	_ =	swait.eq @!p0 [sflag:s7], $0x1  }
0xb8: {  	s6 =	sor.u32 @!p0 s6, s8;
	[sflag:s7] =	ssyncadd.s32 @!p0 $0xFFFFFFFF  }
0xb9: {  	s25 =	simm.s32 $0x1B8E;
	s24 =	sld [smem:$0x3FFE];
	[sflag:s6] =	ssyncadd.remote.s32 @!p0 $0x1  }
0xba: {  	s26 =	simm.s32 $execute0_lowered;
	[smem:$0x3FD2] =	sst s25  }
0xbb: {  	s7 =	sshll.u32 s26, $0x1;
	_ =	strace $0x80000052;
	[dreg:$0x1] =	wrdreg $0xFFFFFFFF  }
0xbc: {  	s28 =	simm.s32 $_size_execute0_lowered;
	s5 =	sadd.s32 s5, s7;
	[dreg:$0x0] =	wrdreg $0x0  }
0xbd: {  	s7 =	sshll.u32 s28, $0x1;
	[dreg:$0x2] =	wrdreg s5  }
0xbe: {  	[dreg:$0x3] =	wrdreg s7  }
0xbf: {  	[dreg:$0x4] =	wrdreg $0xC0  }
0xc0: {  	_ =	task [dreg:s22], $0x5FFFF  }
0xc1: {  	[dreg:$0x1] =	wrdreg $0xFFFFFFFF  }
0xc2: {  	[dreg:$0x0] =	wrdreg $0x60  }
0xc3: {  	[dreg:$0x2] =	wrdreg s2  }
0xc4: {  	[dreg:$0x3] =	wrdreg s24  }
0xc5: {  	[dreg:$0x4] =	wrdreg s17  }
0xc6: {  	[dreg:$0x5] =	wrdreg $0x9  }
0xc7: {  	_ =	task.clear_ibuf [dreg:s22], $0x6FFFF;
	_ =	strace $0x90000052  }
0xc8: {  	s29 =	simm.s32 $0x9;
	_ =	strace $0x80000054  }
0xc9: {  	_ =	swait.ge [sflag:s29], $0x1  }
0xca: {  	[sflag:s29] =	ssyncadd.s32 $0xFFFFFFFF  }
0xcb: {  	_ =	strace $0x90000054  }
0xcc: {  	_ =	sfence  }
0xcd: {  	s30 =	sld [smem:$0x0];
	_ =	sdelay $0x2  }
0xce: {  	s31 =	sshll.u32 s1, $0xD;
	s1 =	sshrl.u32 s1, $0x2  }
0xcf: {  	s4 =	sand.u32 $0x4000, s31;
	s1 =	sadd.s32 s1, s30  }
0xd0: {  	s0 =	sor.u32 s4, s0;
	s1 =	sshll.u32 s1, $0x11  }
0xd1: {  	s0 =	sor.u32 s1, s0  }
0xd2: {  	s0 =	sadd.s32 $0x8F2B, s0  }
0xd3: {  	[sflag:s0] =	ssyncadd.remote.s32 $0x1  }
0xd4: {  	_ =	sfence.sel $0xFFFF  }
0xd5: {  	[dreg:$0x0] =	wrdreg $0xFFFFFFFF;
	(pc) =	sbr.abs _section_cstart, $3  }
0xd6: {  	[dreg:$0x1] =	wrdreg $0xFFFFFFFF  }
0xd7: {  	_ =	task.clear_ibuf [dreg:s22], $0x2FFFF;
	_ =	strace $0x9FFFFFFF  }
0xd8: {  	(tm) =	ssettm $0x7FFFFFFF  }
0xd9: {  	_ =	shalt  }
tec
execute0_lowered:
.L_overlay_start_1:
0x0: {  	(tag) =	ssettag $0x1  }
0x1: {  	s2 =	rddreg [dreg:$0x0]  }
0x2: {  	s1 =	srdreg.scid;
	s5 =	rddreg [dreg:$0x1]  }
0x3: {  	s0 =	stileid.u32;
	s3 =	rddreg [dreg:$0x2]  }
0x4: {  	s9 =	simm.s32 $0x1;
	s10 =	simm.s32 $0x3;
	s1 =	sshll.u32 s1, $0x7  }
0x5: {  	s13 =	simm.s32 $0x0;
	s4 =	sshll.u32 s0, $0x8;
	s6 =	sand.u32 $0x80, s1  }
0x6: {  	s12 =	simm.s32 $0x0;
	s5 =	sadd.s32 $0x2FC00, s5;
	s4 =	sor.u32 s4, s6  }
0x7: {  	s1 =	rddreg [dreg:$0x3];
	_ =	strace $0x80000053;
	s8 =	ssub.s32 $0x7A180, s4  }
.Ltmp0:
0x8: {  	s6 =	simm.s32 $0x1;
	s7 =	sand.u32 $0xF80, s8;
	(pc) =	sbr.rel .LBB2_1-.Ltmp0, $4  }
0x9: {  	[sflag:s6] =	ssyncpa.u1 $0x0;
	s11 =	smov.u32 s4;
	p0 =	sne.s32 s7, $0x0  }
0xa: {  	s8 =	sshrl.u32 s8, $0xC;
	s7 =	simm.s32 $0x2;
	s9 =	simm.s32 @!p0 $0x0  }
0xb: {  	[sflag:s7] =	ssyncpa.u1 $0x0;
	p0 =	por $0x0, $0x0;
	s8 =	sadd.s32 s9, s8  }
0xc: {  	vm0 =	vmmov $0xffff;
	v0 =	vlaneseq.u32;
	[sflag:s10] =	ssyncpa.u1 $0x0;
	s10 =	simm.s32 $0x0;
	s9 =	sadd.s32 $0x1, s8  }
.LBB2_4:
0xd: {  	vm1 =	vgt.s32 v1, $0x0;
	s14 =	sadd.s32 $0xFFFFFFF0, s16  }
0xe: {  	v1 =	vnsel vm1, $0x0, v1;
	p1 =	sgt.s32 s14, $0x0  }
0xf: {  	v1 =	vmin.u32 v1, $0x7A11F;
	s14 =	simm.s32 @!p1 $0x0  }
0x10: {  	v2 =	vshll.u32 v1, $0x1;
	s14 =	smin.u32 s14, $0x10  }
0x11: {  	v1 =	vand.u32 $0x7F, v1;
	v2 =	vand.u32 $0xFFF00, v2;
	v3 =	vmov s14  }
0x12: {  	v1 =	vor.u32 v1, v2;
	vm1 =	vgt.u32 v3, v0  }
0x13: {  	v2 =	vnsel vm1, $0x7FFFFFFF, v1;
	_ =	sdelay $0x1  }
0x14: {  	v1 =	vor.u32 $0x80, v1  }
0x15: {  	(ifvalue) =	ssetifvalue $0x7FFFFFFF;
	v1 =	vnsel vm1, $0x7FFFFFFF, v1  }
0x16: {  	s29 =	sadd.s32 s18, s17;
	(ifvalue) =	ssetifvalue $0x7FFFFFFF  }
0x17: {  	[tilespmem:s29], [sflag:$0x1] =	stream.indirect_vreg.gather [hbm4b:s2+s10], $0x1, v2, vm0, $0x4038;
	[tilespmem:$0x300] =	vst v63  }
0x18: {  	(ifvalue) =	ssetifvalue $0x7FFFFFFF  }
0x19: {  	s30 =	sshll.u32 s13, $0x1;
	s14 =	sadd.s32 $0x80, s29;
	(ifvalue) =	ssetifvalue $0x7FFFFFFF  }
0x1a: {  	[tilespmem:s14], [sflag:$0x1] =	stream.indirect_vreg.gather [hbm4b:s2+s10], $0x1, v1, vm0, $0x4038;
	[tilespmem:$0x300] =	vst v63  }
0x1b: {  	s31 =	sand.u32 $0x78, s13;
	s14 =	sand.u32 $0xFFFFFF00, s30  }
0x1c: {  	_ =	swait.ge [sflag:s6], $0x100;
	s13 =	sor.u32 s31, s14  }
0x1d: {  	[sflag:s6] =	ssyncset.done $0x0;
	s13 =	sshrl.u32 s13, $0x3  }
0x1e: {  	[sflag:s6] =	ssyncadd.s32 $0xFFFFFF00;
	s13 =	sadd.s32 s3, s13  }
0x1f: {  	[hbm:s13] =	stream.linear.scatter [tilespmem:s15], [sflag:$0x3], $0x100, $0x38;
	[tilespmem:$0x300] =	vst v63  }
.LBB2_5:
0x20: {  	s15 =	sadd.s32 $0x1000, s11  }
0x21: {  	p2 =	sgt.s32 s15, $0x7A17F  }
0x22: {  	s15 =	smov.u32 @p2 s4;
	p2 =	sne.s32 s12, s9  }
.Ltmp1:
0x23: {  	p1 =	slt.u32 s12, $0x2;
	(pc) =	sbr.rel @!p2 .LBB2_6-.Ltmp1, $4  }
0x24: {  	s14 =	simm.s32 @!p1 $0x3  }
0x25: {  	s16 =	sadd.s32 $0x1, s12;
	_ =	swait.ge @!p1 [sflag:s14], $0x100  }
0x26: {  	s13 =	smov.u32 s11;
	p0 =	por !p0, !p0;
	[sflag:s14] =	ssyncset.done @!p1 $0x0  }
0x27: {  	s12 =	smov.u32 s16;
	s11 =	smov.u32 s15;
	[sflag:s14] =	ssyncadd.s32 @!p1 $0xFFFFFF00  }
.LBB2_1:
0x28: {  	p1 =	sge.u32 s12, s8  }
0x29: {  	s14 =	sxor.u32 @!p1 $0xFFFFFFFF, s12  }
0x2a: {  	s31 =	sadd.s32 $0xFFFFFFFF, s12;
	s15 =	sshrl.u32 @!p1 s11, $0x3;
	s14 =	sshll.u32 @!p1 s14, $0x7  }
0x2b: {  	s16 =	sand.u32 @!p1 $0x7, s11;
	s15 =	sadd.s32 @!p1 s5, s15;
	s14 =	sand.u32 @!p1 $0x80, s14  }
0x2c: {  	[tilespmem:s14], [sflag:$0x2] =	stream.linear.gather @!p1 [hbm4b:s15+s16], $0x80, $0x38;
	[tilespmem:$0x300] =	vst v63  }
0x2d: {  	p1 =	sge.u32 s31, s8  }
.Ltmp2:
0x2e: {  	_ = 	snop;
	(pc) =	sbr.rel @p1 .LBB2_5-.Ltmp2, $1  }
0x2f: {  	_ =	sdelay $0x3  }
0x30: {  	s15 =	simm.s32 $0x1  }
0x31: {  	_ =	swait.ge [sflag:s7], $0x80;
	s15 =	simm.s32 @!p0 $0x0  }
0x32: {  	[sflag:s7] =	ssyncset.done $0x0;
	s14 =	sshll.u32 s15, $0x7  }
0x33: {  	[sflag:s7] =	ssyncadd.s32 $0xFFFFFF80;
	s16 =	sadd.s32 $0x0, s14  }
0x34: {  	v1 =	vld.msk [tilespmem:s16+$0x0 ss:$0x1], $0xffff;
	_ =	sdelay $0x2  }
0x35: {  	s16 =	ssub.s32 $0x7A120, s13  }
0x36: {  	p1 =	slt.s32 s16, $0x80  }
0x37: {  	s16 =	simm.s32 @!p1 $0x80;
	vm1 =	vgt.s32 v1, $0x0  }
0x38: {  	p1 =	sgt.s32 s16, $0x0;
	s17 =	smov.u32 s16;
	v1 =	vnsel vm1, $0x0, v1  }
0x39: {  	s17 =	simm.s32 @!p1 $0x0;
	v1 =	vmin.u32 v1, $0x7A11F  }
0x3a: {  	s17 =	smin.u32 s17, $0x10;
	v2 =	vshll.u32 v1, $0x1  }
0x3b: {  	v3 =	vmov s17;
	v1 =	vand.u32 $0x7F, v1;
	v2 =	vand.u32 $0xFFF00, v2  }
0x3c: {  	vm1 =	vgt.u32 v3, v0;
	v1 =	vor.u32 v1, v2  }
0x3d: {  	v2 =	vnsel vm1, $0x7FFFFFFF, v1;
	_ =	sdelay $0x1  }
0x3e: {  	s15 =	sshll.u32 s15, $0x8;
	v1 =	vor.u32 $0x80, v1  }
0x3f: {  	(ifvalue) =	ssetifvalue $0x7FFFFFFF;
	s17 =	sadd.s32 $0x100, s15;
	v1 =	vnsel vm1, $0x7FFFFFFF, v1  }
0x40: {  	s18 =	sand.u32 $0x1, s12;
	(ifvalue) =	ssetifvalue $0x7FFFFFFF;
	s15 =	sadd.s32 $0x0, s17  }
0x41: {  	[tilespmem:s15], [sflag:$0x1] =	stream.indirect_vreg.gather [hbm4b:s2+s10], $0x1, v2, vm0, $0x4038;
	[tilespmem:$0x300] =	vst v63  }
0x42: {  	s31 =	sshll.u32 s18, $0x8;
	(ifvalue) =	ssetifvalue $0x7FFFFFFF  }
0x43: {  	s19 =	sadd.s32 $0x10, s14;
	s15 =	sadd.s32 $0x80, s15;
	(ifvalue) =	ssetifvalue $0x7FFFFFFF  }
0x44: {  	[tilespmem:s15], [sflag:$0x1] =	stream.indirect_vreg.gather [hbm4b:s2+s10], $0x1, v1, vm0, $0x4038;
	[tilespmem:$0x300] =	vst v63  }
0x45: {  	s18 =	simm.s32 $0x10;
	s15 =	sadd.s32 $0x100, s31;
	v1 =	vld.msk [tilespmem:s19+$0x0 ss:$0x1], $0xffff;
	s19 =	simm.s32 $0x80  }
.LBB2_3:
0x46: {  	p1 =	sne.s32 s19, $0x1C0;
	_ =	sdelay $0x4  }
0x47: {  	vm1 =	vgt.s32 v1, $0x0;
	s16 =	sadd.s32 $0xFFFFFFF0, s16  }
0x48: {  	v1 =	vnsel vm1, $0x0, v1;
	p2 =	sgt.s32 s16, $0x0;
	s20 =	smov.u32 s16  }
0x49: {  	v1 =	vmin.u32 v1, $0x7A11F;
	s20 =	simm.s32 @!p2 $0x0  }
0x4a: {  	v2 =	vshll.u32 v1, $0x1;
	s20 =	smin.u32 s20, $0x10  }
0x4b: {  	v1 =	vand.u32 $0x7F, v1;
	v2 =	vand.u32 $0xFFF00, v2;
	v3 =	vmov s20  }
0x4c: {  	v1 =	vor.u32 v1, v2;
	vm1 =	vgt.u32 v3, v0  }
0x4d: {  	v2 =	vnsel vm1, $0x7FFFFFFF, v1;
	_ =	sdelay $0x1  }
0x4e: {  	v1 =	vor.u32 $0x80, v1  }
0x4f: {  	v1 =	vnsel vm1, $0x7FFFFFFF, v1;
	(ifvalue) =	ssetifvalue $0x7FFFFFFF  }
0x50: {  	s20 =	sadd.s32 s18, s17;
	(ifvalue) =	ssetifvalue $0x7FFFFFFF  }
0x51: {  	[tilespmem:s20], [sflag:$0x1] =	stream.indirect_vreg.gather [hbm4b:s2+s10], $0x1, v2, vm0, $0x4038;
	[tilespmem:$0x300] =	vst v63  }
.Ltmp3:
0x52: {  	_ = 	snop;
	(pc) =	sbr.rel @p1 .LBB2_3-.Ltmp3, $4  }
0x53: {  	s18 =	sshra.s32 s19, $0x2;
	(ifvalue) =	ssetifvalue $0x7FFFFFFF  }
0x54: {  	s21 =	sadd.s32 s18, s14;
	s20 =	sadd.s32 $0x80, s20;
	(ifvalue) =	ssetifvalue $0x7FFFFFFF  }
0x55: {  	[tilespmem:s20], [sflag:$0x1] =	stream.indirect_vreg.gather [hbm4b:s2+s10], $0x1, v1, vm0, $0x4038;
	[tilespmem:$0x300] =	vst v63  }
0x56: {  	s19 =	sadd.s32 $0x40, s19;
	v1 =	vld.msk [tilespmem:s21+$0x0 ss:$0x1], $0xffff  }
.Ltmp4:
0x57: {  	_ = 	snop;
	(pc) =	sbr.rel .LBB2_4-.Ltmp4, $1  }
0x58: {  	_ =	sdelay $0x3  }
.LBB2_6:
0x59: {  	_ =	sfence.sel $0x180000  }
0x5a: {  	s2 =	simm.s32 $0x2;
	[bflag:$0x0] =	sbarrier.arrive $0xFFFF  }
0x5b: {  	s30 =	simm.s32 $0x3;
	[sflag:s2] =	ssyncpa.u1 $0x1  }
0x5c: {  	s31 =	simm.s32 $0x1;
	[sflag:s30] =	ssyncpa.u1 $0x1  }
0x5d: {  	[sflag:s31] =	ssyncpa.u1 $0x1  }
0x5e: {  	p0 =	sne.s32 s0, $0x0;
	_ =	strace $0x90000053  }
0x5f: {  	s0 =	sadd.s32 @!p0 $0x100000, s1;
	[bflag:$0x2] =	sbarrier.arrive $0xFFFF  }
0x60: {  	[sflag:s0] =	ssyncadd.tile.s32 @!p0 $0x1;
	_ =	shalt  }
.Lfunc_end2:
_tile_overlayer_lowered:
.L_overlay_start_2:
0x61: {  	(tag) =	ssettag $0x2  }
0x62: {  	s0 =	rddreg [dreg:$0x0];
	s2 =	stileid.u32  }
0x63: {  	s1 =	rddreg [dreg:$0x1];
	p0 =	sne.s32 s2, $0x0  }
0x64: {  	s3 =	rddreg [dreg:$0x2];
	[bflag:$0x3] =	sbarrier.arrive $0xFFFF;
	s2 =	simm.s32 @!p0 $0x1C01  }
0x65: {  	[timem:s3], [sflag:s2] =	dma.local @!p0 [hbm:s0], s1  }
0x66: {  	s0 =	simm.s32 @!p0 $0x1  }
0x67: {  	_ =	swait.ge @!p0 [sflag:s0], s1  }
0x68: {  	s1 =	ssub.s32 @!p0 $0x0, s1;
	[sflag:s0] =	ssyncset.done @!p0 $0x0  }
0x69: {  	[sflag:s0] =	ssyncadd.s32 @!p0 s1  }
0x6a: {  	[bflag:$0x3] =	sbarrier.arrive $0xFFFF  }
0x6b: {  	_ =	shalt  }

// kernel: gather_offload_async_start.2
scs
__scs_entry_jumppad:
0x0: {  	(pc) =	sbr.rel $0x88, $3  }
0x1: {  	(tag) =	ssettag $0x0;
	lr =	simm.s32 $0x1  }
0x2: {  	[smem:$0x3F9D] =	sst lr;
	_ =	strace $0xD0000000  }
0x3: {  	_ = 	snop  }
0x4: {  	_ = 	snop  }
0x5: {  	_ = 	snop  }
0x6: {  	_ = 	snop  }
0x7: {  	_ = 	snop  }
__scs_overlays_trampoline_lowered:
0x8: {  	[smem:$0x3FAC] =	sst s0  }
0x9: {  	[smem:$0x3FAD] =	sst s1  }
0xa: {  	[smem:$0x3FAE] =	sst s2  }
0xb: {  	[smem:$0x3FAF] =	sst s3  }
0xc: {  	[smem:$0x3FB0] =	sst s4  }
0xd: {  	[smem:$0x3FB1] =	sst s5  }
0xe: {  	[smem:$0x3FB2] =	sst s6  }
0xf: {  	[smem:$0x3FB3] =	sst s7  }
0x10: {  	[smem:$0x3FB4] =	sst s8  }
0x11: {  	[smem:$0x3FB5] =	sst s9;
	s0 =	simm.s32 @!p0 $0x0  }
0x12: {  	s1 =	sld [smem:$0x3F9B];
	s0 =	simm.s32 @p0 $0x1  }
0x13: {  	[smem:$0x3FB6] =	sst s0;
	s0 =	simm.s32 @!p1 $0x0  }
0x14: {  	s2 =	sld [smem:$0x3F9A];
	s0 =	simm.s32 @p1 $0x1  }
0x15: {  	[smem:$0x3FB7] =	sst s0;
	s0 =	simm.s32 @!p2 $0x0  }
0x16: {  	s3 =	sld [smem:$0x3FDB];
	s0 =	simm.s32 @p2 $0x1  }
0x17: {  	s4 =	simm.s32 $0x1BF5;
	[smem:$0x3FB9] =	sst s0  }
0x18: {  	s0 =	sld [smem:$0x3F9C];
	_ =	swait.ge [sflag:s4], $0x0  }
0x19: {  	s7 =	sld [smem:$0x3F9D]  }
0x1a: {  	s8 =	sadd.s32 $0xFFFFE003, lr  }
0x1b: {  	s9 =	sadd.s32 $0xFFFFFEF7, lr;
	s5 =	simm.s32 $0xFFFFFFFF;
	p2 =	slt.u32 s8, $0xFFFFF086  }
0x1c: {  	p1 =	slt.u32 s9, $0xF7A;
	s5 =	simm.s32 @!p2 $0x0  }
0x1d: {  	s5 =	simm.s32 @p1 $0x1;
	p0 =	seq.s32 s7, s2  }
0x1e: {  	s7 =	smul.u32 @!p0 $0xF7A, s2;
	p2 =	seq.s32 @!p0 s5, $0x0  }
0x1f: {  	s9 =	smul.u32 $0xF7A, s1;
	s8 =	simm.s32 @!p0 $0x1BF5;
	p2 =	por !p2, p0  }
0x20: {  	[sflag:s8] =	ssyncset.s32 @!p0 $0xFFFFF086;
	s6 =	sadd.s32 @!p0 s3, s7;
	s7 =	simm.s32 @!p0 $0x108  }
0x21: {  	s3 =	sadd.s32 s3, s9;
	s6 =	sadd.s32 @!p0 $0x88, s6;
	s7 =	simm.s32 @p2 $0x1082  }
0x22: {  	[simem:s7], [sflag:s8] =	dma.local @!p0 [hbm:s6], $0xF7A  }
0x23: {  	s9 =	sor.u32 $0xD0000000, s2;
	s6 =	simm.s32 $0x108;
	_ =	swait.ge @!p0 [sflag:s8], $0x0  }
0x24: {  	s3 =	sadd.s32 $0x88, s3;
	s6 =	simm.s32 @!p1 $0x1082;
	[sflag:s4] =	ssyncset.s32 $0xFFFFF086  }
0x25: {  	[simem:s6], [sflag:s4] =	dma.local [hbm:s3], $0xF7A  }
0x26: {  	[smem:$0x3F9D] =	sst s1;
	(tag) =	ssettag s2;
	_ =	strace s9  }
0x27: {  	s1 =	sld [smem:$0x3FAD]  }
0x28: {  	s2 =	sld [smem:$0x3FAE]  }
0x29: {  	s4 =	sld [smem:$0x3FB0]  }
0x2a: {  	p0 =	seq.s32 s5, $0x0;
	s5 =	sld [smem:$0x3FB1]  }
0x2b: {  	s6 =	sld [smem:$0x3FB2]  }
0x2c: {  	s7 =	sld [smem:$0x3FB3]  }
0x2d: {  	s3 =	simm.s32 $0x108;
	s8 =	sld [smem:$0x3FB4]  }
0x2e: {  	s3 =	simm.s32 @!p0 $0x1082;
	s9 =	sld [smem:$0x3FB5]  }
0x2f: {  	lr =	sadd.s32 s0, s3;
	s0 =	sld [smem:$0x3FAC]  }
0x30: {  	s3 =	sld [smem:$0x3FAF]  }
0x31: {  	[smem:$0x3FB8] =	sst s10  }
0x32: {  	s10 =	sld [smem:$0x3FB6];
	_ =	sdelay $0x3  }
0x33: {  	p0 =	seq.s32 s10, $0x1;
	s10 =	sld [smem:$0x3FB8];
	_ =	sdelay $0x3  }
0x34: {  	[smem:$0x3FB8] =	sst s10  }
0x35: {  	s10 =	sld [smem:$0x3FB7];
	_ =	sdelay $0x3  }
0x36: {  	p1 =	seq.s32 s10, $0x1;
	s10 =	sld [smem:$0x3FB8];
	_ =	sdelay $0x3  }
0x37: {  	[smem:$0x3FB8] =	sst s10  }
0x38: {  	s10 =	sld [smem:$0x3FB9]  }
0x39: {  	_ = 	snop;
	(pc) =	sbr.ind lr, $3  }
0x3a: {  	_ = 	snop  }
0x3b: {  	_ = 	snop  }
0x3c: {  	p2 =	seq.s32 s10, $0x1;
	s10 =	sld [smem:$0x3FB8]  }
0x3d: {  	_ =	shalt  }
0x3e: {  	_ =	shalt  }
0x3f: {  	_ =	shalt  }
0x40: {  	_ =	shalt  }
0x41: {  	_ =	shalt  }
0x42: {  	_ =	shalt  }
0x43: {  	_ =	shalt  }
0x44: {  	_ =	shalt  }
0x45: {  	_ =	shalt  }
0x46: {  	_ =	shalt  }
0x47: {  	_ =	shalt  }
0x48: {  	_ =	shalt  }
0x49: {  	_ =	shalt  }
0x4a: {  	_ =	shalt  }
0x4b: {  	_ =	shalt  }
0x4c: {  	_ =	shalt  }
0x4d: {  	_ =	shalt  }
0x4e: {  	_ =	shalt  }
0x4f: {  	_ =	shalt  }
0x50: {  	_ =	shalt  }
0x51: {  	_ =	shalt  }
0x52: {  	_ =	shalt  }
0x53: {  	_ =	shalt  }
0x54: {  	_ =	shalt  }
0x55: {  	_ =	shalt  }
0x56: {  	_ =	shalt  }
0x57: {  	_ =	shalt  }
0x58: {  	_ =	shalt  }
0x59: {  	_ =	shalt  }
0x5a: {  	_ =	shalt  }
0x5b: {  	_ =	shalt  }
0x5c: {  	_ =	shalt  }
0x5d: {  	_ =	shalt  }
0x5e: {  	_ =	shalt  }
0x5f: {  	_ =	shalt  }
0x60: {  	_ =	shalt  }
0x61: {  	_ =	shalt  }
0x62: {  	_ =	shalt  }
0x63: {  	_ =	shalt  }
0x64: {  	_ =	shalt  }
0x65: {  	_ =	shalt  }
0x66: {  	_ =	shalt  }
0x67: {  	_ =	shalt  }
0x68: {  	_ =	shalt  }
0x69: {  	_ =	shalt  }
0x6a: {  	_ =	shalt  }
0x6b: {  	_ =	shalt  }
0x6c: {  	_ =	shalt  }
0x6d: {  	_ =	shalt  }
0x6e: {  	_ =	shalt  }
0x6f: {  	_ =	shalt  }
0x70: {  	_ =	shalt  }
0x71: {  	_ =	shalt  }
0x72: {  	_ =	shalt  }
0x73: {  	_ =	shalt  }
0x74: {  	_ =	shalt  }
0x75: {  	_ =	shalt  }
0x76: {  	_ =	shalt  }
0x77: {  	_ =	shalt  }
0x78: {  	_ =	shalt  }
0x79: {  	_ =	shalt  }
0x7a: {  	_ =	shalt  }
0x7b: {  	_ =	shalt  }
0x7c: {  	_ =	shalt  }
0x7d: {  	_ =	shalt  }
0x7e: {  	_ =	shalt  }
0x7f: {  	_ =	shalt  }
0x80: {  	_ =	shalt  }
0x81: {  	_ =	shalt  }
0x82: {  	_ =	shalt  }
0x83: {  	_ =	shalt  }
0x84: {  	_ =	shalt  }
0x85: {  	_ =	shalt  }
0x86: {  	_ =	shalt  }
0x87: {  	_ =	shalt  }
.Lfunc_end0:
.L_simem_size_0:
called_computation.3_lowered:
.L_overlay_start_0:
0x88: {  	s2 =	sld [smem:$0x3FD9]  }
0x89: {  	s3 =	sld [smem:$0x3FFE];
	_ =	sdelay $0x1  }
0x8a: {  	s1 =	srdreg.scid  }
0x8b: {  	s0 =	sand.u32 $0x1, s1  }
0x8c: {  	s15 =	sshll.u32 s0, $0xA;
	s2 =	sadd.s32 s3, s2  }
0x8d: {  	s2 =	sadd.s32 s2, s15  }
0x8e: {  	[smem:$0x3FC4] =	sst s2  }
0x8f: {  	_ = 	snop  }
0x90: {  	s2 =	sld [smem:$0x3FD0];
	_ =	sdelay $0x2  }
0x91: {  	s16 =	simm.s32 $0xD;
	s4 =	simm.s32 $0x10  }
0x92: {  	[smem:s4], [sflag:s16] =	dma.local [hbm:s2], $0x1  }
0x93: {  	_ =	swait.eq [sflag:s16], $0x1  }
0x94: {  	[sflag:s16] =	ssyncset.done $0x0  }
0x95: {  	[sflag:s16] =	ssyncadd.s32 $0xFFFFFFFF  }
0x96: {  	s17 =	sld [smem:$0x17];
	(tm) =	ssettm $0x1  }
0x97: {  	s18 =	sld [smem:$0x3FFB];
	_ =	sdelay $0x3  }
0x98: {  	_ =	strace s18  }
0x99: {  	s2 =	sld [smem:$0x3FFC];
	_ =	sdelay $0x3  }
0x9a: {  	_ =	strace s2  }
0x9b: {  	s2 =	sld [smem:$0x3FFD];
	_ =	sdelay $0x3  }
0x9c: {  	_ =	strace s2  }
0x9d: {  	_ =	strace $0x8FFFFFFF  }
0x9e: {  	s19 =	sld [smem:$0x3FDB];
	_ =	sdelay $0x1  }
0x9f: {  	s20 =	simm.s32 $_scs_section_size  }
0xa0: {  	s5 =	simm.s32 $_size__tile_overlayer_lowered;
	s6 =	simm.s32 $_tile_overlayer_lowered  }
0xa1: {  	s7 =	simm.s32 $0x1BFF;
	s21 =	sshll.u32 s6, $0x1;
	s4 =	sadd.s32 s20, s19  }
0xa2: {  	s22 =	simm.s32 $0x0;
	s5 =	sshll.u32 s5, $0x1;
	s6 =	sadd.s32 s21, s4  }
0xa3: {  	[timem:s22], [sflag:s7] =	dma.local [hbm:s6], s5  }
0xa4: {  	_ =	swait.ge [sflag:s7], s5  }
0xa5: {  	s5 =	ssub.s32 $0x0, s5;
	[sflag:s7] =	ssyncset.done $0x0  }
0xa6: {  	[sflag:s7] =	ssyncadd.s32 s5;
	_ =	sdelay $0x1  }
0xa7: {  	s23 =	simm.s32 $0x1B8B  }
0xa8: {  	_ =	swait.ge [sflag:s23], $0x1  }
0xa9: {  	[sflag:s23] =	ssyncset.done $0x0  }
0xaa: {  	[sflag:s23] =	ssyncadd.s32 $0xFFFFFFFF  }
0xab: {  	s5 =	sld [smem:$0x0]  }
0xac: {  	s6 =	sand.u32 $0xFFFFFFFE, s1  }
0xad: {  	p0 =	sne.s32 s1, s6  }
0xae: {  	s6 =	sshll.u32 @p0 s6, $0xE  }
0xaf: {  	s6 =	sadd.s32 @p0 $0x11B8D, s6;
	s7 =	sshll.u32 @p0 s5, $0x11  }
0xb0: {  	s6 =	sor.u32 @p0 s7, s6  }
0xb1: {  	[sflag:s6] =	ssyncadd.remote.s32 @p0 $0x1;
	_ =	sdelay $0x1  }
0xb2: {  	s6 =	simm.s32 @p0 $0x1B8D  }
0xb3: {  	_ =	swait.eq @p0 [sflag:s6], $0x1  }
0xb4: {  	[sflag:s6] =	ssyncadd.s32 @p0 $0xFFFFFFFF  }
0xb5: {  	s7 =	sshll.u32 @!p0 s1, $0xE  }
0xb6: {  	s7 =	sor.u32 @!p0 $0x4000, s7;
	s6 =	simm.s32 @!p0 $0x1B8D  }
0xb7: {  	s5 =	sshll.u32 @!p0 s5, $0x11;
	s7 =	sadd.s32 @!p0 $0x11B8D, s7;
	_ =	swait.eq @!p0 [sflag:s6], $0x1  }
0xb8: {  	s5 =	sor.u32 @!p0 s5, s7;
	[sflag:s6] =	ssyncadd.s32 @!p0 $0xFFFFFFFF  }
0xb9: {  	s25 =	simm.s32 $0x1B8E;
	s24 =	sld [smem:$0x3FFE];
	[sflag:s5] =	ssyncadd.remote.s32 @!p0 $0x1  }
0xba: {  	s26 =	simm.s32 $execute0_lowered;
	[smem:$0x3FD2] =	sst s25  }
0xbb: {  	s6 =	sshll.u32 s26, $0x1;
	_ =	strace $0x8000004C;
	[dreg:$0x1] =	wrdreg $0xFFFFFFFF  }
0xbc: {  	s28 =	simm.s32 $_size_execute0_lowered;
	s4 =	sadd.s32 s4, s6;
	[dreg:$0x0] =	wrdreg $0x0  }
0xbd: {  	s6 =	sshll.u32 s28, $0x1;
	[dreg:$0x2] =	wrdreg s4  }
0xbe: {  	[dreg:$0x3] =	wrdreg s6  }
0xbf: {  	[dreg:$0x4] =	wrdreg $0xC0  }
0xc0: {  	_ =	task [dreg:s22], $0x5FFFF  }
0xc1: {  	[dreg:$0x1] =	wrdreg $0xFFFFFFFF  }
0xc2: {  	[dreg:$0x0] =	wrdreg $0x60  }
0xc3: {  	[dreg:$0x2] =	wrdreg s24  }
0xc4: {  	[dreg:$0x3] =	wrdreg s17  }
0xc5: {  	[dreg:$0x4] =	wrdreg $0xB  }
0xc6: {  	_ =	task.clear_ibuf [dreg:s22], $0x5FFFF;
	_ =	strace $0x9000004C  }
0xc7: {  	s29 =	simm.s32 $0xB;
	_ =	strace $0x8000004E  }
0xc8: {  	_ =	swait.ge [sflag:s29], $0x1  }
0xc9: {  	[sflag:s29] =	ssyncadd.s32 $0xFFFFFFFF  }
0xca: {  	_ =	strace $0x9000004E  }
0xcb: {  	_ =	sfence  }
0xcc: {  	s30 =	sld [smem:$0x0];
	_ =	sdelay $0x2  }
0xcd: {  	s31 =	sshll.u32 s1, $0xD;
	s1 =	sshrl.u32 s1, $0x2  }
0xce: {  	s4 =	sand.u32 $0x4000, s31;
	s1 =	sadd.s32 s1, s30  }
0xcf: {  	s0 =	sor.u32 s4, s0;
	s1 =	sshll.u32 s1, $0x11  }
0xd0: {  	s0 =	sor.u32 s1, s0  }
0xd1: {  	s0 =	sadd.s32 $0x8F2B, s0  }
0xd2: {  	[sflag:s0] =	ssyncadd.remote.s32 $0x1  }
0xd3: {  	_ =	sfence.sel $0xFFFF  }
0xd4: {  	[dreg:$0x0] =	wrdreg $0xFFFFFFFF;
	(pc) =	sbr.abs _section_cstart, $3  }
0xd5: {  	[dreg:$0x1] =	wrdreg $0xFFFFFFFF  }
0xd6: {  	_ =	task.clear_ibuf [dreg:s22], $0x2FFFF;
	_ =	strace $0x9FFFFFFF  }
0xd7: {  	(tm) =	ssettm $0x7FFFFFFF  }
tec
execute0_lowered:
.L_overlay_start_1:
0x0: {  	(tag) =	ssettag $0x1  }
0x1: {  	s8 =	rddreg [dreg:$0x0];
	s0 =	stileid.u32  }
0x2: {  	s1 =	srdreg.scid;
	s2 =	rddreg [dreg:$0x1]  }
0x3: {  	s5 =	simm.s32 $0x1;
	s9 =	simm.s32 $0x1;
	s10 =	simm.s32 $0x3  }
0x4: {  	s13 =	simm.s32 $0x0;
	s3 =	sand.u32 $0x1, s1;
	s4 =	sshll.u32 s0, $0x1  }
0x5: {  	s12 =	simm.s32 $0x0;
	s1 =	rddreg [dreg:$0x2];
	s6 =	sor.u32 s4, s3  }
0x6: {  	_ =	strace $0x8000004D;
	s3 =	sadd.s32 $0x11000, s8;
	s4 =	smul.u32 $0x2710, s6  }
0x7: {  	[sflag:s5] =	ssyncpa.u1 $0x0;
	p0 =	slt.u32 s6, $0x13;
	s6 =	simm.s32 $0x4E200  }
.Ltmp0:
0x8: {  	s6 =	simm.s32 @!p0 $0x0;
	s7 =	ssub.s32 $0x7A120, s4;
	(pc) =	sbr.rel .LBB2_1-.Ltmp0, $4  }
0x9: {  	s9 =	simm.s32 @!p0 $0x0;
	p0 =	sne.s32 s7, s6;
	s7 =	simm.s32 $0x1  }
0xa: {  	s8 =	sadd.s32 $0x20600, s8;
	s6 =	simm.s32 $0x2;
	s7 =	simm.s32 @!p0 $0x0  }
0xb: {  	s11 =	smov.u32 s4;
	[sflag:s6] =	ssyncpa.u1 $0x0;
	s7 =	sadd.s32 s9, s7  }
0xc: {  	vm0 =	vmmov $0xffff;
	[sflag:s10] =	ssyncpa.u1 $0x0;
	s10 =	simm.s32 $0x0;
	s9 =	sadd.s32 $0x1, s7  }
.LBB2_4:
0xd: {  	v2 =	vnsel vm1, $0x0, v2  }
0xe: {  	vm1 =	vgt.s32 v0, $0x0;
	v2 =	vmin.u32 v2, $0x7A7FF  }
0xf: {  	v0 =	vnsel vm1, $0x0, v0  }
0x10: {  	v0 =	vmin.u32 v0, $0x7A7FF  }
0x11: {  	[tilespmem:s18], [sflag:$0x1] =	stream.indirect_vreg.gather [hbm4b:s3+s10], $0x1, v1, vm0, $0x4038;
	[tilespmem:$0x9C40] =	vst v63  }
0x12: {  	(ifvalue) =	ssetifvalue $0x7FFFFFFF  }
0x13: {  	[tilespmem:s15], [sflag:$0x1] =	stream.indirect_vreg.gather [hbm4b:s3+s10], $0x1, v2, vm0, $0x4038;
	[tilespmem:$0x9C40] =	vst v63  }
0x14: {  	s29 =	sadd.s32 $0x10, s15;
	(ifvalue) =	ssetifvalue $0x7FFFFFFF  }
0x15: {  	[tilespmem:s29], [sflag:$0x1] =	stream.indirect_vreg.gather [hbm4b:s3+s10], $0x1, v0, vm0, $0x4038;
	[tilespmem:$0x9C40] =	vst v63  }
0x16: {  	_ =	swait.ge [sflag:s5], $0x2710  }
0x17: {  	s30 =	sshrl.u32 s13, $0x3;
	[sflag:s5] =	ssyncset.done $0x0  }
0x18: {  	s31 =	sand.u32 $0x7, s13;
	s15 =	sadd.s32 s2, s30;
	[sflag:s5] =	ssyncadd.s32 $0xFFFFD8F0  }
0x19: {  	[hbm4b:s15+s31] =	stream.linear.scatter [tilespmem:s14], [sflag:$0x3], $0x2710, $0x38;
	[tilespmem:$0x9C40] =	vst v63  }
.LBB2_5:
0x1a: {  	s15 =	sadd.s32 $0x4E200, s11  }
0x1b: {  	p1 =	sgt.s32 s15, $0x7A11F  }
0x1c: {  	s15 =	smov.u32 @p1 s4;
	p1 =	sne.s32 s12, s9  }
.Ltmp1:
0x1d: {  	p0 =	slt.u32 s12, $0x2;
	(pc) =	sbr.rel @!p1 .LBB2_6-.Ltmp1, $4  }
0x1e: {  	s14 =	simm.s32 @!p0 $0x3  }
0x1f: {  	_ =	swait.ge @!p0 [sflag:s14], $0x2710  }
0x20: {  	s16 =	sadd.s32 $0x1, s12;
	s13 =	smov.u32 s11;
	[sflag:s14] =	ssyncset.done @!p0 $0x0  }
0x21: {  	s12 =	smov.u32 s16;
	s11 =	smov.u32 s15;
	[sflag:s14] =	ssyncadd.s32 @!p0 $0xFFFFD8F0  }
.LBB2_1:
0x22: {  	p0 =	sge.u32 s12, s7  }
0x23: {  	s14 =	sxor.u32 @!p0 $0x1, s12  }
0x24: {  	s14 =	smul.u32 @!p0 $0x9C40, s14  }
0x25: {  	s31 =	sadd.s32 $0xFFFFFFFF, s12;
	s15 =	sshrl.u32 @!p0 s11, $0x3  }
0x26: {  	s16 =	sand.u32 @!p0 $0x7, s11;
	s15 =	sadd.s32 @!p0 s8, s15;
	s14 =	sshra.s32 @!p0 s14, $0x2  }
0x27: {  	[tilespmem:s14], [sflag:$0x2] =	stream.linear.gather @!p0 [hbm4b:s15+s16], $0x2710, $0x38;
	[tilespmem:$0x9C40] =	vst v63  }
0x28: {  	p0 =	sge.u32 s31, s7  }
.Ltmp2:
0x29: {  	_ = 	snop;
	(pc) =	sbr.rel @p0 .LBB2_5-.Ltmp2, $1  }
0x2a: {  	_ =	sdelay $0x3  }
0x2b: {  	s14 =	sand.u32 $0x1, s12  }
0x2c: {  	_ =	swait.ge [sflag:s6], $0x2710;
	p0 =	seq.s32 s14, $0x1;
	s14 =	simm.s32 $0x2710  }
0x2d: {  	[sflag:s6] =	ssyncset.done $0x0;
	s14 =	simm.s32 @!p0 $0x0  }
0x2e: {  	[sflag:s6] =	ssyncadd.s32 $0xFFFFD8F0;
	(ifvalue) =	ssetifvalue $0x7FFFFFFF;
	v0 =	vld.msk [tilespmem:s14+$0x0 ss:$0x1], $0xffff;
	_ =	sdelay $0x4  }
0x2f: {  	s15 =	sadd.s32 $0x10, s14;
	vm1 =	vgt.s32 v0, $0x0  }
0x30: {  	v2 =	vld.msk [tilespmem:s15+$0x0 ss:$0x1], $0xffff;
	v1 =	vnsel vm1, $0x0, v0  }
0x31: {  	v1 =	vmin.u32 v1, $0x7A7FF;
	_ =	sdelay $0x2  }
0x32: {  	s17 =	simm.s32 $0x20;
	s14 =	sadd.s32 $0x4E20, s14;
	s16 =	sadd.s32 $0x10, s15  }
0x33: {  	s15 =	sadd.s32 $0x10, s14;
	s18 =	smov.u32 s14;
	v0 =	vld.msk [tilespmem:s16+$0x0 ss:$0x1], $0xffff;
	vm1 =	vgt.s32 v2, $0x0;
	(ifvalue) =	ssetifvalue $0x7FFFFFFF  }
.LBB2_3:
0x34: {  	[tilespmem:s18], [sflag:$0x1] =	stream.indirect_vreg.gather [hbm4b:s3+s10], $0x1, v1, vm0, $0x4038;
	[tilespmem:$0x9C40] =	vst v63  }
0x35: {  	s17 =	sadd.s32 $0x10, s17  }
0x36: {  	v2 =	vnsel vm1, $0x0, v2;
	p0 =	slt.u32 s17, $0x2700  }
.Ltmp3:
0x37: {  	s18 =	smov.u32 s15;
	v1 =	vmin.u32 v2, $0x7A7FF;
	(pc) =	sbr.rel @p0 .LBB2_3-.Ltmp3, $3  }
0x38: {  	_ =	sdelay $0x1  }
0x39: {  	s16 =	sadd.s32 $0x10, s16  }
0x3a: {  	vm1 =	vgt.s32 v0, $0x0;
	s15 =	sadd.s32 $0x10, s15;
	v2 =	vmov v0;
	(ifvalue) =	ssetifvalue $0x7FFFFFFF;
	v0 =	vld.msk [tilespmem:s16+$0x0 ss:$0x1], $0xffff  }
.Ltmp4:
0x3b: {  	_ = 	snop;
	(pc) =	sbr.rel .LBB2_4-.Ltmp4, $1  }
0x3c: {  	_ =	sdelay $0x3  }
.LBB2_6:
0x3d: {  	_ =	sfence.sel $0x180000  }
0x3e: {  	s2 =	simm.s32 $0x2;
	[bflag:$0x0] =	sbarrier.arrive $0xFFFF  }
0x3f: {  	s30 =	simm.s32 $0x3;
	[sflag:s2] =	ssyncpa.u1 $0x1  }
0x40: {  	s31 =	simm.s32 $0x1;
	[sflag:s30] =	ssyncpa.u1 $0x1  }
0x41: {  	[sflag:s31] =	ssyncpa.u1 $0x1  }
0x42: {  	p0 =	sne.s32 s0, $0x0;
	_ =	strace $0x9000004D  }
0x43: {  	s0 =	sadd.s32 @!p0 $0x100000, s1;
	[bflag:$0x2] =	sbarrier.arrive $0xFFFF  }
0x44: {  	[sflag:s0] =	ssyncadd.tile.s32 @!p0 $0x1;
	_ =	shalt  }
.Lfunc_end2:
_tile_overlayer_lowered:
.L_overlay_start_2:
0x45: {  	(tag) =	ssettag $0x2  }
0x46: {  	s0 =	rddreg [dreg:$0x0];
	s2 =	stileid.u32  }
0x47: {  	s1 =	rddreg [dreg:$0x1];
	p0 =	sne.s32 s2, $0x0  }
0x48: {  	s3 =	rddreg [dreg:$0x2];
	[bflag:$0x3] =	sbarrier.arrive $0xFFFF;
	s2 =	simm.s32 @!p0 $0x1C01  }
0x49: {  	[timem:s3], [sflag:s2] =	dma.local @!p0 [hbm:s0], s1  }
0x4a: {  	s0 =	simm.s32 @!p0 $0x1  }
0x4b: {  	_ =	swait.ge @!p0 [sflag:s0], s1  }
0x4c: {  	s1 =	ssub.s32 @!p0 $0x0, s1;
	[sflag:s0] =	ssyncset.done @!p0 $0x0  }
0x4d: {  	[sflag:s0] =	ssyncadd.s32 @!p0 s1  }
0x4e: {  	[bflag:$0x3] =	sbarrier.arrive $0xFFFF  }
0x4f: {  	_ =	shalt  }

// kernel: gather_offload_async_start.3
scs
__scs_entry_jumppad:
0x0: {  	(pc) =	sbr.rel $0x88, $3  }
0x1: {  	(tag) =	ssettag $0x0;
	lr =	simm.s32 $0x1  }
0x2: {  	[smem:$0x3F9D] =	sst lr;
	_ =	strace $0xD0000000  }
0x3: {  	_ = 	snop  }
0x4: {  	_ = 	snop  }
0x5: {  	_ = 	snop  }
0x6: {  	_ = 	snop  }
0x7: {  	_ = 	snop  }
__scs_overlays_trampoline_lowered:
0x8: {  	[smem:$0x3FAC] =	sst s0  }
0x9: {  	[smem:$0x3FAD] =	sst s1  }
0xa: {  	[smem:$0x3FAE] =	sst s2  }
0xb: {  	[smem:$0x3FAF] =	sst s3  }
0xc: {  	[smem:$0x3FB0] =	sst s4  }
0xd: {  	[smem:$0x3FB1] =	sst s5  }
0xe: {  	[smem:$0x3FB2] =	sst s6  }
0xf: {  	[smem:$0x3FB3] =	sst s7  }
0x10: {  	[smem:$0x3FB4] =	sst s8  }
0x11: {  	[smem:$0x3FB5] =	sst s9;
	s0 =	simm.s32 @!p0 $0x0  }
0x12: {  	s1 =	sld [smem:$0x3F9B];
	s0 =	simm.s32 @p0 $0x1  }
0x13: {  	[smem:$0x3FB6] =	sst s0;
	s0 =	simm.s32 @!p1 $0x0  }
0x14: {  	s2 =	sld [smem:$0x3F9A];
	s0 =	simm.s32 @p1 $0x1  }
0x15: {  	[smem:$0x3FB7] =	sst s0;
	s0 =	simm.s32 @!p2 $0x0  }
0x16: {  	s3 =	sld [smem:$0x3FDB];
	s0 =	simm.s32 @p2 $0x1  }
0x17: {  	s4 =	simm.s32 $0x1BF5;
	[smem:$0x3FB9] =	sst s0  }
0x18: {  	s0 =	sld [smem:$0x3F9C];
	_ =	swait.ge [sflag:s4], $0x0  }
0x19: {  	s7 =	sld [smem:$0x3F9D]  }
0x1a: {  	s8 =	sadd.s32 $0xFFFFE003, lr  }
0x1b: {  	s9 =	sadd.s32 $0xFFFFFEF7, lr;
	s5 =	simm.s32 $0xFFFFFFFF;
	p2 =	slt.u32 s8, $0xFFFFF086  }
0x1c: {  	p1 =	slt.u32 s9, $0xF7A;
	s5 =	simm.s32 @!p2 $0x0  }
0x1d: {  	s5 =	simm.s32 @p1 $0x1;
	p0 =	seq.s32 s7, s2  }
0x1e: {  	s7 =	smul.u32 @!p0 $0xF7A, s2;
	p2 =	seq.s32 @!p0 s5, $0x0  }
0x1f: {  	s9 =	smul.u32 $0xF7A, s1;
	s8 =	simm.s32 @!p0 $0x1BF5;
	p2 =	por !p2, p0  }
0x20: {  	[sflag:s8] =	ssyncset.s32 @!p0 $0xFFFFF086;
	s6 =	sadd.s32 @!p0 s3, s7;
	s7 =	simm.s32 @!p0 $0x108  }
0x21: {  	s3 =	sadd.s32 s3, s9;
	s6 =	sadd.s32 @!p0 $0x88, s6;
	s7 =	simm.s32 @p2 $0x1082  }
0x22: {  	[simem:s7], [sflag:s8] =	dma.local @!p0 [hbm:s6], $0xF7A  }
0x23: {  	s9 =	sor.u32 $0xD0000000, s2;
	s6 =	simm.s32 $0x108;
	_ =	swait.ge @!p0 [sflag:s8], $0x0  }
0x24: {  	s3 =	sadd.s32 $0x88, s3;
	s6 =	simm.s32 @!p1 $0x1082;
	[sflag:s4] =	ssyncset.s32 $0xFFFFF086  }
0x25: {  	[simem:s6], [sflag:s4] =	dma.local [hbm:s3], $0xF7A  }
0x26: {  	[smem:$0x3F9D] =	sst s1;
	(tag) =	ssettag s2;
	_ =	strace s9  }
0x27: {  	s1 =	sld [smem:$0x3FAD]  }
0x28: {  	s2 =	sld [smem:$0x3FAE]  }
0x29: {  	s4 =	sld [smem:$0x3FB0]  }
0x2a: {  	p0 =	seq.s32 s5, $0x0;
	s5 =	sld [smem:$0x3FB1]  }
0x2b: {  	s6 =	sld [smem:$0x3FB2]  }
0x2c: {  	s7 =	sld [smem:$0x3FB3]  }
0x2d: {  	s3 =	simm.s32 $0x108;
	s8 =	sld [smem:$0x3FB4]  }
0x2e: {  	s3 =	simm.s32 @!p0 $0x1082;
	s9 =	sld [smem:$0x3FB5]  }
0x2f: {  	lr =	sadd.s32 s0, s3;
	s0 =	sld [smem:$0x3FAC]  }
0x30: {  	s3 =	sld [smem:$0x3FAF]  }
0x31: {  	[smem:$0x3FB8] =	sst s10  }
0x32: {  	s10 =	sld [smem:$0x3FB6];
	_ =	sdelay $0x3  }
0x33: {  	p0 =	seq.s32 s10, $0x1;
	s10 =	sld [smem:$0x3FB8];
	_ =	sdelay $0x3  }
0x34: {  	[smem:$0x3FB8] =	sst s10  }
0x35: {  	s10 =	sld [smem:$0x3FB7];
	_ =	sdelay $0x3  }
0x36: {  	p1 =	seq.s32 s10, $0x1;
	s10 =	sld [smem:$0x3FB8];
	_ =	sdelay $0x3  }
0x37: {  	[smem:$0x3FB8] =	sst s10  }
0x38: {  	s10 =	sld [smem:$0x3FB9]  }
0x39: {  	_ = 	snop;
	(pc) =	sbr.ind lr, $3  }
0x3a: {  	_ = 	snop  }
0x3b: {  	_ = 	snop  }
0x3c: {  	p2 =	seq.s32 s10, $0x1;
	s10 =	sld [smem:$0x3FB8]  }
0x3d: {  	_ =	shalt  }
0x3e: {  	_ =	shalt  }
0x3f: {  	_ =	shalt  }
0x40: {  	_ =	shalt  }
0x41: {  	_ =	shalt  }
0x42: {  	_ =	shalt  }
0x43: {  	_ =	shalt  }
0x44: {  	_ =	shalt  }
0x45: {  	_ =	shalt  }
0x46: {  	_ =	shalt  }
0x47: {  	_ =	shalt  }
0x48: {  	_ =	shalt  }
0x49: {  	_ =	shalt  }
0x4a: {  	_ =	shalt  }
0x4b: {  	_ =	shalt  }
0x4c: {  	_ =	shalt  }
0x4d: {  	_ =	shalt  }
0x4e: {  	_ =	shalt  }
0x4f: {  	_ =	shalt  }
0x50: {  	_ =	shalt  }
0x51: {  	_ =	shalt  }
0x52: {  	_ =	shalt  }
0x53: {  	_ =	shalt  }
0x54: {  	_ =	shalt  }
0x55: {  	_ =	shalt  }
0x56: {  	_ =	shalt  }
0x57: {  	_ =	shalt  }
0x58: {  	_ =	shalt  }
0x59: {  	_ =	shalt  }
0x5a: {  	_ =	shalt  }
0x5b: {  	_ =	shalt  }
0x5c: {  	_ =	shalt  }
0x5d: {  	_ =	shalt  }
0x5e: {  	_ =	shalt  }
0x5f: {  	_ =	shalt  }
0x60: {  	_ =	shalt  }
0x61: {  	_ =	shalt  }
0x62: {  	_ =	shalt  }
0x63: {  	_ =	shalt  }
0x64: {  	_ =	shalt  }
0x65: {  	_ =	shalt  }
0x66: {  	_ =	shalt  }
0x67: {  	_ =	shalt  }
0x68: {  	_ =	shalt  }
0x69: {  	_ =	shalt  }
0x6a: {  	_ =	shalt  }
0x6b: {  	_ =	shalt  }
0x6c: {  	_ =	shalt  }
0x6d: {  	_ =	shalt  }
0x6e: {  	_ =	shalt  }
0x6f: {  	_ =	shalt  }
0x70: {  	_ =	shalt  }
0x71: {  	_ =	shalt  }
0x72: {  	_ =	shalt  }
0x73: {  	_ =	shalt  }
0x74: {  	_ =	shalt  }
0x75: {  	_ =	shalt  }
0x76: {  	_ =	shalt  }
0x77: {  	_ =	shalt  }
0x78: {  	_ =	shalt  }
0x79: {  	_ =	shalt  }
0x7a: {  	_ =	shalt  }
0x7b: {  	_ =	shalt  }
0x7c: {  	_ =	shalt  }
0x7d: {  	_ =	shalt  }
0x7e: {  	_ =	shalt  }
0x7f: {  	_ =	shalt  }
0x80: {  	_ =	shalt  }
0x81: {  	_ =	shalt  }
0x82: {  	_ =	shalt  }
0x83: {  	_ =	shalt  }
0x84: {  	_ =	shalt  }
0x85: {  	_ =	shalt  }
0x86: {  	_ =	shalt  }
0x87: {  	_ =	shalt  }
.Lfunc_end0:
.L_simem_size_0:
called_computation.4_lowered:
.L_overlay_start_0:
0x88: {  	s2 =	sld [smem:$0x3FD9]  }
0x89: {  	s3 =	sld [smem:$0x3FFE];
	_ =	sdelay $0x1  }
0x8a: {  	s1 =	srdreg.scid  }
0x8b: {  	s0 =	sand.u32 $0x1, s1  }
0x8c: {  	s15 =	sshll.u32 s0, $0xA;
	s2 =	sadd.s32 s3, s2  }
0x8d: {  	s2 =	sadd.s32 s2, s15  }
0x8e: {  	[smem:$0x3FC4] =	sst s2  }
0x8f: {  	_ = 	snop  }
0x90: {  	s16 =	sld [smem:$0x3FD0];
	_ =	sdelay $0x2  }
0x91: {  	s4 =	simm.s32 $0xD  }
0x92: {  	s5 =	simm.s32 $0x10;
	s2 =	sld [smem:$0x3FC9];
	s3 =	sadd.s32 $0x1, s16  }
0x93: {  	[smem:s5], [sflag:s4] =	dma.local [hbm:s3], $0x1  }
0x94: {  	_ =	swait.eq [sflag:s4], $0x1  }
0x95: {  	[sflag:s4] =	ssyncset.done $0x0  }
0x96: {  	[sflag:s4] =	ssyncadd.s32 $0xFFFFFFFF  }
0x97: {  	s17 =	sld [smem:$0x10];
	(tm) =	ssettm $0x1  }
0x98: {  	s18 =	sld [smem:$0x3FFB];
	_ =	sdelay $0x3  }
0x99: {  	_ =	strace s18  }
0x9a: {  	s3 =	sld [smem:$0x3FFC];
	_ =	sdelay $0x3  }
0x9b: {  	_ =	strace s3  }
0x9c: {  	s3 =	sld [smem:$0x3FFD];
	_ =	sdelay $0x3  }
0x9d: {  	_ =	strace s3  }
0x9e: {  	_ =	strace $0x8FFFFFFF  }
0x9f: {  	s19 =	sld [smem:$0x3FDB];
	_ =	sdelay $0x1  }
0xa0: {  	s20 =	simm.s32 $_scs_section_size  }
0xa1: {  	s6 =	simm.s32 $_size__tile_overlayer_lowered;
	s7 =	simm.s32 $_tile_overlayer_lowered  }
0xa2: {  	s8 =	simm.s32 $0x1BFF;
	s21 =	sshll.u32 s7, $0x1;
	s5 =	sadd.s32 s20, s19  }
0xa3: {  	s22 =	simm.s32 $0x0;
	s6 =	sshll.u32 s6, $0x1;
	s7 =	sadd.s32 s21, s5  }
0xa4: {  	[timem:s22], [sflag:s8] =	dma.local [hbm:s7], s6  }
0xa5: {  	_ =	swait.ge [sflag:s8], s6  }
0xa6: {  	s6 =	ssub.s32 $0x0, s6;
	[sflag:s8] =	ssyncset.done $0x0  }
0xa7: {  	[sflag:s8] =	ssyncadd.s32 s6;
	_ =	sdelay $0x1  }
0xa8: {  	s23 =	simm.s32 $0x1B8B  }
0xa9: {  	_ =	swait.ge [sflag:s23], $0x1  }
0xaa: {  	[sflag:s23] =	ssyncset.done $0x0  }
0xab: {  	[sflag:s23] =	ssyncadd.s32 $0xFFFFFFFF  }
0xac: {  	s6 =	sld [smem:$0x0]  }
0xad: {  	s7 =	sand.u32 $0xFFFFFFFE, s1  }
0xae: {  	p0 =	sne.s32 s1, s7  }
0xaf: {  	s7 =	sshll.u32 @p0 s7, $0xE  }
0xb0: {  	s7 =	sadd.s32 @p0 $0x11B8D, s7;
	s8 =	sshll.u32 @p0 s6, $0x11  }
0xb1: {  	s7 =	sor.u32 @p0 s8, s7  }
0xb2: {  	[sflag:s7] =	ssyncadd.remote.s32 @p0 $0x1;
	_ =	sdelay $0x1  }
0xb3: {  	s7 =	simm.s32 @p0 $0x1B8D  }
0xb4: {  	_ =	swait.eq @p0 [sflag:s7], $0x1  }
0xb5: {  	[sflag:s7] =	ssyncadd.s32 @p0 $0xFFFFFFFF  }
0xb6: {  	s8 =	sshll.u32 @!p0 s1, $0xE  }
0xb7: {  	s8 =	sor.u32 @!p0 $0x4000, s8;
	s7 =	simm.s32 @!p0 $0x1B8D  }
0xb8: {  	s6 =	sshll.u32 @!p0 s6, $0x11;
	s8 =	sadd.s32 @!p0 $0x11B8D, s8;
	_ =	swait.eq @!p0 [sflag:s7], $0x1  }
0xb9: {  	s6 =	sor.u32 @!p0 s6, s8;
	[sflag:s7] =	ssyncadd.s32 @!p0 $0xFFFFFFFF  }
0xba: {  	s25 =	simm.s32 $0x1B8E;
	s24 =	sld [smem:$0x3FFE];
	[sflag:s6] =	ssyncadd.remote.s32 @!p0 $0x1  }
0xbb: {  	s26 =	simm.s32 $execute0_lowered;
	[smem:$0x3FD2] =	sst s25  }
0xbc: {  	s7 =	sshll.u32 s26, $0x1;
	_ =	strace $0x8000004F;
	[dreg:$0x1] =	wrdreg $0xFFFFFFFF  }
0xbd: {  	s28 =	simm.s32 $_size_execute0_lowered;
	s5 =	sadd.s32 s5, s7;
	[dreg:$0x0] =	wrdreg $0x0  }
0xbe: {  	s7 =	sshll.u32 s28, $0x1;
	[dreg:$0x2] =	wrdreg s5  }
0xbf: {  	[dreg:$0x3] =	wrdreg s7  }
0xc0: {  	[dreg:$0x4] =	wrdreg $0xC0  }
0xc1: {  	_ =	task [dreg:s22], $0x5FFFF  }
0xc2: {  	[dreg:$0x1] =	wrdreg $0xFFFFFFFF  }
0xc3: {  	[dreg:$0x0] =	wrdreg $0x60  }
0xc4: {  	[dreg:$0x2] =	wrdreg s2  }
0xc5: {  	[dreg:$0x3] =	wrdreg s24  }
0xc6: {  	[dreg:$0x4] =	wrdreg s17  }
0xc7: {  	[dreg:$0x5] =	wrdreg $0xC  }
0xc8: {  	_ =	task.clear_ibuf [dreg:s22], $0x6FFFF;
	_ =	strace $0x9000004F  }
0xc9: {  	s29 =	simm.s32 $0xC;
	_ =	strace $0x80000051  }
0xca: {  	_ =	swait.ge [sflag:s29], $0x1  }
0xcb: {  	[sflag:s29] =	ssyncadd.s32 $0xFFFFFFFF  }
0xcc: {  	_ =	strace $0x90000051  }
0xcd: {  	_ =	sfence  }
0xce: {  	s30 =	sld [smem:$0x0];
	_ =	sdelay $0x2  }
0xcf: {  	s31 =	sshll.u32 s1, $0xD;
	s1 =	sshrl.u32 s1, $0x2  }
0xd0: {  	s4 =	sand.u32 $0x4000, s31;
	s1 =	sadd.s32 s1, s30  }
0xd1: {  	s0 =	sor.u32 s4, s0;
	s1 =	sshll.u32 s1, $0x11  }
0xd2: {  	s0 =	sor.u32 s1, s0  }
0xd3: {  	s0 =	sadd.s32 $0x8F2B, s0  }
0xd4: {  	[sflag:s0] =	ssyncadd.remote.s32 $0x1  }
0xd5: {  	_ =	sfence.sel $0xFFFF  }
0xd6: {  	[dreg:$0x0] =	wrdreg $0xFFFFFFFF;
	(pc) =	sbr.abs _section_cstart, $3  }
0xd7: {  	[dreg:$0x1] =	wrdreg $0xFFFFFFFF  }
0xd8: {  	_ =	task.clear_ibuf [dreg:s22], $0x2FFFF;
	_ =	strace $0x9FFFFFFF  }
0xd9: {  	(tm) =	ssettm $0x7FFFFFFF  }
tec
execute0_lowered:
.L_overlay_start_1:
0x0: {  	(tag) =	ssettag $0x1  }
0x1: {  	s2 =	rddreg [dreg:$0x0]  }
0x2: {  	s7 =	rddreg [dreg:$0x1];
	s0 =	srdreg.scid  }
0x3: {  	s3 =	rddreg [dreg:$0x2];
	s1 =	stileid.u32  }
0x4: {  	s10 =	simm.s32 $0x3;
	s11 =	simm.s32 $0x1;
	s16 =	simm.s32 $0x0  }
0x5: {  	s19 =	simm.s32 $0x0;
	s18 =	simm.s32 $0x0;
	s4 =	sshll.u32 s0, $0x7  }
0x6: {  	s0 =	rddreg [dreg:$0x3];
	s5 =	sshll.u32 s1, $0x8;
	_ =	strace $0x80000050  }
0x7: {  	s7 =	sadd.s32 $0x2FC00, s7;
	s13 =	sadd.s32 $0x262780, s3;
	s6 =	sand.u32 $0x80, s4  }
0x8: {  	s14 =	sadd.s32 $0x2DC900, s3;
	s4 =	simm.s32 $0x1;
	s5 =	sor.u32 s5, s6  }
0x9: {  	[sflag:s4] =	ssyncpa.u1 $0x0;
	s6 =	simm.s32 $0x2;
	s8 =	ssub.s32 $0x7A180, s5  }
.Ltmp0:
0xa: {  	[sflag:s6] =	ssyncpa.u1 $0x0;
	s9 =	sand.u32 $0xF80, s8;
	(pc) =	sbr.rel .LBB2_1-.Ltmp0, $4  }
0xb: {  	s17 =	smov.u32 s5;
	[sflag:s10] =	ssyncpa.u1 $0x0;
	p0 =	sne.s32 s9, $0x0  }
0xc: {  	s12 =	sshrl.u32 s8, $0xC;
	s8 =	sadd.s32 $0x7A180, s3;
	s11 =	simm.s32 @!p0 $0x0  }
0xd: {  	s10 =	sadd.s32 $0x16E480, s3;
	s9 =	sadd.s32 $0xF4300, s3;
	s11 =	sadd.s32 s11, s12  }
0xe: {  	vm0 =	vmmov $0xffff;
	v0 =	vlaneseq.u32;
	p0 =	por $0x0, $0x0;
	s12 =	sadd.s32 $0x1E8600, s3;
	s15 =	sadd.s32 $0x1, s11  }
.LBB2_4:
0xf: {  	_ =	sdelay $0x3  }
0x10: {  	[tilespmem:s24], [sflag:$0x1] =	stream.indirect_vreg.gather [hbm4b:s2+s16], $0x1, v1, vm0, $0x4038;
	[tilespmem:$0x3900] =	vst v63  }
0x11: {  	v1 =	vld.msk [tilespmem:s28+$0x0 ss:$0x1], $0xffff;
	_ =	sdelay $0x4  }
0x12: {  	vm1 =	vgt.s32 v1, $0x0  }
0x13: {  	p1 =	sgt.s32 s22, $0x0;
	v1 =	vnsel vm1, $0x0, v1  }
0x14: {  	s22 =	simm.s32 @!p1 $0x0;
	v1 =	vmin.u32 v1, $0x7A11F  }
0x15: {  	s22 =	smin.u32 s22, $0x10;
	v2 =	vshll.u32 v1, $0x3  }
0x16: {  	v3 =	vmov s22;
	v1 =	vand.u32 $0x7F, v1;
	v2 =	vand.u32 $0x3FFC00, v2  }
0x17: {  	vm1 =	vgt.u32 v3, v0;
	v1 =	vor.u32 v1, v2  }
0x18: {  	v2 =	vnsel vm1, $0x7FFFFFFF, v1;
	_ =	sdelay $0x1  }
0x19: {  	v3 =	vor.u32 $0x80, v1  }
0x1a: {  	(ifvalue) =	ssetifvalue $0x7FFFFFFF;
	s29 =	rddreg [dreg:$0x5];
	v3 =	vnsel vm1, $0x7FFFFFFF, v3  }
0x1b: {  	(ifvalue) =	ssetifvalue $0x7FFFFFFF;
	s22 =	sadd.s32 s26, s29  }
0x1c: {  	v4 =	vor.u32 $0x100, v1;
	[tilespmem:s22], [sflag:$0x1] =	stream.indirect_vreg.gather [hbm4b:s2+s16], $0x1, v2, vm0, $0x4038;
	[tilespmem:$0x3900] =	vst v63  }
0x1d: {  	(ifvalue) =	ssetifvalue $0x7FFFFFFF;
	v2 =	vnsel vm1, $0x7FFFFFFF, v4  }
0x1e: {  	s23 =	sadd.s32 $0x80, s22;
	(ifvalue) =	ssetifvalue $0x7FFFFFFF  }
0x1f: {  	v12 =	vor.u32 $0x180, v1;
	[tilespmem:s23], [sflag:$0x1] =	stream.indirect_vreg.gather [hbm4b:s2+s16], $0x1, v3, vm0, $0x4038;
	[tilespmem:$0x3900] =	vst v63  }
0x20: {  	v3 =	vnsel vm1, $0x7FFFFFFF, v12;
	(ifvalue) =	ssetifvalue $0x7FFFFFFF  }
0x21: {  	s30 =	sadd.s32 $0x100, s22;
	(ifvalue) =	ssetifvalue $0x7FFFFFFF  }
0x22: {  	v13 =	vor.u32 $0x200, v1;
	[tilespmem:s30], [sflag:$0x1] =	stream.indirect_vreg.gather [hbm4b:s2+s16], $0x1, v2, vm0, $0x4038;
	[tilespmem:$0x3900] =	vst v63  }
0x23: {  	(ifvalue) =	ssetifvalue $0x7FFFFFFF;
	v2 =	vnsel vm1, $0x7FFFFFFF, v13  }
0x24: {  	s31 =	sadd.s32 $0x180, s22;
	(ifvalue) =	ssetifvalue $0x7FFFFFFF  }
0x25: {  	v14 =	vor.u32 $0x280, v1;
	[tilespmem:s31], [sflag:$0x1] =	stream.indirect_vreg.gather [hbm4b:s2+s16], $0x1, v3, vm0, $0x4038;
	[tilespmem:$0x3900] =	vst v63  }
0x26: {  	v3 =	vnsel vm1, $0x7FFFFFFF, v14;
	(ifvalue) =	ssetifvalue $0x7FFFFFFF  }
0x27: {  	s24 =	sadd.s32 $0x200, s22;
	(ifvalue) =	ssetifvalue $0x7FFFFFFF  }
0x28: {  	v15 =	vor.u32 $0x300, v1;
	[tilespmem:s24], [sflag:$0x1] =	stream.indirect_vreg.gather [hbm4b:s2+s16], $0x1, v2, vm0, $0x4038;
	[tilespmem:$0x3900] =	vst v63  }
0x29: {  	(ifvalue) =	ssetifvalue $0x7FFFFFFF;
	v2 =	vnsel vm1, $0x7FFFFFFF, v15  }
0x2a: {  	s25 =	sadd.s32 $0x280, s22;
	(ifvalue) =	ssetifvalue $0x7FFFFFFF  }
0x2b: {  	v16 =	vor.u32 $0x380, v1;
	[tilespmem:s25], [sflag:$0x1] =	stream.indirect_vreg.gather [hbm4b:s2+s16], $0x1, v3, vm0, $0x4038;
	[tilespmem:$0x3900] =	vst v63  }
0x2c: {  	v3 =	vnsel vm1, $0x7FFFFFFF, v16;
	(ifvalue) =	ssetifvalue $0x7FFFFFFF  }
0x2d: {  	s26 =	sadd.s32 $0x300, s22;
	(ifvalue) =	ssetifvalue $0x7FFFFFFF  }
0x2e: {  	v17 =	vadd.s32 $0x3D0C00, v1;
	[tilespmem:s26], [sflag:$0x1] =	stream.indirect_vreg.gather [hbm4b:s2+s16], $0x1, v2, vm0, $0x4038;
	[tilespmem:$0x3900] =	vst v63  }
0x2f: {  	(ifvalue) =	ssetifvalue $0x7FFFFFFF;
	v2 =	vnsel vm1, $0x7FFFFFFF, v17  }
0x30: {  	s28 =	sadd.s32 $0x380, s22;
	(ifvalue) =	ssetifvalue $0x7FFFFFFF  }
0x31: {  	v18 =	vadd.s32 $0x3D0C80, v1;
	[tilespmem:s28], [sflag:$0x1] =	stream.indirect_vreg.gather [hbm4b:s2+s16], $0x1, v3, vm0, $0x4038;
	[tilespmem:$0x3900] =	vst v63  }
0x32: {  	v3 =	vnsel vm1, $0x7FFFFFFF, v18;
	(ifvalue) =	ssetifvalue $0x7FFFFFFF  }
0x33: {  	s29 =	sadd.s32 $0x400, s22;
	(ifvalue) =	ssetifvalue $0x7FFFFFFF  }
0x34: {  	v19 =	vadd.s32 $0x3D0D00, v1;
	[tilespmem:s29], [sflag:$0x1] =	stream.indirect_vreg.gather [hbm4b:s2+s16], $0x1, v2, vm0, $0x4038;
	[tilespmem:$0x3900] =	vst v63  }
0x35: {  	(ifvalue) =	ssetifvalue $0x7FFFFFFF;
	v2 =	vnsel vm1, $0x7FFFFFFF, v19  }
0x36: {  	s30 =	sadd.s32 $0x480, s22;
	(ifvalue) =	ssetifvalue $0x7FFFFFFF  }
0x37: {  	v20 =	vadd.s32 $0x3D0D80, v1;
	[tilespmem:s30], [sflag:$0x1] =	stream.indirect_vreg.gather [hbm4b:s2+s16], $0x1, v3, vm0, $0x4038;
	[tilespmem:$0x3900] =	vst v63  }
0x38: {  	v3 =	vnsel vm1, $0x7FFFFFFF, v20;
	(ifvalue) =	ssetifvalue $0x7FFFFFFF  }
0x39: {  	s31 =	sadd.s32 $0x500, s22;
	(ifvalue) =	ssetifvalue $0x7FFFFFFF  }
0x3a: {  	v21 =	vadd.s32 $0x3D0E00, v1;
	[tilespmem:s31], [sflag:$0x1] =	stream.indirect_vreg.gather [hbm4b:s2+s16], $0x1, v2, vm0, $0x4038;
	[tilespmem:$0x3900] =	vst v63  }
0x3b: {  	(ifvalue) =	ssetifvalue $0x7FFFFFFF;
	v2 =	vnsel vm1, $0x7FFFFFFF, v21  }
0x3c: {  	s24 =	sadd.s32 $0x580, s22;
	(ifvalue) =	ssetifvalue $0x7FFFFFFF  }
0x3d: {  	v22 =	vadd.s32 $0x3D0E80, v1;
	[tilespmem:s24], [sflag:$0x1] =	stream.indirect_vreg.gather [hbm4b:s2+s16], $0x1, v3, vm0, $0x4038;
	[tilespmem:$0x3900] =	vst v63  }
0x3e: {  	v3 =	vnsel vm1, $0x7FFFFFFF, v22;
	(ifvalue) =	ssetifvalue $0x7FFFFFFF  }
0x3f: {  	s25 =	sadd.s32 $0x600, s22;
	(ifvalue) =	ssetifvalue $0x7FFFFFFF  }
0x40: {  	v23 =	vadd.s32 $0x3D0F00, v1;
	[tilespmem:s25], [sflag:$0x1] =	stream.indirect_vreg.gather [hbm4b:s2+s16], $0x1, v2, vm0, $0x4038;
	[tilespmem:$0x3900] =	vst v63  }
0x41: {  	(ifvalue) =	ssetifvalue $0x7FFFFFFF;
	v2 =	vnsel vm1, $0x7FFFFFFF, v23  }
0x42: {  	s26 =	sadd.s32 $0x680, s22;
	(ifvalue) =	ssetifvalue $0x7FFFFFFF  }
0x43: {  	v24 =	vadd.s32 $0x3D0F80, v1;
	[tilespmem:s26], [sflag:$0x1] =	stream.indirect_vreg.gather [hbm4b:s2+s16], $0x1, v3, vm0, $0x4038;
	[tilespmem:$0x3900] =	vst v63  }
0x44: {  	v3 =	vnsel vm1, $0x7FFFFFFF, v24;
	(ifvalue) =	ssetifvalue $0x7FFFFFFF  }
0x45: {  	s28 =	sadd.s32 $0x700, s22;
	(ifvalue) =	ssetifvalue $0x7FFFFFFF  }
0x46: {  	v25 =	vadd.s32 $0x7A1800, v1;
	[tilespmem:s28], [sflag:$0x1] =	stream.indirect_vreg.gather [hbm4b:s2+s16], $0x1, v2, vm0, $0x4038;
	[tilespmem:$0x3900] =	vst v63  }
0x47: {  	(ifvalue) =	ssetifvalue $0x7FFFFFFF;
	v2 =	vnsel vm1, $0x7FFFFFFF, v25  }
0x48: {  	s29 =	sadd.s32 $0x780, s22;
	(ifvalue) =	ssetifvalue $0x7FFFFFFF  }
0x49: {  	v26 =	vadd.s32 $0x7A1880, v1;
	[tilespmem:s29], [sflag:$0x1] =	stream.indirect_vreg.gather [hbm4b:s2+s16], $0x1, v3, vm0, $0x4038;
	[tilespmem:$0x3900] =	vst v63  }
0x4a: {  	v3 =	vnsel vm1, $0x7FFFFFFF, v26;
	(ifvalue) =	ssetifvalue $0x7FFFFFFF  }
0x4b: {  	s30 =	sadd.s32 $0x800, s22;
	(ifvalue) =	ssetifvalue $0x7FFFFFFF  }
0x4c: {  	v27 =	vadd.s32 $0x7A1900, v1;
	[tilespmem:s30], [sflag:$0x1] =	stream.indirect_vreg.gather [hbm4b:s2+s16], $0x1, v2, vm0, $0x4038;
	[tilespmem:$0x3900] =	vst v63  }
0x4d: {  	(ifvalue) =	ssetifvalue $0x7FFFFFFF;
	v2 =	vnsel vm1, $0x7FFFFFFF, v27  }
0x4e: {  	s31 =	sadd.s32 $0x880, s22;
	(ifvalue) =	ssetifvalue $0x7FFFFFFF  }
0x4f: {  	v28 =	vadd.s32 $0x7A1980, v1;
	[tilespmem:s31], [sflag:$0x1] =	stream.indirect_vreg.gather [hbm4b:s2+s16], $0x1, v3, vm0, $0x4038;
	[tilespmem:$0x3900] =	vst v63  }
0x50: {  	v3 =	vnsel vm1, $0x7FFFFFFF, v28;
	(ifvalue) =	ssetifvalue $0x7FFFFFFF  }
0x51: {  	s24 =	sadd.s32 $0x900, s22;
	(ifvalue) =	ssetifvalue $0x7FFFFFFF  }
0x52: {  	v29 =	vadd.s32 $0x7A1A00, v1;
	[tilespmem:s24], [sflag:$0x1] =	stream.indirect_vreg.gather [hbm4b:s2+s16], $0x1, v2, vm0, $0x4038;
	[tilespmem:$0x3900] =	vst v63  }
0x53: {  	(ifvalue) =	ssetifvalue $0x7FFFFFFF;
	v2 =	vnsel vm1, $0x7FFFFFFF, v29  }
0x54: {  	s25 =	sadd.s32 $0x980, s22;
	(ifvalue) =	ssetifvalue $0x7FFFFFFF  }
0x55: {  	v30 =	vadd.s32 $0x7A1A80, v1;
	[tilespmem:s25], [sflag:$0x1] =	stream.indirect_vreg.gather [hbm4b:s2+s16], $0x1, v3, vm0, $0x4038;
	[tilespmem:$0x3900] =	vst v63  }
0x56: {  	v3 =	vnsel vm1, $0x7FFFFFFF, v30;
	(ifvalue) =	ssetifvalue $0x7FFFFFFF  }
0x57: {  	s26 =	sadd.s32 $0xA00, s22;
	(ifvalue) =	ssetifvalue $0x7FFFFFFF  }
0x58: {  	v31 =	vadd.s32 $0x7A1B00, v1;
	[tilespmem:s26], [sflag:$0x1] =	stream.indirect_vreg.gather [hbm4b:s2+s16], $0x1, v2, vm0, $0x4038;
	[tilespmem:$0x3900] =	vst v63  }
0x59: {  	(ifvalue) =	ssetifvalue $0x7FFFFFFF;
	v2 =	vnsel vm1, $0x7FFFFFFF, v31  }
0x5a: {  	s28 =	sadd.s32 $0xA80, s22;
	(ifvalue) =	ssetifvalue $0x7FFFFFFF  }
0x5b: {  	v32 =	vadd.s32 $0x7A1B80, v1;
	[tilespmem:s28], [sflag:$0x1] =	stream.indirect_vreg.gather [hbm4b:s2+s16], $0x1, v3, vm0, $0x4038;
	[tilespmem:$0x3900] =	vst v63  }
0x5c: {  	v3 =	vnsel vm1, $0x7FFFFFFF, v32;
	(ifvalue) =	ssetifvalue $0x7FFFFFFF  }
0x5d: {  	s29 =	sadd.s32 $0xB00, s22;
	(ifvalue) =	ssetifvalue $0x7FFFFFFF  }
0x5e: {  	v33 =	vadd.s32 $0xB72400, v1;
	[tilespmem:s29], [sflag:$0x1] =	stream.indirect_vreg.gather [hbm4b:s2+s16], $0x1, v2, vm0, $0x4038;
	[tilespmem:$0x3900] =	vst v63  }
0x5f: {  	(ifvalue) =	ssetifvalue $0x7FFFFFFF;
	v2 =	vnsel vm1, $0x7FFFFFFF, v33  }
0x60: {  	s30 =	sadd.s32 $0xB80, s22;
	(ifvalue) =	ssetifvalue $0x7FFFFFFF  }
0x61: {  	v34 =	vadd.s32 $0xB72480, v1;
	[tilespmem:s30], [sflag:$0x1] =	stream.indirect_vreg.gather [hbm4b:s2+s16], $0x1, v3, vm0, $0x4038;
	[tilespmem:$0x3900] =	vst v63  }
0x62: {  	v3 =	vnsel vm1, $0x7FFFFFFF, v34;
	(ifvalue) =	ssetifvalue $0x7FFFFFFF  }
0x63: {  	s31 =	sadd.s32 $0xC00, s22;
	(ifvalue) =	ssetifvalue $0x7FFFFFFF  }
0x64: {  	v35 =	vadd.s32 $0xB72500, v1;
	[tilespmem:s31], [sflag:$0x1] =	stream.indirect_vreg.gather [hbm4b:s2+s16], $0x1, v2, vm0, $0x4038;
	[tilespmem:$0x3900] =	vst v63  }
0x65: {  	(ifvalue) =	ssetifvalue $0x7FFFFFFF;
	v2 =	vnsel vm1, $0x7FFFFFFF, v35  }
0x66: {  	s24 =	sadd.s32 $0xC80, s22;
	(ifvalue) =	ssetifvalue $0x7FFFFFFF  }
0x67: {  	v36 =	vadd.s32 $0xB72580, v1;
	[tilespmem:s24], [sflag:$0x1] =	stream.indirect_vreg.gather [hbm4b:s2+s16], $0x1, v3, vm0, $0x4038;
	[tilespmem:$0x3900] =	vst v63  }
0x68: {  	v3 =	vnsel vm1, $0x7FFFFFFF, v36;
	(ifvalue) =	ssetifvalue $0x7FFFFFFF  }
0x69: {  	s25 =	sadd.s32 $0xD00, s22;
	(ifvalue) =	ssetifvalue $0x7FFFFFFF  }
0x6a: {  	v37 =	vadd.s32 $0xB72600, v1;
	[tilespmem:s25], [sflag:$0x1] =	stream.indirect_vreg.gather [hbm4b:s2+s16], $0x1, v2, vm0, $0x4038;
	[tilespmem:$0x3900] =	vst v63  }
0x6b: {  	(ifvalue) =	ssetifvalue $0x7FFFFFFF;
	v2 =	vnsel vm1, $0x7FFFFFFF, v37  }
0x6c: {  	s26 =	sadd.s32 $0xD80, s22;
	(ifvalue) =	ssetifvalue $0x7FFFFFFF  }
0x6d: {  	v38 =	vadd.s32 $0xB72680, v1;
	[tilespmem:s26], [sflag:$0x1] =	stream.indirect_vreg.gather [hbm4b:s2+s16], $0x1, v3, vm0, $0x4038;
	[tilespmem:$0x3900] =	vst v63  }
0x6e: {  	v3 =	vnsel vm1, $0x7FFFFFFF, v38;
	(ifvalue) =	ssetifvalue $0x7FFFFFFF  }
0x6f: {  	s28 =	sadd.s32 $0xE00, s22;
	(ifvalue) =	ssetifvalue $0x7FFFFFFF  }
0x70: {  	v39 =	vadd.s32 $0xB72700, v1;
	[tilespmem:s28], [sflag:$0x1] =	stream.indirect_vreg.gather [hbm4b:s2+s16], $0x1, v2, vm0, $0x4038;
	[tilespmem:$0x3900] =	vst v63  }
0x71: {  	(ifvalue) =	ssetifvalue $0x7FFFFFFF;
	v2 =	vnsel vm1, $0x7FFFFFFF, v39  }
0x72: {  	s29 =	sadd.s32 $0xE80, s22;
	(ifvalue) =	ssetifvalue $0x7FFFFFFF  }
0x73: {  	v40 =	vadd.s32 $0xB72780, v1;
	[tilespmem:s29], [sflag:$0x1] =	stream.indirect_vreg.gather [hbm4b:s2+s16], $0x1, v3, vm0, $0x4038;
	[tilespmem:$0x3900] =	vst v63  }
0x74: {  	v3 =	vnsel vm1, $0x7FFFFFFF, v40;
	(ifvalue) =	ssetifvalue $0x7FFFFFFF  }
0x75: {  	s30 =	sadd.s32 $0xF00, s22;
	(ifvalue) =	ssetifvalue $0x7FFFFFFF  }
0x76: {  	v41 =	vadd.s32 $0xF43000, v1;
	[tilespmem:s30], [sflag:$0x1] =	stream.indirect_vreg.gather [hbm4b:s2+s16], $0x1, v2, vm0, $0x4038;
	[tilespmem:$0x3900] =	vst v63  }
0x77: {  	(ifvalue) =	ssetifvalue $0x7FFFFFFF;
	v2 =	vnsel vm1, $0x7FFFFFFF, v41  }
0x78: {  	s31 =	sadd.s32 $0xF80, s22;
	(ifvalue) =	ssetifvalue $0x7FFFFFFF  }
0x79: {  	v42 =	vadd.s32 $0xF43080, v1;
	[tilespmem:s31], [sflag:$0x1] =	stream.indirect_vreg.gather [hbm4b:s2+s16], $0x1, v3, vm0, $0x4038;
	[tilespmem:$0x3900] =	vst v63  }
0x7a: {  	v3 =	vnsel vm1, $0x7FFFFFFF, v42;
	(ifvalue) =	ssetifvalue $0x7FFFFFFF  }
0x7b: {  	s24 =	sadd.s32 $0x1000, s22;
	(ifvalue) =	ssetifvalue $0x7FFFFFFF  }
0x7c: {  	v43 =	vadd.s32 $0xF43100, v1;
	[tilespmem:s24], [sflag:$0x1] =	stream.indirect_vreg.gather [hbm4b:s2+s16], $0x1, v2, vm0, $0x4038;
	[tilespmem:$0x3900] =	vst v63  }
0x7d: {  	(ifvalue) =	ssetifvalue $0x7FFFFFFF;
	v2 =	vnsel vm1, $0x7FFFFFFF, v43  }
0x7e: {  	s25 =	sadd.s32 $0x1080, s22;
	(ifvalue) =	ssetifvalue $0x7FFFFFFF  }
0x7f: {  	v44 =	vadd.s32 $0xF43180, v1;
	[tilespmem:s25], [sflag:$0x1] =	stream.indirect_vreg.gather [hbm4b:s2+s16], $0x1, v3, vm0, $0x4038;
	[tilespmem:$0x3900] =	vst v63  }
0x80: {  	v3 =	vnsel vm1, $0x7FFFFFFF, v44;
	(ifvalue) =	ssetifvalue $0x7FFFFFFF  }
0x81: {  	s26 =	sadd.s32 $0x1100, s22;
	(ifvalue) =	ssetifvalue $0x7FFFFFFF  }
0x82: {  	v45 =	vadd.s32 $0xF43200, v1;
	[tilespmem:s26], [sflag:$0x1] =	stream.indirect_vreg.gather [hbm4b:s2+s16], $0x1, v2, vm0, $0x4038;
	[tilespmem:$0x3900] =	vst v63  }
0x83: {  	(ifvalue) =	ssetifvalue $0x7FFFFFFF;
	v2 =	vnsel vm1, $0x7FFFFFFF, v45  }
0x84: {  	s28 =	sadd.s32 $0x1180, s22;
	(ifvalue) =	ssetifvalue $0x7FFFFFFF  }
0x85: {  	v46 =	vadd.s32 $0xF43280, v1;
	[tilespmem:s28], [sflag:$0x1] =	stream.indirect_vreg.gather [hbm4b:s2+s16], $0x1, v3, vm0, $0x4038;
	[tilespmem:$0x3900] =	vst v63  }
0x86: {  	v3 =	vnsel vm1, $0x7FFFFFFF, v46;
	(ifvalue) =	ssetifvalue $0x7FFFFFFF  }
0x87: {  	s29 =	sadd.s32 $0x1200, s22;
	(ifvalue) =	ssetifvalue $0x7FFFFFFF  }
0x88: {  	v47 =	vadd.s32 $0xF43300, v1;
	[tilespmem:s29], [sflag:$0x1] =	stream.indirect_vreg.gather [hbm4b:s2+s16], $0x1, v2, vm0, $0x4038;
	[tilespmem:$0x3900] =	vst v63  }
0x89: {  	(ifvalue) =	ssetifvalue $0x7FFFFFFF;
	v2 =	vnsel vm1, $0x7FFFFFFF, v47  }
0x8a: {  	s30 =	sadd.s32 $0x1280, s22;
	(ifvalue) =	ssetifvalue $0x7FFFFFFF  }
0x8b: {  	v48 =	vadd.s32 $0xF43380, v1;
	[tilespmem:s30], [sflag:$0x1] =	stream.indirect_vreg.gather [hbm4b:s2+s16], $0x1, v3, vm0, $0x4038;
	[tilespmem:$0x3900] =	vst v63  }
0x8c: {  	v3 =	vnsel vm1, $0x7FFFFFFF, v48;
	(ifvalue) =	ssetifvalue $0x7FFFFFFF  }
0x8d: {  	s31 =	sadd.s32 $0x1300, s22;
	(ifvalue) =	ssetifvalue $0x7FFFFFFF  }
0x8e: {  	v49 =	vadd.s32 $0x1313C00, v1;
	[tilespmem:s31], [sflag:$0x1] =	stream.indirect_vreg.gather [hbm4b:s2+s16], $0x1, v2, vm0, $0x4038;
	[tilespmem:$0x3900] =	vst v63  }
0x8f: {  	(ifvalue) =	ssetifvalue $0x7FFFFFFF;
	v2 =	vnsel vm1, $0x7FFFFFFF, v49  }
0x90: {  	s24 =	sadd.s32 $0x1380, s22;
	(ifvalue) =	ssetifvalue $0x7FFFFFFF  }
0x91: {  	v50 =	vadd.s32 $0x1313C80, v1;
	[tilespmem:s24], [sflag:$0x1] =	stream.indirect_vreg.gather [hbm4b:s2+s16], $0x1, v3, vm0, $0x4038;
	[tilespmem:$0x3900] =	vst v63  }
0x92: {  	v3 =	vnsel vm1, $0x7FFFFFFF, v50;
	(ifvalue) =	ssetifvalue $0x7FFFFFFF  }
0x93: {  	s25 =	sadd.s32 $0x1400, s22;
	(ifvalue) =	ssetifvalue $0x7FFFFFFF  }
0x94: {  	v51 =	vadd.s32 $0x1313D00, v1;
	[tilespmem:s25], [sflag:$0x1] =	stream.indirect_vreg.gather [hbm4b:s2+s16], $0x1, v2, vm0, $0x4038;
	[tilespmem:$0x3900] =	vst v63  }
0x95: {  	(ifvalue) =	ssetifvalue $0x7FFFFFFF;
	v2 =	vnsel vm1, $0x7FFFFFFF, v51  }
0x96: {  	s26 =	sadd.s32 $0x1480, s22;
	(ifvalue) =	ssetifvalue $0x7FFFFFFF  }
0x97: {  	v52 =	vadd.s32 $0x1313D80, v1;
	[tilespmem:s26], [sflag:$0x1] =	stream.indirect_vreg.gather [hbm4b:s2+s16], $0x1, v3, vm0, $0x4038;
	[tilespmem:$0x3900] =	vst v63  }
0x98: {  	v3 =	vnsel vm1, $0x7FFFFFFF, v52;
	(ifvalue) =	ssetifvalue $0x7FFFFFFF  }
0x99: {  	s28 =	sadd.s32 $0x1500, s22;
	(ifvalue) =	ssetifvalue $0x7FFFFFFF  }
0x9a: {  	v53 =	vadd.s32 $0x1313E00, v1;
	[tilespmem:s28], [sflag:$0x1] =	stream.indirect_vreg.gather [hbm4b:s2+s16], $0x1, v2, vm0, $0x4038;
	[tilespmem:$0x3900] =	vst v63  }
0x9b: {  	(ifvalue) =	ssetifvalue $0x7FFFFFFF;
	v2 =	vnsel vm1, $0x7FFFFFFF, v53  }
0x9c: {  	s29 =	sadd.s32 $0x1580, s22;
	(ifvalue) =	ssetifvalue $0x7FFFFFFF  }
0x9d: {  	v54 =	vadd.s32 $0x1313E80, v1;
	[tilespmem:s29], [sflag:$0x1] =	stream.indirect_vreg.gather [hbm4b:s2+s16], $0x1, v3, vm0, $0x4038;
	[tilespmem:$0x3900] =	vst v63  }
0x9e: {  	v3 =	vnsel vm1, $0x7FFFFFFF, v54;
	(ifvalue) =	ssetifvalue $0x7FFFFFFF  }
0x9f: {  	s30 =	sadd.s32 $0x1600, s22;
	(ifvalue) =	ssetifvalue $0x7FFFFFFF  }
0xa0: {  	v55 =	vadd.s32 $0x1313F00, v1;
	[tilespmem:s30], [sflag:$0x1] =	stream.indirect_vreg.gather [hbm4b:s2+s16], $0x1, v2, vm0, $0x4038;
	[tilespmem:$0x3900] =	vst v63  }
0xa1: {  	(ifvalue) =	ssetifvalue $0x7FFFFFFF;
	v2 =	vnsel vm1, $0x7FFFFFFF, v55  }
0xa2: {  	s31 =	sadd.s32 $0x1680, s22;
	(ifvalue) =	ssetifvalue $0x7FFFFFFF  }
0xa3: {  	v56 =	vadd.s32 $0x1313F80, v1;
	[tilespmem:s31], [sflag:$0x1] =	stream.indirect_vreg.gather [hbm4b:s2+s16], $0x1, v3, vm0, $0x4038;
	[tilespmem:$0x3900] =	vst v63  }
0xa4: {  	v3 =	vnsel vm1, $0x7FFFFFFF, v56;
	(ifvalue) =	ssetifvalue $0x7FFFFFFF  }
0xa5: {  	s24 =	sadd.s32 $0x1700, s22;
	(ifvalue) =	ssetifvalue $0x7FFFFFFF  }
0xa6: {  	v57 =	vadd.s32 $0x16E4800, v1;
	[tilespmem:s24], [sflag:$0x1] =	stream.indirect_vreg.gather [hbm4b:s2+s16], $0x1, v2, vm0, $0x4038;
	[tilespmem:$0x3900] =	vst v63  }
0xa7: {  	(ifvalue) =	ssetifvalue $0x7FFFFFFF;
	v2 =	vnsel vm1, $0x7FFFFFFF, v57  }
0xa8: {  	s25 =	sadd.s32 $0x1780, s22;
	(ifvalue) =	ssetifvalue $0x7FFFFFFF  }
0xa9: {  	v58 =	vadd.s32 $0x16E4880, v1;
	[tilespmem:s25], [sflag:$0x1] =	stream.indirect_vreg.gather [hbm4b:s2+s16], $0x1, v3, vm0, $0x4038;
	[tilespmem:$0x3900] =	vst v63  }
0xaa: {  	v3 =	vnsel vm1, $0x7FFFFFFF, v58;
	(ifvalue) =	ssetifvalue $0x7FFFFFFF  }
0xab: {  	s26 =	sadd.s32 $0x1800, s22;
	(ifvalue) =	ssetifvalue $0x7FFFFFFF  }
0xac: {  	v59 =	vadd.s32 $0x16E4900, v1;
	[tilespmem:s26], [sflag:$0x1] =	stream.indirect_vreg.gather [hbm4b:s2+s16], $0x1, v2, vm0, $0x4038;
	[tilespmem:$0x3900] =	vst v63  }
0xad: {  	(ifvalue) =	ssetifvalue $0x7FFFFFFF;
	v2 =	vnsel vm1, $0x7FFFFFFF, v59  }
0xae: {  	s28 =	sadd.s32 $0x1880, s22;
	(ifvalue) =	ssetifvalue $0x7FFFFFFF  }
0xaf: {  	v60 =	vadd.s32 $0x16E4980, v1;
	[tilespmem:s28], [sflag:$0x1] =	stream.indirect_vreg.gather [hbm4b:s2+s16], $0x1, v3, vm0, $0x4038;
	[tilespmem:$0x3900] =	vst v63  }
0xb0: {  	v3 =	vnsel vm1, $0x7FFFFFFF, v60;
	(ifvalue) =	ssetifvalue $0x7FFFFFFF  }
0xb1: {  	s29 =	sadd.s32 $0x1900, s22;
	(ifvalue) =	ssetifvalue $0x7FFFFFFF  }
0xb2: {  	v61 =	vadd.s32 $0x16E4A00, v1;
	[tilespmem:s29], [sflag:$0x1] =	stream.indirect_vreg.gather [hbm4b:s2+s16], $0x1, v2, vm0, $0x4038;
	[tilespmem:$0x3900] =	vst v63  }
0xb3: {  	(ifvalue) =	ssetifvalue $0x7FFFFFFF;
	v2 =	vnsel vm1, $0x7FFFFFFF, v61  }
0xb4: {  	s30 =	sadd.s32 $0x1980, s22;
	(ifvalue) =	ssetifvalue $0x7FFFFFFF  }
0xb5: {  	v62 =	vadd.s32 $0x16E4A80, v1;
	[tilespmem:s30], [sflag:$0x1] =	stream.indirect_vreg.gather [hbm4b:s2+s16], $0x1, v3, vm0, $0x4038;
	[tilespmem:$0x3900] =	vst v63  }
0xb6: {  	v3 =	vnsel vm1, $0x7FFFFFFF, v62;
	(ifvalue) =	ssetifvalue $0x7FFFFFFF  }
0xb7: {  	s31 =	sadd.s32 $0x1A00, s22;
	(ifvalue) =	ssetifvalue $0x7FFFFFFF  }
0xb8: {  	v63 =	vadd.s32 $0x16E4B00, v1;
	[tilespmem:s31], [sflag:$0x1] =	stream.indirect_vreg.gather [hbm4b:s2+s16], $0x1, v2, vm0, $0x4038;
	[tilespmem:$0x3900] =	vst v63  }
0xb9: {  	(ifvalue) =	ssetifvalue $0x7FFFFFFF;
	v2 =	vnsel vm1, $0x7FFFFFFF, v63  }
0xba: {  	s24 =	sadd.s32 $0x1A80, s22;
	(ifvalue) =	ssetifvalue $0x7FFFFFFF  }
0xbb: {  	v1 =	vadd.s32 $0x16E4B80, v1;
	[tilespmem:s24], [sflag:$0x1] =	stream.indirect_vreg.gather [hbm4b:s2+s16], $0x1, v3, vm0, $0x4038;
	[tilespmem:$0x3900] =	vst v63  }
0xbc: {  	v1 =	vnsel vm1, $0x7FFFFFFF, v1;
	(ifvalue) =	ssetifvalue $0x7FFFFFFF  }
0xbd: {  	s25 =	sadd.s32 $0x1B00, s22;
	(ifvalue) =	ssetifvalue $0x7FFFFFFF  }
0xbe: {  	[tilespmem:s25], [sflag:$0x1] =	stream.indirect_vreg.gather [hbm4b:s2+s16], $0x1, v2, vm0, $0x4038;
	[tilespmem:$0x3900] =	vst v63  }
0xbf: {  	(ifvalue) =	ssetifvalue $0x7FFFFFFF  }
0xc0: {  	s22 =	sadd.s32 $0x1B80, s22;
	s26 =	sshll.u32 s19, $0x3;
	(ifvalue) =	ssetifvalue $0x7FFFFFFF  }
0xc1: {  	[tilespmem:s22], [sflag:$0x1] =	stream.indirect_vreg.gather [hbm4b:s2+s16], $0x1, v1, vm0, $0x4038;
	[tilespmem:$0x3900] =	vst v63  }
0xc2: {  	s28 =	sand.u32 $0x78, s19;
	s22 =	sand.u32 $0xFFFFFC00, s26  }
0xc3: {  	_ =	swait.ge [sflag:s4], $0x1C00;
	s19 =	sor.u32 s28, s22  }
0xc4: {  	[sflag:s4] =	ssyncset.done $0x0;
	s19 =	sshrl.u32 s19, $0x3  }
0xc5: {  	[sflag:s4] =	ssyncadd.s32 $0xFFFFE400;
	s29 =	sadd.s32 s3, s19  }
0xc6: {  	[hbm:s29] =	stream.linear.scatter [tilespmem:s21], [sflag:$0x3], $0x400, $0x38;
	[tilespmem:$0x3900] =	vst v63  }
0xc7: {  	s30 =	sadd.s32 $0x500, s20;
	s31 =	sadd.s32 s19, s8  }
0xc8: {  	[hbm:s31] =	stream.linear.scatter [tilespmem:s30], [sflag:$0x3], $0x400, $0x38;
	[tilespmem:$0x3900] =	vst v63  }
0xc9: {  	s22 =	sadd.s32 $0x900, s20;
	s23 =	sadd.s32 s19, s9  }
0xca: {  	[hbm:s23] =	stream.linear.scatter [tilespmem:s22], [sflag:$0x3], $0x400, $0x38;
	[tilespmem:$0x3900] =	vst v63  }
0xcb: {  	s24 =	sadd.s32 $0xD00, s20;
	s25 =	sadd.s32 s19, s10  }
0xcc: {  	[hbm:s25] =	stream.linear.scatter [tilespmem:s24], [sflag:$0x3], $0x400, $0x38;
	[tilespmem:$0x3900] =	vst v63  }
0xcd: {  	s26 =	sadd.s32 $0x1100, s20;
	s28 =	sadd.s32 s19, s12  }
0xce: {  	[hbm:s28] =	stream.linear.scatter [tilespmem:s26], [sflag:$0x3], $0x400, $0x38;
	[tilespmem:$0x3900] =	vst v63  }
0xcf: {  	s29 =	sadd.s32 $0x1500, s20;
	s30 =	sadd.s32 s19, s13  }
0xd0: {  	[hbm:s30] =	stream.linear.scatter [tilespmem:s29], [sflag:$0x3], $0x400, $0x38;
	[tilespmem:$0x3900] =	vst v63  }
0xd1: {  	s31 =	sadd.s32 $0x1900, s20;
	s19 =	sadd.s32 s19, s14  }
0xd2: {  	[hbm:s19] =	stream.linear.scatter [tilespmem:s31], [sflag:$0x3], $0x400, $0x38;
	[tilespmem:$0x3900] =	vst v63  }
.LBB2_5:
0xd3: {  	s21 =	sadd.s32 $0x1000, s17  }
0xd4: {  	p2 =	sgt.s32 s21, $0x7A17F  }
0xd5: {  	s21 =	smov.u32 @p2 s5;
	p2 =	sne.s32 s18, s15  }
.Ltmp1:
0xd6: {  	p1 =	slt.u32 s18, $0x2;
	(pc) =	sbr.rel @!p2 .LBB2_6-.Ltmp1, $4  }
0xd7: {  	s20 =	simm.s32 @!p1 $0x3  }
0xd8: {  	s22 =	sadd.s32 $0x1, s18;
	_ =	swait.ge @!p1 [sflag:s20], $0x1C00  }
0xd9: {  	s19 =	smov.u32 s17;
	p0 =	por !p0, !p0;
	[sflag:s20] =	ssyncset.done @!p1 $0x0  }
0xda: {  	s18 =	smov.u32 s22;
	s17 =	smov.u32 s21;
	[sflag:s20] =	ssyncadd.s32 @!p1 $0xFFFFE400  }
.LBB2_1:
0xdb: {  	p1 =	sge.u32 s18, s11  }
0xdc: {  	s20 =	sxor.u32 @!p1 $0xFFFFFFFF, s18  }
0xdd: {  	s31 =	sadd.s32 $0xFFFFFFFF, s18;
	s21 =	sshrl.u32 @!p1 s17, $0x3;
	s20 =	sshll.u32 @!p1 s20, $0x7  }
0xde: {  	s22 =	sand.u32 @!p1 $0x7, s17;
	s21 =	sadd.s32 @!p1 s7, s21;
	s20 =	sand.u32 @!p1 $0x80, s20  }
0xdf: {  	[tilespmem:s20], [sflag:$0x2] =	stream.linear.gather @!p1 [hbm4b:s21+s22], $0x80, $0x38;
	[tilespmem:$0x3900] =	vst v63  }
0xe0: {  	p1 =	sge.u32 s31, s11  }
.Ltmp2:
0xe1: {  	_ = 	snop;
	(pc) =	sbr.rel @p1 .LBB2_5-.Ltmp2, $1  }
0xe2: {  	_ =	sdelay $0x3  }
0xe3: {  	s20 =	simm.s32 $0x1  }
0xe4: {  	s20 =	simm.s32 @!p0 $0x0  }
0xe5: {  	s21 =	smul.u32 $0x7000, s20;
	_ =	sdelay $0x1  }
0xe6: {  	s20 =	sshll.u32 s20, $0x7;
	s21 =	sshrl.u32 s21, $0x2  }
0xe7: {  	[dreg:$0x4] =	wrdreg s20;
	s21 =	sor.u32 $0x100, s21  }
0xe8: {  	[dreg:$0x5] =	wrdreg s21  }
0xe9: {  	_ =	swait.ge [sflag:s6], $0x80  }
0xea: {  	s24 =	rddreg [dreg:$0x4];
	[sflag:s6] =	ssyncset.done $0x0  }
0xeb: {  	[sflag:s6] =	ssyncadd.s32 $0xFFFFFF80;
	s20 =	sadd.s32 $0x0, s24  }
0xec: {  	v1 =	vld.msk [tilespmem:s20+$0x0 ss:$0x1], $0xffff;
	_ =	sdelay $0x2  }
0xed: {  	s22 =	ssub.s32 $0x7A120, s19  }
0xee: {  	p1 =	slt.s32 s22, $0x80  }
0xef: {  	s22 =	simm.s32 @!p1 $0x80;
	vm1 =	vgt.s32 v1, $0x0  }
0xf0: {  	p1 =	sgt.s32 s22, $0x0;
	s20 =	smov.u32 s22;
	v1 =	vnsel vm1, $0x0, v1  }
0xf1: {  	s20 =	simm.s32 @!p1 $0x0;
	v1 =	vmin.u32 v1, $0x7A11F  }
0xf2: {  	s20 =	smin.u32 s20, $0x10;
	v2 =	vshll.u32 v1, $0x3  }
0xf3: {  	v3 =	vmov s20;
	v1 =	vand.u32 $0x7F, v1;
	v2 =	vand.u32 $0x3FFC00, v2  }
0xf4: {  	vm1 =	vgt.u32 v3, v0;
	v1 =	vor.u32 v1, v2  }
0xf5: {  	v2 =	vnsel vm1, $0x7FFFFFFF, v1;
	_ =	sdelay $0x1  }
0xf6: {  	v3 =	vor.u32 $0x80, v1  }
0xf7: {  	(ifvalue) =	ssetifvalue $0x7FFFFFFF;
	s25 =	rddreg [dreg:$0x5];
	v3 =	vnsel vm1, $0x7FFFFFFF, v3  }
0xf8: {  	s24 =	sadd.s32 $0x0, s25;
	(ifvalue) =	ssetifvalue $0x7FFFFFFF  }
0xf9: {  	v4 =	vor.u32 $0x100, v1;
	[tilespmem:s24], [sflag:$0x1] =	stream.indirect_vreg.gather [hbm4b:s2+s16], $0x1, v2, vm0, $0x4038;
	[tilespmem:$0x3900] =	vst v63  }
0xfa: {  	(ifvalue) =	ssetifvalue $0x7FFFFFFF;
	v2 =	vnsel vm1, $0x7FFFFFFF, v4  }
0xfb: {  	s20 =	sadd.s32 $0x80, s24;
	(ifvalue) =	ssetifvalue $0x7FFFFFFF  }
0xfc: {  	v13 =	vor.u32 $0x180, v1;
	[tilespmem:s20], [sflag:$0x1] =	stream.indirect_vreg.gather [hbm4b:s2+s16], $0x1, v3, vm0, $0x4038;
	[tilespmem:$0x3900] =	vst v63  }
0xfd: {  	v3 =	vnsel vm1, $0x7FFFFFFF, v13;
	(ifvalue) =	ssetifvalue $0x7FFFFFFF  }
0xfe: {  	s26 =	sadd.s32 $0x100, s24;
	(ifvalue) =	ssetifvalue $0x7FFFFFFF  }
0xff: {  	v14 =	vor.u32 $0x200, v1;
	[tilespmem:s26], [sflag:$0x1] =	stream.indirect_vreg.gather [hbm4b:s2+s16], $0x1, v2, vm0, $0x4038;
	[tilespmem:$0x3900] =	vst v63  }
0x100: {  	(ifvalue) =	ssetifvalue $0x7FFFFFFF;
	v2 =	vnsel vm1, $0x7FFFFFFF, v14  }
0x101: {  	s29 =	sadd.s32 $0x180, s24;
	(ifvalue) =	ssetifvalue $0x7FFFFFFF  }
0x102: {  	v15 =	vor.u32 $0x280, v1;
	[tilespmem:s29], [sflag:$0x1] =	stream.indirect_vreg.gather [hbm4b:s2+s16], $0x1, v3, vm0, $0x4038;
	[tilespmem:$0x3900] =	vst v63  }
0x103: {  	v3 =	vnsel vm1, $0x7FFFFFFF, v15;
	(ifvalue) =	ssetifvalue $0x7FFFFFFF  }
0x104: {  	s30 =	sadd.s32 $0x200, s24;
	(ifvalue) =	ssetifvalue $0x7FFFFFFF  }
0x105: {  	v16 =	vor.u32 $0x300, v1;
	[tilespmem:s30], [sflag:$0x1] =	stream.indirect_vreg.gather [hbm4b:s2+s16], $0x1, v2, vm0, $0x4038;
	[tilespmem:$0x3900] =	vst v63  }
0x106: {  	(ifvalue) =	ssetifvalue $0x7FFFFFFF;
	v2 =	vnsel vm1, $0x7FFFFFFF, v16  }
0x107: {  	s31 =	sadd.s32 $0x280, s24;
	(ifvalue) =	ssetifvalue $0x7FFFFFFF  }
0x108: {  	v17 =	vor.u32 $0x380, v1;
	[tilespmem:s31], [sflag:$0x1] =	stream.indirect_vreg.gather [hbm4b:s2+s16], $0x1, v3, vm0, $0x4038;
	[tilespmem:$0x3900] =	vst v63  }
0x109: {  	v3 =	vnsel vm1, $0x7FFFFFFF, v17;
	(ifvalue) =	ssetifvalue $0x7FFFFFFF  }
0x10a: {  	s21 =	sadd.s32 $0x300, s24;
	(ifvalue) =	ssetifvalue $0x7FFFFFFF  }
0x10b: {  	v18 =	vadd.s32 $0x3D0C00, v1;
	[tilespmem:s21], [sflag:$0x1] =	stream.indirect_vreg.gather [hbm4b:s2+s16], $0x1, v2, vm0, $0x4038;
	[tilespmem:$0x3900] =	vst v63  }
0x10c: {  	(ifvalue) =	ssetifvalue $0x7FFFFFFF;
	v2 =	vnsel vm1, $0x7FFFFFFF, v18  }
0x10d: {  	s23 =	sadd.s32 $0x380, s24;
	(ifvalue) =	ssetifvalue $0x7FFFFFFF  }
0x10e: {  	v19 =	vadd.s32 $0x3D0C80, v1;
	[tilespmem:s23], [sflag:$0x1] =	stream.indirect_vreg.gather [hbm4b:s2+s16], $0x1, v3, vm0, $0x4038;
	[tilespmem:$0x3900] =	vst v63  }
0x10f: {  	v3 =	vnsel vm1, $0x7FFFFFFF, v19;
	(ifvalue) =	ssetifvalue $0x7FFFFFFF  }
0x110: {  	s25 =	sadd.s32 $0x400, s24;
	(ifvalue) =	ssetifvalue $0x7FFFFFFF  }
0x111: {  	v20 =	vadd.s32 $0x3D0D00, v1;
	[tilespmem:s25], [sflag:$0x1] =	stream.indirect_vreg.gather [hbm4b:s2+s16], $0x1, v2, vm0, $0x4038;
	[tilespmem:$0x3900] =	vst v63  }
0x112: {  	(ifvalue) =	ssetifvalue $0x7FFFFFFF;
	v2 =	vnsel vm1, $0x7FFFFFFF, v20  }
0x113: {  	s26 =	sadd.s32 $0x480, s24;
	(ifvalue) =	ssetifvalue $0x7FFFFFFF  }
0x114: {  	v21 =	vadd.s32 $0x3D0D80, v1;
	[tilespmem:s26], [sflag:$0x1] =	stream.indirect_vreg.gather [hbm4b:s2+s16], $0x1, v3, vm0, $0x4038;
	[tilespmem:$0x3900] =	vst v63  }
0x115: {  	v3 =	vnsel vm1, $0x7FFFFFFF, v21;
	(ifvalue) =	ssetifvalue $0x7FFFFFFF  }
0x116: {  	s29 =	sadd.s32 $0x500, s24;
	(ifvalue) =	ssetifvalue $0x7FFFFFFF  }
0x117: {  	v22 =	vadd.s32 $0x3D0E00, v1;
	[tilespmem:s29], [sflag:$0x1] =	stream.indirect_vreg.gather [hbm4b:s2+s16], $0x1, v2, vm0, $0x4038;
	[tilespmem:$0x3900] =	vst v63  }
0x118: {  	(ifvalue) =	ssetifvalue $0x7FFFFFFF;
	v2 =	vnsel vm1, $0x7FFFFFFF, v22  }
0x119: {  	s30 =	sadd.s32 $0x580, s24;
	(ifvalue) =	ssetifvalue $0x7FFFFFFF  }
0x11a: {  	v23 =	vadd.s32 $0x3D0E80, v1;
	[tilespmem:s30], [sflag:$0x1] =	stream.indirect_vreg.gather [hbm4b:s2+s16], $0x1, v3, vm0, $0x4038;
	[tilespmem:$0x3900] =	vst v63  }
0x11b: {  	v3 =	vnsel vm1, $0x7FFFFFFF, v23;
	(ifvalue) =	ssetifvalue $0x7FFFFFFF  }
0x11c: {  	s31 =	sadd.s32 $0x600, s24;
	(ifvalue) =	ssetifvalue $0x7FFFFFFF  }
0x11d: {  	v24 =	vadd.s32 $0x3D0F00, v1;
	[tilespmem:s31], [sflag:$0x1] =	stream.indirect_vreg.gather [hbm4b:s2+s16], $0x1, v2, vm0, $0x4038;
	[tilespmem:$0x3900] =	vst v63  }
0x11e: {  	(ifvalue) =	ssetifvalue $0x7FFFFFFF;
	v2 =	vnsel vm1, $0x7FFFFFFF, v24  }
0x11f: {  	s21 =	sadd.s32 $0x680, s24;
	(ifvalue) =	ssetifvalue $0x7FFFFFFF  }
0x120: {  	v25 =	vadd.s32 $0x3D0F80, v1;
	[tilespmem:s21], [sflag:$0x1] =	stream.indirect_vreg.gather [hbm4b:s2+s16], $0x1, v3, vm0, $0x4038;
	[tilespmem:$0x3900] =	vst v63  }
0x121: {  	v3 =	vnsel vm1, $0x7FFFFFFF, v25;
	(ifvalue) =	ssetifvalue $0x7FFFFFFF  }
0x122: {  	s23 =	sadd.s32 $0x700, s24;
	(ifvalue) =	ssetifvalue $0x7FFFFFFF  }
0x123: {  	v26 =	vadd.s32 $0x7A1800, v1;
	[tilespmem:s23], [sflag:$0x1] =	stream.indirect_vreg.gather [hbm4b:s2+s16], $0x1, v2, vm0, $0x4038;
	[tilespmem:$0x3900] =	vst v63  }
0x124: {  	(ifvalue) =	ssetifvalue $0x7FFFFFFF;
	v2 =	vnsel vm1, $0x7FFFFFFF, v26  }
0x125: {  	s25 =	sadd.s32 $0x780, s24;
	(ifvalue) =	ssetifvalue $0x7FFFFFFF  }
0x126: {  	v27 =	vadd.s32 $0x7A1880, v1;
	[tilespmem:s25], [sflag:$0x1] =	stream.indirect_vreg.gather [hbm4b:s2+s16], $0x1, v3, vm0, $0x4038;
	[tilespmem:$0x3900] =	vst v63  }
0x127: {  	v3 =	vnsel vm1, $0x7FFFFFFF, v27;
	(ifvalue) =	ssetifvalue $0x7FFFFFFF  }
0x128: {  	s26 =	sadd.s32 $0x800, s24;
	(ifvalue) =	ssetifvalue $0x7FFFFFFF  }
0x129: {  	v28 =	vadd.s32 $0x7A1900, v1;
	[tilespmem:s26], [sflag:$0x1] =	stream.indirect_vreg.gather [hbm4b:s2+s16], $0x1, v2, vm0, $0x4038;
	[tilespmem:$0x3900] =	vst v63  }
0x12a: {  	(ifvalue) =	ssetifvalue $0x7FFFFFFF;
	v2 =	vnsel vm1, $0x7FFFFFFF, v28  }
0x12b: {  	s29 =	sadd.s32 $0x880, s24;
	(ifvalue) =	ssetifvalue $0x7FFFFFFF  }
0x12c: {  	v29 =	vadd.s32 $0x7A1980, v1;
	[tilespmem:s29], [sflag:$0x1] =	stream.indirect_vreg.gather [hbm4b:s2+s16], $0x1, v3, vm0, $0x4038;
	[tilespmem:$0x3900] =	vst v63  }
0x12d: {  	v3 =	vnsel vm1, $0x7FFFFFFF, v29;
	(ifvalue) =	ssetifvalue $0x7FFFFFFF  }
0x12e: {  	s30 =	sadd.s32 $0x900, s24;
	(ifvalue) =	ssetifvalue $0x7FFFFFFF  }
0x12f: {  	v30 =	vadd.s32 $0x7A1A00, v1;
	[tilespmem:s30], [sflag:$0x1] =	stream.indirect_vreg.gather [hbm4b:s2+s16], $0x1, v2, vm0, $0x4038;
	[tilespmem:$0x3900] =	vst v63  }
0x130: {  	(ifvalue) =	ssetifvalue $0x7FFFFFFF;
	v2 =	vnsel vm1, $0x7FFFFFFF, v30  }
0x131: {  	s31 =	sadd.s32 $0x980, s24;
	(ifvalue) =	ssetifvalue $0x7FFFFFFF  }
0x132: {  	v31 =	vadd.s32 $0x7A1A80, v1;
	[tilespmem:s31], [sflag:$0x1] =	stream.indirect_vreg.gather [hbm4b:s2+s16], $0x1, v3, vm0, $0x4038;
	[tilespmem:$0x3900] =	vst v63  }
0x133: {  	v3 =	vnsel vm1, $0x7FFFFFFF, v31;
	(ifvalue) =	ssetifvalue $0x7FFFFFFF  }
0x134: {  	s21 =	sadd.s32 $0xA00, s24;
	(ifvalue) =	ssetifvalue $0x7FFFFFFF  }
0x135: {  	v32 =	vadd.s32 $0x7A1B00, v1;
	[tilespmem:s21], [sflag:$0x1] =	stream.indirect_vreg.gather [hbm4b:s2+s16], $0x1, v2, vm0, $0x4038;
	[tilespmem:$0x3900] =	vst v63  }
0x136: {  	(ifvalue) =	ssetifvalue $0x7FFFFFFF;
	v2 =	vnsel vm1, $0x7FFFFFFF, v32  }
0x137: {  	s23 =	sadd.s32 $0xA80, s24;
	(ifvalue) =	ssetifvalue $0x7FFFFFFF  }
0x138: {  	v33 =	vadd.s32 $0x7A1B80, v1;
	[tilespmem:s23], [sflag:$0x1] =	stream.indirect_vreg.gather [hbm4b:s2+s16], $0x1, v3, vm0, $0x4038;
	[tilespmem:$0x3900] =	vst v63  }
0x139: {  	v3 =	vnsel vm1, $0x7FFFFFFF, v33;
	(ifvalue) =	ssetifvalue $0x7FFFFFFF  }
0x13a: {  	s25 =	sadd.s32 $0xB00, s24;
	(ifvalue) =	ssetifvalue $0x7FFFFFFF  }
0x13b: {  	v34 =	vadd.s32 $0xB72400, v1;
	[tilespmem:s25], [sflag:$0x1] =	stream.indirect_vreg.gather [hbm4b:s2+s16], $0x1, v2, vm0, $0x4038;
	[tilespmem:$0x3900] =	vst v63  }
0x13c: {  	(ifvalue) =	ssetifvalue $0x7FFFFFFF;
	v2 =	vnsel vm1, $0x7FFFFFFF, v34  }
0x13d: {  	s26 =	sadd.s32 $0xB80, s24;
	(ifvalue) =	ssetifvalue $0x7FFFFFFF  }
0x13e: {  	v35 =	vadd.s32 $0xB72480, v1;
	[tilespmem:s26], [sflag:$0x1] =	stream.indirect_vreg.gather [hbm4b:s2+s16], $0x1, v3, vm0, $0x4038;
	[tilespmem:$0x3900] =	vst v63  }
0x13f: {  	v3 =	vnsel vm1, $0x7FFFFFFF, v35;
	(ifvalue) =	ssetifvalue $0x7FFFFFFF  }
0x140: {  	s29 =	sadd.s32 $0xC00, s24;
	(ifvalue) =	ssetifvalue $0x7FFFFFFF  }
0x141: {  	v36 =	vadd.s32 $0xB72500, v1;
	[tilespmem:s29], [sflag:$0x1] =	stream.indirect_vreg.gather [hbm4b:s2+s16], $0x1, v2, vm0, $0x4038;
	[tilespmem:$0x3900] =	vst v63  }
0x142: {  	(ifvalue) =	ssetifvalue $0x7FFFFFFF;
	v2 =	vnsel vm1, $0x7FFFFFFF, v36  }
0x143: {  	s30 =	sadd.s32 $0xC80, s24;
	(ifvalue) =	ssetifvalue $0x7FFFFFFF  }
0x144: {  	v37 =	vadd.s32 $0xB72580, v1;
	[tilespmem:s30], [sflag:$0x1] =	stream.indirect_vreg.gather [hbm4b:s2+s16], $0x1, v3, vm0, $0x4038;
	[tilespmem:$0x3900] =	vst v63  }
0x145: {  	v3 =	vnsel vm1, $0x7FFFFFFF, v37;
	(ifvalue) =	ssetifvalue $0x7FFFFFFF  }
0x146: {  	s31 =	sadd.s32 $0xD00, s24;
	(ifvalue) =	ssetifvalue $0x7FFFFFFF  }
0x147: {  	v38 =	vadd.s32 $0xB72600, v1;
	[tilespmem:s31], [sflag:$0x1] =	stream.indirect_vreg.gather [hbm4b:s2+s16], $0x1, v2, vm0, $0x4038;
	[tilespmem:$0x3900] =	vst v63  }
0x148: {  	(ifvalue) =	ssetifvalue $0x7FFFFFFF;
	v2 =	vnsel vm1, $0x7FFFFFFF, v38  }
0x149: {  	s21 =	sadd.s32 $0xD80, s24;
	(ifvalue) =	ssetifvalue $0x7FFFFFFF  }
0x14a: {  	v39 =	vadd.s32 $0xB72680, v1;
	[tilespmem:s21], [sflag:$0x1] =	stream.indirect_vreg.gather [hbm4b:s2+s16], $0x1, v3, vm0, $0x4038;
	[tilespmem:$0x3900] =	vst v63  }
0x14b: {  	v3 =	vnsel vm1, $0x7FFFFFFF, v39;
	(ifvalue) =	ssetifvalue $0x7FFFFFFF  }
0x14c: {  	s23 =	sadd.s32 $0xE00, s24;
	(ifvalue) =	ssetifvalue $0x7FFFFFFF  }
0x14d: {  	v40 =	vadd.s32 $0xB72700, v1;
	[tilespmem:s23], [sflag:$0x1] =	stream.indirect_vreg.gather [hbm4b:s2+s16], $0x1, v2, vm0, $0x4038;
	[tilespmem:$0x3900] =	vst v63  }
0x14e: {  	(ifvalue) =	ssetifvalue $0x7FFFFFFF;
	v2 =	vnsel vm1, $0x7FFFFFFF, v40  }
0x14f: {  	s25 =	sadd.s32 $0xE80, s24;
	(ifvalue) =	ssetifvalue $0x7FFFFFFF  }
0x150: {  	v41 =	vadd.s32 $0xB72780, v1;
	[tilespmem:s25], [sflag:$0x1] =	stream.indirect_vreg.gather [hbm4b:s2+s16], $0x1, v3, vm0, $0x4038;
	[tilespmem:$0x3900] =	vst v63  }
0x151: {  	v3 =	vnsel vm1, $0x7FFFFFFF, v41;
	(ifvalue) =	ssetifvalue $0x7FFFFFFF  }
0x152: {  	s26 =	sadd.s32 $0xF00, s24;
	(ifvalue) =	ssetifvalue $0x7FFFFFFF  }
0x153: {  	v42 =	vadd.s32 $0xF43000, v1;
	[tilespmem:s26], [sflag:$0x1] =	stream.indirect_vreg.gather [hbm4b:s2+s16], $0x1, v2, vm0, $0x4038;
	[tilespmem:$0x3900] =	vst v63  }
0x154: {  	(ifvalue) =	ssetifvalue $0x7FFFFFFF;
	v2 =	vnsel vm1, $0x7FFFFFFF, v42  }
0x155: {  	s29 =	sadd.s32 $0xF80, s24;
	(ifvalue) =	ssetifvalue $0x7FFFFFFF  }
0x156: {  	v43 =	vadd.s32 $0xF43080, v1;
	[tilespmem:s29], [sflag:$0x1] =	stream.indirect_vreg.gather [hbm4b:s2+s16], $0x1, v3, vm0, $0x4038;
	[tilespmem:$0x3900] =	vst v63  }
0x157: {  	v3 =	vnsel vm1, $0x7FFFFFFF, v43;
	(ifvalue) =	ssetifvalue $0x7FFFFFFF  }
0x158: {  	s30 =	sadd.s32 $0x1000, s24;
	(ifvalue) =	ssetifvalue $0x7FFFFFFF  }
0x159: {  	v44 =	vadd.s32 $0xF43100, v1;
	[tilespmem:s30], [sflag:$0x1] =	stream.indirect_vreg.gather [hbm4b:s2+s16], $0x1, v2, vm0, $0x4038;
	[tilespmem:$0x3900] =	vst v63  }
0x15a: {  	(ifvalue) =	ssetifvalue $0x7FFFFFFF;
	v2 =	vnsel vm1, $0x7FFFFFFF, v44  }
0x15b: {  	s31 =	sadd.s32 $0x1080, s24;
	(ifvalue) =	ssetifvalue $0x7FFFFFFF  }
0x15c: {  	v45 =	vadd.s32 $0xF43180, v1;
	[tilespmem:s31], [sflag:$0x1] =	stream.indirect_vreg.gather [hbm4b:s2+s16], $0x1, v3, vm0, $0x4038;
	[tilespmem:$0x3900] =	vst v63  }
0x15d: {  	v3 =	vnsel vm1, $0x7FFFFFFF, v45;
	(ifvalue) =	ssetifvalue $0x7FFFFFFF  }
0x15e: {  	s21 =	sadd.s32 $0x1100, s24;
	(ifvalue) =	ssetifvalue $0x7FFFFFFF  }
0x15f: {  	v46 =	vadd.s32 $0xF43200, v1;
	[tilespmem:s21], [sflag:$0x1] =	stream.indirect_vreg.gather [hbm4b:s2+s16], $0x1, v2, vm0, $0x4038;
	[tilespmem:$0x3900] =	vst v63  }
0x160: {  	(ifvalue) =	ssetifvalue $0x7FFFFFFF;
	v2 =	vnsel vm1, $0x7FFFFFFF, v46  }
0x161: {  	s23 =	sadd.s32 $0x1180, s24;
	(ifvalue) =	ssetifvalue $0x7FFFFFFF  }
0x162: {  	v47 =	vadd.s32 $0xF43280, v1;
	[tilespmem:s23], [sflag:$0x1] =	stream.indirect_vreg.gather [hbm4b:s2+s16], $0x1, v3, vm0, $0x4038;
	[tilespmem:$0x3900] =	vst v63  }
0x163: {  	v3 =	vnsel vm1, $0x7FFFFFFF, v47;
	(ifvalue) =	ssetifvalue $0x7FFFFFFF  }
0x164: {  	s25 =	sadd.s32 $0x1200, s24;
	(ifvalue) =	ssetifvalue $0x7FFFFFFF  }
0x165: {  	v48 =	vadd.s32 $0xF43300, v1;
	[tilespmem:s25], [sflag:$0x1] =	stream.indirect_vreg.gather [hbm4b:s2+s16], $0x1, v2, vm0, $0x4038;
	[tilespmem:$0x3900] =	vst v63  }
0x166: {  	(ifvalue) =	ssetifvalue $0x7FFFFFFF;
	v2 =	vnsel vm1, $0x7FFFFFFF, v48  }
0x167: {  	s26 =	sadd.s32 $0x1280, s24;
	(ifvalue) =	ssetifvalue $0x7FFFFFFF  }
0x168: {  	v49 =	vadd.s32 $0xF43380, v1;
	[tilespmem:s26], [sflag:$0x1] =	stream.indirect_vreg.gather [hbm4b:s2+s16], $0x1, v3, vm0, $0x4038;
	[tilespmem:$0x3900] =	vst v63  }
0x169: {  	v3 =	vnsel vm1, $0x7FFFFFFF, v49;
	(ifvalue) =	ssetifvalue $0x7FFFFFFF  }
0x16a: {  	s29 =	sadd.s32 $0x1300, s24;
	(ifvalue) =	ssetifvalue $0x7FFFFFFF  }
0x16b: {  	v50 =	vadd.s32 $0x1313C00, v1;
	[tilespmem:s29], [sflag:$0x1] =	stream.indirect_vreg.gather [hbm4b:s2+s16], $0x1, v2, vm0, $0x4038;
	[tilespmem:$0x3900] =	vst v63  }
0x16c: {  	(ifvalue) =	ssetifvalue $0x7FFFFFFF;
	v2 =	vnsel vm1, $0x7FFFFFFF, v50  }
0x16d: {  	s30 =	sadd.s32 $0x1380, s24;
	(ifvalue) =	ssetifvalue $0x7FFFFFFF  }
0x16e: {  	v51 =	vadd.s32 $0x1313C80, v1;
	[tilespmem:s30], [sflag:$0x1] =	stream.indirect_vreg.gather [hbm4b:s2+s16], $0x1, v3, vm0, $0x4038;
	[tilespmem:$0x3900] =	vst v63  }
0x16f: {  	v3 =	vnsel vm1, $0x7FFFFFFF, v51;
	(ifvalue) =	ssetifvalue $0x7FFFFFFF  }
0x170: {  	s31 =	sadd.s32 $0x1400, s24;
	(ifvalue) =	ssetifvalue $0x7FFFFFFF  }
0x171: {  	v52 =	vadd.s32 $0x1313D00, v1;
	[tilespmem:s31], [sflag:$0x1] =	stream.indirect_vreg.gather [hbm4b:s2+s16], $0x1, v2, vm0, $0x4038;
	[tilespmem:$0x3900] =	vst v63  }
0x172: {  	(ifvalue) =	ssetifvalue $0x7FFFFFFF;
	v2 =	vnsel vm1, $0x7FFFFFFF, v52  }
0x173: {  	s21 =	sadd.s32 $0x1480, s24;
	(ifvalue) =	ssetifvalue $0x7FFFFFFF  }
0x174: {  	v53 =	vadd.s32 $0x1313D80, v1;
	[tilespmem:s21], [sflag:$0x1] =	stream.indirect_vreg.gather [hbm4b:s2+s16], $0x1, v3, vm0, $0x4038;
	[tilespmem:$0x3900] =	vst v63  }
0x175: {  	v3 =	vnsel vm1, $0x7FFFFFFF, v53;
	(ifvalue) =	ssetifvalue $0x7FFFFFFF  }
0x176: {  	s23 =	sadd.s32 $0x1500, s24;
	(ifvalue) =	ssetifvalue $0x7FFFFFFF  }
0x177: {  	v54 =	vadd.s32 $0x1313E00, v1;
	[tilespmem:s23], [sflag:$0x1] =	stream.indirect_vreg.gather [hbm4b:s2+s16], $0x1, v2, vm0, $0x4038;
	[tilespmem:$0x3900] =	vst v63  }
0x178: {  	(ifvalue) =	ssetifvalue $0x7FFFFFFF;
	v2 =	vnsel vm1, $0x7FFFFFFF, v54  }
0x179: {  	s25 =	sadd.s32 $0x1580, s24;
	(ifvalue) =	ssetifvalue $0x7FFFFFFF  }
0x17a: {  	v55 =	vadd.s32 $0x1313E80, v1;
	[tilespmem:s25], [sflag:$0x1] =	stream.indirect_vreg.gather [hbm4b:s2+s16], $0x1, v3, vm0, $0x4038;
	[tilespmem:$0x3900] =	vst v63  }
0x17b: {  	v3 =	vnsel vm1, $0x7FFFFFFF, v55;
	(ifvalue) =	ssetifvalue $0x7FFFFFFF  }
0x17c: {  	s26 =	sadd.s32 $0x1600, s24;
	(ifvalue) =	ssetifvalue $0x7FFFFFFF  }
0x17d: {  	v56 =	vadd.s32 $0x1313F00, v1;
	[tilespmem:s26], [sflag:$0x1] =	stream.indirect_vreg.gather [hbm4b:s2+s16], $0x1, v2, vm0, $0x4038;
	[tilespmem:$0x3900] =	vst v63  }
0x17e: {  	(ifvalue) =	ssetifvalue $0x7FFFFFFF;
	v2 =	vnsel vm1, $0x7FFFFFFF, v56  }
0x17f: {  	s29 =	sadd.s32 $0x1680, s24;
	(ifvalue) =	ssetifvalue $0x7FFFFFFF  }
0x180: {  	v57 =	vadd.s32 $0x1313F80, v1;
	[tilespmem:s29], [sflag:$0x1] =	stream.indirect_vreg.gather [hbm4b:s2+s16], $0x1, v3, vm0, $0x4038;
	[tilespmem:$0x3900] =	vst v63  }
0x181: {  	v3 =	vnsel vm1, $0x7FFFFFFF, v57;
	(ifvalue) =	ssetifvalue $0x7FFFFFFF  }
0x182: {  	s30 =	sadd.s32 $0x1700, s24;
	(ifvalue) =	ssetifvalue $0x7FFFFFFF  }
0x183: {  	v58 =	vadd.s32 $0x16E4800, v1;
	[tilespmem:s30], [sflag:$0x1] =	stream.indirect_vreg.gather [hbm4b:s2+s16], $0x1, v2, vm0, $0x4038;
	[tilespmem:$0x3900] =	vst v63  }
0x184: {  	(ifvalue) =	ssetifvalue $0x7FFFFFFF;
	v2 =	vnsel vm1, $0x7FFFFFFF, v58  }
0x185: {  	s31 =	sadd.s32 $0x1780, s24;
	(ifvalue) =	ssetifvalue $0x7FFFFFFF  }
0x186: {  	v59 =	vadd.s32 $0x16E4880, v1;
	[tilespmem:s31], [sflag:$0x1] =	stream.indirect_vreg.gather [hbm4b:s2+s16], $0x1, v3, vm0, $0x4038;
	[tilespmem:$0x3900] =	vst v63  }
0x187: {  	v3 =	vnsel vm1, $0x7FFFFFFF, v59;
	(ifvalue) =	ssetifvalue $0x7FFFFFFF  }
0x188: {  	s21 =	sadd.s32 $0x1800, s24;
	(ifvalue) =	ssetifvalue $0x7FFFFFFF  }
0x189: {  	v60 =	vadd.s32 $0x16E4900, v1;
	[tilespmem:s21], [sflag:$0x1] =	stream.indirect_vreg.gather [hbm4b:s2+s16], $0x1, v2, vm0, $0x4038;
	[tilespmem:$0x3900] =	vst v63  }
0x18a: {  	(ifvalue) =	ssetifvalue $0x7FFFFFFF;
	v2 =	vnsel vm1, $0x7FFFFFFF, v60  }
0x18b: {  	s23 =	sadd.s32 $0x1880, s24;
	(ifvalue) =	ssetifvalue $0x7FFFFFFF  }
0x18c: {  	v61 =	vadd.s32 $0x16E4980, v1;
	[tilespmem:s23], [sflag:$0x1] =	stream.indirect_vreg.gather [hbm4b:s2+s16], $0x1, v3, vm0, $0x4038;
	[tilespmem:$0x3900] =	vst v63  }
0x18d: {  	v3 =	vnsel vm1, $0x7FFFFFFF, v61;
	(ifvalue) =	ssetifvalue $0x7FFFFFFF  }
0x18e: {  	s25 =	sadd.s32 $0x1900, s24;
	(ifvalue) =	ssetifvalue $0x7FFFFFFF  }
0x18f: {  	v62 =	vadd.s32 $0x16E4A00, v1;
	[tilespmem:s25], [sflag:$0x1] =	stream.indirect_vreg.gather [hbm4b:s2+s16], $0x1, v2, vm0, $0x4038;
	[tilespmem:$0x3900] =	vst v63  }
0x190: {  	(ifvalue) =	ssetifvalue $0x7FFFFFFF;
	v2 =	vnsel vm1, $0x7FFFFFFF, v62  }
0x191: {  	s26 =	sadd.s32 $0x1980, s24;
	(ifvalue) =	ssetifvalue $0x7FFFFFFF  }
0x192: {  	v63 =	vadd.s32 $0x16E4A80, v1;
	[tilespmem:s26], [sflag:$0x1] =	stream.indirect_vreg.gather [hbm4b:s2+s16], $0x1, v3, vm0, $0x4038;
	[tilespmem:$0x3900] =	vst v63  }
0x193: {  	s30 =	sand.u32 $0x1, s18;
	v3 =	vnsel vm1, $0x7FFFFFFF, v63;
	(ifvalue) =	ssetifvalue $0x7FFFFFFF  }
0x194: {  	s29 =	sadd.s32 $0x1A00, s24;
	s20 =	smul.u32 $0x7000, s30;
	(ifvalue) =	ssetifvalue $0x7FFFFFFF  }
0x195: {  	[tilespmem:s29], [sflag:$0x1] =	stream.indirect_vreg.gather [hbm4b:s2+s16], $0x1, v2, vm0, $0x4038;
	v2 =	vadd.s32 $0x16E4B00, v1;
	[tilespmem:$0x3900] =	vst v63  }
0x196: {  	(ifvalue) =	ssetifvalue $0x7FFFFFFF;
	v2 =	vnsel vm1, $0x7FFFFFFF, v2  }
0x197: {  	s31 =	sadd.s32 $0x1A80, s24;
	s20 =	sshrl.u32 s20, $0x2;
	(ifvalue) =	ssetifvalue $0x7FFFFFFF  }
0x198: {  	v1 =	vadd.s32 $0x16E4B80, v1;
	[tilespmem:s31], [sflag:$0x1] =	stream.indirect_vreg.gather [hbm4b:s2+s16], $0x1, v3, vm0, $0x4038;
	[tilespmem:$0x3900] =	vst v63  }
0x199: {  	s22 =	sadd.s32 $0xFFFFFFF0, s22;
	s21 =	sor.u32 $0x100, s20;
	v1 =	vnsel vm1, $0x7FFFFFFF, v1;
	(ifvalue) =	ssetifvalue $0x7FFFFFFF  }
0x19a: {  	s26 =	sadd.s32 $0x1B00, s24;
	s25 =	rddreg [dreg:$0x4];
	(ifvalue) =	ssetifvalue $0x7FFFFFFF  }
0x19b: {  	[tilespmem:s26], [sflag:$0x1] =	stream.indirect_vreg.gather [hbm4b:s2+s16], $0x1, v2, vm0, $0x4038;
	[tilespmem:$0x3900] =	vst v63  }
0x19c: {  	s23 =	simm.s32 $0x80;
	s24 =	sadd.s32 $0x1B80, s24;
	(ifvalue) =	ssetifvalue $0x7FFFFFFF  }
0x19d: {  	s28 =	sadd.s32 $0x10, s25;
	s26 =	simm.s32 $0x10;
	(ifvalue) =	ssetifvalue $0x7FFFFFFF  }
.LBB2_3:
0x19e: {  	[tilespmem:s24], [sflag:$0x1] =	stream.indirect_vreg.gather [hbm4b:s2+s16], $0x1, v1, vm0, $0x4038;
	[tilespmem:$0x3900] =	vst v63  }
0x19f: {  	v1 =	vld.msk [tilespmem:s28+$0x0 ss:$0x1], $0xffff;
	_ =	sdelay $0x4  }
0x1a0: {  	vm1 =	vgt.s32 v1, $0x0  }
0x1a1: {  	p2 =	sgt.s32 s22, $0x0;
	s28 =	smov.u32 s22;
	v1 =	vnsel vm1, $0x0, v1  }
0x1a2: {  	s28 =	simm.s32 @!p2 $0x0;
	v1 =	vmin.u32 v1, $0x7A11F  }
0x1a3: {  	s28 =	smin.u32 s28, $0x10;
	v2 =	vshll.u32 v1, $0x3  }
0x1a4: {  	v3 =	vmov s28;
	v1 =	vand.u32 $0x7F, v1;
	v2 =	vand.u32 $0x3FFC00, v2  }
0x1a5: {  	vm1 =	vgt.u32 v3, v0;
	v1 =	vor.u32 v1, v2  }
0x1a6: {  	v2 =	vnsel vm1, $0x7FFFFFFF, v1;
	_ =	sdelay $0x1  }
0x1a7: {  	v3 =	vor.u32 $0x80, v1  }
0x1a8: {  	(ifvalue) =	ssetifvalue $0x7FFFFFFF;
	s25 =	rddreg [dreg:$0x5];
	v3 =	vnsel vm1, $0x7FFFFFFF, v3  }
0x1a9: {  	s25 =	sadd.s32 s26, s25;
	(ifvalue) =	ssetifvalue $0x7FFFFFFF  }
0x1aa: {  	v4 =	vor.u32 $0x100, v1;
	[tilespmem:s25], [sflag:$0x1] =	stream.indirect_vreg.gather [hbm4b:s2+s16], $0x1, v2, vm0, $0x4038;
	[tilespmem:$0x3900] =	vst v63  }
0x1ab: {  	(ifvalue) =	ssetifvalue $0x7FFFFFFF;
	v2 =	vnsel vm1, $0x7FFFFFFF, v4  }
0x1ac: {  	s26 =	sadd.s32 $0x80, s25;
	(ifvalue) =	ssetifvalue $0x7FFFFFFF  }
0x1ad: {  	v5 =	vor.u32 $0x180, v1;
	[tilespmem:s26], [sflag:$0x1] =	stream.indirect_vreg.gather [hbm4b:s2+s16], $0x1, v3, vm0, $0x4038;
	[tilespmem:$0x3900] =	vst v63  }
0x1ae: {  	v3 =	vnsel vm1, $0x7FFFFFFF, v5;
	(ifvalue) =	ssetifvalue $0x7FFFFFFF  }
0x1af: {  	s30 =	sadd.s32 $0x100, s25;
	(ifvalue) =	ssetifvalue $0x7FFFFFFF  }
0x1b0: {  	v6 =	vor.u32 $0x200, v1;
	[tilespmem:s30], [sflag:$0x1] =	stream.indirect_vreg.gather [hbm4b:s2+s16], $0x1, v2, vm0, $0x4038;
	[tilespmem:$0x3900] =	vst v63  }
0x1b1: {  	(ifvalue) =	ssetifvalue $0x7FFFFFFF;
	v2 =	vnsel vm1, $0x7FFFFFFF, v6  }
0x1b2: {  	s31 =	sadd.s32 $0x180, s25;
	(ifvalue) =	ssetifvalue $0x7FFFFFFF  }
0x1b3: {  	v7 =	vor.u32 $0x280, v1;
	[tilespmem:s31], [sflag:$0x1] =	stream.indirect_vreg.gather [hbm4b:s2+s16], $0x1, v3, vm0, $0x4038;
	[tilespmem:$0x3900] =	vst v63  }
0x1b4: {  	v3 =	vnsel vm1, $0x7FFFFFFF, v7;
	(ifvalue) =	ssetifvalue $0x7FFFFFFF  }
0x1b5: {  	s29 =	sadd.s32 $0x200, s25;
	(ifvalue) =	ssetifvalue $0x7FFFFFFF  }
0x1b6: {  	v8 =	vor.u32 $0x300, v1;
	[tilespmem:s29], [sflag:$0x1] =	stream.indirect_vreg.gather [hbm4b:s2+s16], $0x1, v2, vm0, $0x4038;
	[tilespmem:$0x3900] =	vst v63  }
0x1b7: {  	(ifvalue) =	ssetifvalue $0x7FFFFFFF;
	v2 =	vnsel vm1, $0x7FFFFFFF, v8  }
0x1b8: {  	s30 =	sadd.s32 $0x280, s25;
	(ifvalue) =	ssetifvalue $0x7FFFFFFF  }
0x1b9: {  	v9 =	vor.u32 $0x380, v1;
	[tilespmem:s30], [sflag:$0x1] =	stream.indirect_vreg.gather [hbm4b:s2+s16], $0x1, v3, vm0, $0x4038;
	[tilespmem:$0x3900] =	vst v63  }
0x1ba: {  	v3 =	vnsel vm1, $0x7FFFFFFF, v9;
	(ifvalue) =	ssetifvalue $0x7FFFFFFF  }
0x1bb: {  	s31 =	sadd.s32 $0x300, s25;
	(ifvalue) =	ssetifvalue $0x7FFFFFFF  }
0x1bc: {  	v44 =	vadd.s32 $0x3D0C00, v1;
	[tilespmem:s31], [sflag:$0x1] =	stream.indirect_vreg.gather [hbm4b:s2+s16], $0x1, v2, vm0, $0x4038;
	[tilespmem:$0x3900] =	vst v63  }
0x1bd: {  	v44 =	vnsel vm1, $0x7FFFFFFF, v44;
	(ifvalue) =	ssetifvalue $0x7FFFFFFF  }
0x1be: {  	s29 =	sadd.s32 $0x380, s25;
	(ifvalue) =	ssetifvalue $0x7FFFFFFF  }
0x1bf: {  	v45 =	vadd.s32 $0x3D0C80, v1;
	[tilespmem:s29], [sflag:$0x1] =	stream.indirect_vreg.gather [hbm4b:s2+s16], $0x1, v3, vm0, $0x4038;
	[tilespmem:$0x3900] =	vst v63  }
0x1c0: {  	v45 =	vnsel vm1, $0x7FFFFFFF, v45;
	(ifvalue) =	ssetifvalue $0x7FFFFFFF  }
0x1c1: {  	s30 =	sadd.s32 $0x400, s25;
	(ifvalue) =	ssetifvalue $0x7FFFFFFF  }
0x1c2: {  	v46 =	vadd.s32 $0x3D0D00, v1;
	[tilespmem:s30], [sflag:$0x1] =	stream.indirect_vreg.gather [hbm4b:s2+s16], $0x1, v44, vm0, $0x4038;
	[tilespmem:$0x3900] =	vst v63  }
0x1c3: {  	v61 =	vnsel vm1, $0x7FFFFFFF, v46;
	(ifvalue) =	ssetifvalue $0x7FFFFFFF  }
0x1c4: {  	s31 =	sadd.s32 $0x480, s25;
	(ifvalue) =	ssetifvalue $0x7FFFFFFF  }
0x1c5: {  	v47 =	vadd.s32 $0x3D0D80, v1;
	[tilespmem:s31], [sflag:$0x1] =	stream.indirect_vreg.gather [hbm4b:s2+s16], $0x1, v45, vm0, $0x4038;
	[tilespmem:$0x3900] =	vst v63  }
0x1c6: {  	v62 =	vnsel vm1, $0x7FFFFFFF, v47;
	(ifvalue) =	ssetifvalue $0x7FFFFFFF  }
0x1c7: {  	s29 =	sadd.s32 $0x500, s25;
	(ifvalue) =	ssetifvalue $0x7FFFFFFF  }
0x1c8: {  	v48 =	vadd.s32 $0x3D0E00, v1;
	[tilespmem:s29], [sflag:$0x1] =	stream.indirect_vreg.gather [hbm4b:s2+s16], $0x1, v61, vm0, $0x4038;
	[tilespmem:$0x3900] =	vst v63  }
0x1c9: {  	v63 =	vnsel vm1, $0x7FFFFFFF, v48;
	(ifvalue) =	ssetifvalue $0x7FFFFFFF  }
0x1ca: {  	s30 =	sadd.s32 $0x580, s25;
	(ifvalue) =	ssetifvalue $0x7FFFFFFF  }
0x1cb: {  	v43 =	vadd.s32 $0x3D0E80, v1;
	[tilespmem:s30], [sflag:$0x1] =	stream.indirect_vreg.gather [hbm4b:s2+s16], $0x1, v62, vm0, $0x4038;
	[tilespmem:$0x3900] =	vst v63  }
0x1cc: {  	v43 =	vnsel vm1, $0x7FFFFFFF, v43;
	(ifvalue) =	ssetifvalue $0x7FFFFFFF  }
0x1cd: {  	s31 =	sadd.s32 $0x600, s25;
	(ifvalue) =	ssetifvalue $0x7FFFFFFF  }
0x1ce: {  	v42 =	vadd.s32 $0x3D0F00, v1;
	[tilespmem:s31], [sflag:$0x1] =	stream.indirect_vreg.gather [hbm4b:s2+s16], $0x1, v63, vm0, $0x4038;
	[tilespmem:$0x3900] =	vst v63  }
0x1cf: {  	v42 =	vnsel vm1, $0x7FFFFFFF, v42;
	(ifvalue) =	ssetifvalue $0x7FFFFFFF  }
0x1d0: {  	s29 =	sadd.s32 $0x680, s25;
	(ifvalue) =	ssetifvalue $0x7FFFFFFF  }
0x1d1: {  	v41 =	vadd.s32 $0x3D0F80, v1;
	[tilespmem:s29], [sflag:$0x1] =	stream.indirect_vreg.gather [hbm4b:s2+s16], $0x1, v43, vm0, $0x4038;
	[tilespmem:$0x3900] =	vst v63  }
0x1d2: {  	v41 =	vnsel vm1, $0x7FFFFFFF, v41;
	(ifvalue) =	ssetifvalue $0x7FFFFFFF  }
0x1d3: {  	s30 =	sadd.s32 $0x700, s25;
	(ifvalue) =	ssetifvalue $0x7FFFFFFF  }
0x1d4: {  	v40 =	vadd.s32 $0x7A1800, v1;
	[tilespmem:s30], [sflag:$0x1] =	stream.indirect_vreg.gather [hbm4b:s2+s16], $0x1, v42, vm0, $0x4038;
	[tilespmem:$0x3900] =	vst v63  }
0x1d5: {  	v40 =	vnsel vm1, $0x7FFFFFFF, v40;
	(ifvalue) =	ssetifvalue $0x7FFFFFFF  }
0x1d6: {  	s31 =	sadd.s32 $0x780, s25;
	(ifvalue) =	ssetifvalue $0x7FFFFFFF  }
0x1d7: {  	v39 =	vadd.s32 $0x7A1880, v1;
	[tilespmem:s31], [sflag:$0x1] =	stream.indirect_vreg.gather [hbm4b:s2+s16], $0x1, v41, vm0, $0x4038;
	[tilespmem:$0x3900] =	vst v63  }
0x1d8: {  	v39 =	vnsel vm1, $0x7FFFFFFF, v39;
	(ifvalue) =	ssetifvalue $0x7FFFFFFF  }
0x1d9: {  	s29 =	sadd.s32 $0x800, s25;
	(ifvalue) =	ssetifvalue $0x7FFFFFFF  }
0x1da: {  	v38 =	vadd.s32 $0x7A1900, v1;
	[tilespmem:s29], [sflag:$0x1] =	stream.indirect_vreg.gather [hbm4b:s2+s16], $0x1, v40, vm0, $0x4038;
	[tilespmem:$0x3900] =	vst v63  }
0x1db: {  	v38 =	vnsel vm1, $0x7FFFFFFF, v38;
	(ifvalue) =	ssetifvalue $0x7FFFFFFF  }
0x1dc: {  	s30 =	sadd.s32 $0x880, s25;
	(ifvalue) =	ssetifvalue $0x7FFFFFFF  }
0x1dd: {  	v37 =	vadd.s32 $0x7A1980, v1;
	[tilespmem:s30], [sflag:$0x1] =	stream.indirect_vreg.gather [hbm4b:s2+s16], $0x1, v39, vm0, $0x4038;
	[tilespmem:$0x3900] =	vst v63  }
0x1de: {  	v37 =	vnsel vm1, $0x7FFFFFFF, v37;
	(ifvalue) =	ssetifvalue $0x7FFFFFFF  }
0x1df: {  	s31 =	sadd.s32 $0x900, s25;
	(ifvalue) =	ssetifvalue $0x7FFFFFFF  }
0x1e0: {  	v36 =	vadd.s32 $0x7A1A00, v1;
	[tilespmem:s31], [sflag:$0x1] =	stream.indirect_vreg.gather [hbm4b:s2+s16], $0x1, v38, vm0, $0x4038;
	[tilespmem:$0x3900] =	vst v63  }
0x1e1: {  	v36 =	vnsel vm1, $0x7FFFFFFF, v36;
	(ifvalue) =	ssetifvalue $0x7FFFFFFF  }
0x1e2: {  	s29 =	sadd.s32 $0x980, s25;
	(ifvalue) =	ssetifvalue $0x7FFFFFFF  }
0x1e3: {  	v35 =	vadd.s32 $0x7A1A80, v1;
	[tilespmem:s29], [sflag:$0x1] =	stream.indirect_vreg.gather [hbm4b:s2+s16], $0x1, v37, vm0, $0x4038;
	[tilespmem:$0x3900] =	vst v63  }
0x1e4: {  	v35 =	vnsel vm1, $0x7FFFFFFF, v35;
	(ifvalue) =	ssetifvalue $0x7FFFFFFF  }
0x1e5: {  	s30 =	sadd.s32 $0xA00, s25;
	(ifvalue) =	ssetifvalue $0x7FFFFFFF  }
0x1e6: {  	v34 =	vadd.s32 $0x7A1B00, v1;
	[tilespmem:s30], [sflag:$0x1] =	stream.indirect_vreg.gather [hbm4b:s2+s16], $0x1, v36, vm0, $0x4038;
	[tilespmem:$0x3900] =	vst v63  }
0x1e7: {  	v34 =	vnsel vm1, $0x7FFFFFFF, v34;
	(ifvalue) =	ssetifvalue $0x7FFFFFFF  }
0x1e8: {  	s31 =	sadd.s32 $0xA80, s25;
	(ifvalue) =	ssetifvalue $0x7FFFFFFF  }
0x1e9: {  	v33 =	vadd.s32 $0x7A1B80, v1;
	[tilespmem:s31], [sflag:$0x1] =	stream.indirect_vreg.gather [hbm4b:s2+s16], $0x1, v35, vm0, $0x4038;
	[tilespmem:$0x3900] =	vst v63  }
0x1ea: {  	v33 =	vnsel vm1, $0x7FFFFFFF, v33;
	(ifvalue) =	ssetifvalue $0x7FFFFFFF  }
0x1eb: {  	s29 =	sadd.s32 $0xB00, s25;
	(ifvalue) =	ssetifvalue $0x7FFFFFFF  }
0x1ec: {  	v32 =	vadd.s32 $0xB72400, v1;
	[tilespmem:s29], [sflag:$0x1] =	stream.indirect_vreg.gather [hbm4b:s2+s16], $0x1, v34, vm0, $0x4038;
	[tilespmem:$0x3900] =	vst v63  }
0x1ed: {  	v32 =	vnsel vm1, $0x7FFFFFFF, v32;
	(ifvalue) =	ssetifvalue $0x7FFFFFFF  }
0x1ee: {  	s30 =	sadd.s32 $0xB80, s25;
	(ifvalue) =	ssetifvalue $0x7FFFFFFF  }
0x1ef: {  	v31 =	vadd.s32 $0xB72480, v1;
	[tilespmem:s30], [sflag:$0x1] =	stream.indirect_vreg.gather [hbm4b:s2+s16], $0x1, v33, vm0, $0x4038;
	[tilespmem:$0x3900] =	vst v63  }
0x1f0: {  	v31 =	vnsel vm1, $0x7FFFFFFF, v31;
	(ifvalue) =	ssetifvalue $0x7FFFFFFF  }
0x1f1: {  	s31 =	sadd.s32 $0xC00, s25;
	(ifvalue) =	ssetifvalue $0x7FFFFFFF  }
0x1f2: {  	v30 =	vadd.s32 $0xB72500, v1;
	[tilespmem:s31], [sflag:$0x1] =	stream.indirect_vreg.gather [hbm4b:s2+s16], $0x1, v32, vm0, $0x4038;
	[tilespmem:$0x3900] =	vst v63  }
0x1f3: {  	v30 =	vnsel vm1, $0x7FFFFFFF, v30;
	(ifvalue) =	ssetifvalue $0x7FFFFFFF  }
0x1f4: {  	s29 =	sadd.s32 $0xC80, s25;
	(ifvalue) =	ssetifvalue $0x7FFFFFFF  }
0x1f5: {  	v29 =	vadd.s32 $0xB72580, v1;
	[tilespmem:s29], [sflag:$0x1] =	stream.indirect_vreg.gather [hbm4b:s2+s16], $0x1, v31, vm0, $0x4038;
	[tilespmem:$0x3900] =	vst v63  }
0x1f6: {  	v29 =	vnsel vm1, $0x7FFFFFFF, v29;
	(ifvalue) =	ssetifvalue $0x7FFFFFFF  }
0x1f7: {  	s30 =	sadd.s32 $0xD00, s25;
	(ifvalue) =	ssetifvalue $0x7FFFFFFF  }
0x1f8: {  	v28 =	vadd.s32 $0xB72600, v1;
	[tilespmem:s30], [sflag:$0x1] =	stream.indirect_vreg.gather [hbm4b:s2+s16], $0x1, v30, vm0, $0x4038;
	[tilespmem:$0x3900] =	vst v63  }
0x1f9: {  	v28 =	vnsel vm1, $0x7FFFFFFF, v28;
	(ifvalue) =	ssetifvalue $0x7FFFFFFF  }
0x1fa: {  	s31 =	sadd.s32 $0xD80, s25;
	(ifvalue) =	ssetifvalue $0x7FFFFFFF  }
0x1fb: {  	v27 =	vadd.s32 $0xB72680, v1;
	[tilespmem:s31], [sflag:$0x1] =	stream.indirect_vreg.gather [hbm4b:s2+s16], $0x1, v29, vm0, $0x4038;
	[tilespmem:$0x3900] =	vst v63  }
0x1fc: {  	v27 =	vnsel vm1, $0x7FFFFFFF, v27;
	(ifvalue) =	ssetifvalue $0x7FFFFFFF  }
0x1fd: {  	s29 =	sadd.s32 $0xE00, s25;
	(ifvalue) =	ssetifvalue $0x7FFFFFFF  }
0x1fe: {  	v26 =	vadd.s32 $0xB72700, v1;
	[tilespmem:s29], [sflag:$0x1] =	stream.indirect_vreg.gather [hbm4b:s2+s16], $0x1, v28, vm0, $0x4038;
	[tilespmem:$0x3900] =	vst v63  }
0x1ff: {  	v26 =	vnsel vm1, $0x7FFFFFFF, v26;
	(ifvalue) =	ssetifvalue $0x7FFFFFFF  }
0x200: {  	s30 =	sadd.s32 $0xE80, s25;
	(ifvalue) =	ssetifvalue $0x7FFFFFFF  }
0x201: {  	v25 =	vadd.s32 $0xB72780, v1;
	[tilespmem:s30], [sflag:$0x1] =	stream.indirect_vreg.gather [hbm4b:s2+s16], $0x1, v27, vm0, $0x4038;
	[tilespmem:$0x3900] =	vst v63  }
0x202: {  	v25 =	vnsel vm1, $0x7FFFFFFF, v25;
	(ifvalue) =	ssetifvalue $0x7FFFFFFF  }
0x203: {  	s31 =	sadd.s32 $0xF00, s25;
	(ifvalue) =	ssetifvalue $0x7FFFFFFF  }
0x204: {  	v24 =	vadd.s32 $0xF43000, v1;
	[tilespmem:s31], [sflag:$0x1] =	stream.indirect_vreg.gather [hbm4b:s2+s16], $0x1, v26, vm0, $0x4038;
	[tilespmem:$0x3900] =	vst v63  }
0x205: {  	v24 =	vnsel vm1, $0x7FFFFFFF, v24;
	(ifvalue) =	ssetifvalue $0x7FFFFFFF  }
0x206: {  	s29 =	sadd.s32 $0xF80, s25;
	(ifvalue) =	ssetifvalue $0x7FFFFFFF  }
0x207: {  	v23 =	vadd.s32 $0xF43080, v1;
	[tilespmem:s29], [sflag:$0x1] =	stream.indirect_vreg.gather [hbm4b:s2+s16], $0x1, v25, vm0, $0x4038;
	[tilespmem:$0x3900] =	vst v63  }
0x208: {  	v23 =	vnsel vm1, $0x7FFFFFFF, v23;
	(ifvalue) =	ssetifvalue $0x7FFFFFFF  }
0x209: {  	s30 =	sadd.s32 $0x1000, s25;
	(ifvalue) =	ssetifvalue $0x7FFFFFFF  }
0x20a: {  	v22 =	vadd.s32 $0xF43100, v1;
	[tilespmem:s30], [sflag:$0x1] =	stream.indirect_vreg.gather [hbm4b:s2+s16], $0x1, v24, vm0, $0x4038;
	[tilespmem:$0x3900] =	vst v63  }
0x20b: {  	v22 =	vnsel vm1, $0x7FFFFFFF, v22;
	(ifvalue) =	ssetifvalue $0x7FFFFFFF  }
0x20c: {  	s31 =	sadd.s32 $0x1080, s25;
	(ifvalue) =	ssetifvalue $0x7FFFFFFF  }
0x20d: {  	v21 =	vadd.s32 $0xF43180, v1;
	[tilespmem:s31], [sflag:$0x1] =	stream.indirect_vreg.gather [hbm4b:s2+s16], $0x1, v23, vm0, $0x4038;
	[tilespmem:$0x3900] =	vst v63  }
0x20e: {  	v21 =	vnsel vm1, $0x7FFFFFFF, v21;
	(ifvalue) =	ssetifvalue $0x7FFFFFFF  }
0x20f: {  	s29 =	sadd.s32 $0x1100, s25;
	(ifvalue) =	ssetifvalue $0x7FFFFFFF  }
0x210: {  	v20 =	vadd.s32 $0xF43200, v1;
	[tilespmem:s29], [sflag:$0x1] =	stream.indirect_vreg.gather [hbm4b:s2+s16], $0x1, v22, vm0, $0x4038;
	[tilespmem:$0x3900] =	vst v63  }
0x211: {  	v20 =	vnsel vm1, $0x7FFFFFFF, v20;
	(ifvalue) =	ssetifvalue $0x7FFFFFFF  }
0x212: {  	s30 =	sadd.s32 $0x1180, s25;
	(ifvalue) =	ssetifvalue $0x7FFFFFFF  }
0x213: {  	v19 =	vadd.s32 $0xF43280, v1;
	[tilespmem:s30], [sflag:$0x1] =	stream.indirect_vreg.gather [hbm4b:s2+s16], $0x1, v21, vm0, $0x4038;
	[tilespmem:$0x3900] =	vst v63  }
0x214: {  	v19 =	vnsel vm1, $0x7FFFFFFF, v19;
	(ifvalue) =	ssetifvalue $0x7FFFFFFF  }
0x215: {  	s31 =	sadd.s32 $0x1200, s25;
	(ifvalue) =	ssetifvalue $0x7FFFFFFF  }
0x216: {  	v18 =	vadd.s32 $0xF43300, v1;
	[tilespmem:s31], [sflag:$0x1] =	stream.indirect_vreg.gather [hbm4b:s2+s16], $0x1, v20, vm0, $0x4038;
	[tilespmem:$0x3900] =	vst v63  }
0x217: {  	v18 =	vnsel vm1, $0x7FFFFFFF, v18;
	(ifvalue) =	ssetifvalue $0x7FFFFFFF  }
0x218: {  	s29 =	sadd.s32 $0x1280, s25;
	(ifvalue) =	ssetifvalue $0x7FFFFFFF  }
0x219: {  	v17 =	vadd.s32 $0xF43380, v1;
	[tilespmem:s29], [sflag:$0x1] =	stream.indirect_vreg.gather [hbm4b:s2+s16], $0x1, v19, vm0, $0x4038;
	[tilespmem:$0x3900] =	vst v63  }
0x21a: {  	v17 =	vnsel vm1, $0x7FFFFFFF, v17;
	(ifvalue) =	ssetifvalue $0x7FFFFFFF  }
0x21b: {  	s30 =	sadd.s32 $0x1300, s25;
	(ifvalue) =	ssetifvalue $0x7FFFFFFF  }
0x21c: {  	v16 =	vadd.s32 $0x1313C00, v1;
	[tilespmem:s30], [sflag:$0x1] =	stream.indirect_vreg.gather [hbm4b:s2+s16], $0x1, v18, vm0, $0x4038;
	[tilespmem:$0x3900] =	vst v63  }
0x21d: {  	v16 =	vnsel vm1, $0x7FFFFFFF, v16;
	(ifvalue) =	ssetifvalue $0x7FFFFFFF  }
0x21e: {  	s31 =	sadd.s32 $0x1380, s25;
	(ifvalue) =	ssetifvalue $0x7FFFFFFF  }
0x21f: {  	v15 =	vadd.s32 $0x1313C80, v1;
	[tilespmem:s31], [sflag:$0x1] =	stream.indirect_vreg.gather [hbm4b:s2+s16], $0x1, v17, vm0, $0x4038;
	[tilespmem:$0x3900] =	vst v63  }
0x220: {  	v15 =	vnsel vm1, $0x7FFFFFFF, v15;
	(ifvalue) =	ssetifvalue $0x7FFFFFFF  }
0x221: {  	s29 =	sadd.s32 $0x1400, s25;
	(ifvalue) =	ssetifvalue $0x7FFFFFFF  }
0x222: {  	v14 =	vadd.s32 $0x1313D00, v1;
	[tilespmem:s29], [sflag:$0x1] =	stream.indirect_vreg.gather [hbm4b:s2+s16], $0x1, v16, vm0, $0x4038;
	[tilespmem:$0x3900] =	vst v63  }
0x223: {  	v14 =	vnsel vm1, $0x7FFFFFFF, v14;
	(ifvalue) =	ssetifvalue $0x7FFFFFFF  }
0x224: {  	s30 =	sadd.s32 $0x1480, s25;
	(ifvalue) =	ssetifvalue $0x7FFFFFFF  }
0x225: {  	v13 =	vadd.s32 $0x1313D80, v1;
	[tilespmem:s30], [sflag:$0x1] =	stream.indirect_vreg.gather [hbm4b:s2+s16], $0x1, v15, vm0, $0x4038;
	[tilespmem:$0x3900] =	vst v63  }
0x226: {  	v13 =	vnsel vm1, $0x7FFFFFFF, v13;
	(ifvalue) =	ssetifvalue $0x7FFFFFFF  }
0x227: {  	s31 =	sadd.s32 $0x1500, s25;
	(ifvalue) =	ssetifvalue $0x7FFFFFFF  }
0x228: {  	v12 =	vadd.s32 $0x1313E00, v1;
	[tilespmem:s31], [sflag:$0x1] =	stream.indirect_vreg.gather [hbm4b:s2+s16], $0x1, v14, vm0, $0x4038;
	[tilespmem:$0x3900] =	vst v63  }
0x229: {  	v12 =	vnsel vm1, $0x7FFFFFFF, v12;
	(ifvalue) =	ssetifvalue $0x7FFFFFFF  }
0x22a: {  	s29 =	sadd.s32 $0x1580, s25;
	(ifvalue) =	ssetifvalue $0x7FFFFFFF  }
0x22b: {  	v11 =	vadd.s32 $0x1313E80, v1;
	[tilespmem:s29], [sflag:$0x1] =	stream.indirect_vreg.gather [hbm4b:s2+s16], $0x1, v13, vm0, $0x4038;
	[tilespmem:$0x3900] =	vst v63  }
0x22c: {  	v11 =	vnsel vm1, $0x7FFFFFFF, v11;
	(ifvalue) =	ssetifvalue $0x7FFFFFFF  }
0x22d: {  	s30 =	sadd.s32 $0x1600, s25;
	(ifvalue) =	ssetifvalue $0x7FFFFFFF  }
0x22e: {  	v10 =	vadd.s32 $0x1313F00, v1;
	[tilespmem:s30], [sflag:$0x1] =	stream.indirect_vreg.gather [hbm4b:s2+s16], $0x1, v12, vm0, $0x4038;
	[tilespmem:$0x3900] =	vst v63  }
0x22f: {  	v10 =	vnsel vm1, $0x7FFFFFFF, v10;
	(ifvalue) =	ssetifvalue $0x7FFFFFFF  }
0x230: {  	s31 =	sadd.s32 $0x1680, s25;
	(ifvalue) =	ssetifvalue $0x7FFFFFFF  }
0x231: {  	v55 =	vadd.s32 $0x1313F80, v1;
	[tilespmem:s31], [sflag:$0x1] =	stream.indirect_vreg.gather [hbm4b:s2+s16], $0x1, v11, vm0, $0x4038;
	[tilespmem:$0x3900] =	vst v63  }
0x232: {  	v9 =	vnsel vm1, $0x7FFFFFFF, v55;
	(ifvalue) =	ssetifvalue $0x7FFFFFFF  }
0x233: {  	s29 =	sadd.s32 $0x1700, s25;
	(ifvalue) =	ssetifvalue $0x7FFFFFFF  }
0x234: {  	v56 =	vadd.s32 $0x16E4800, v1;
	[tilespmem:s29], [sflag:$0x1] =	stream.indirect_vreg.gather [hbm4b:s2+s16], $0x1, v10, vm0, $0x4038;
	[tilespmem:$0x3900] =	vst v63  }
0x235: {  	v8 =	vnsel vm1, $0x7FFFFFFF, v56;
	(ifvalue) =	ssetifvalue $0x7FFFFFFF  }
0x236: {  	s30 =	sadd.s32 $0x1780, s25;
	(ifvalue) =	ssetifvalue $0x7FFFFFFF  }
0x237: {  	v57 =	vadd.s32 $0x16E4880, v1;
	[tilespmem:s30], [sflag:$0x1] =	stream.indirect_vreg.gather [hbm4b:s2+s16], $0x1, v9, vm0, $0x4038;
	[tilespmem:$0x3900] =	vst v63  }
0x238: {  	v7 =	vnsel vm1, $0x7FFFFFFF, v57;
	(ifvalue) =	ssetifvalue $0x7FFFFFFF  }
0x239: {  	s31 =	sadd.s32 $0x1800, s25;
	(ifvalue) =	ssetifvalue $0x7FFFFFFF  }
0x23a: {  	v58 =	vadd.s32 $0x16E4900, v1;
	[tilespmem:s31], [sflag:$0x1] =	stream.indirect_vreg.gather [hbm4b:s2+s16], $0x1, v8, vm0, $0x4038;
	[tilespmem:$0x3900] =	vst v63  }
0x23b: {  	v6 =	vnsel vm1, $0x7FFFFFFF, v58;
	(ifvalue) =	ssetifvalue $0x7FFFFFFF  }
0x23c: {  	s29 =	sadd.s32 $0x1880, s25;
	(ifvalue) =	ssetifvalue $0x7FFFFFFF  }
0x23d: {  	v59 =	vadd.s32 $0x16E4980, v1;
	[tilespmem:s29], [sflag:$0x1] =	stream.indirect_vreg.gather [hbm4b:s2+s16], $0x1, v7, vm0, $0x4038;
	[tilespmem:$0x3900] =	vst v63  }
0x23e: {  	v5 =	vnsel vm1, $0x7FFFFFFF, v59;
	(ifvalue) =	ssetifvalue $0x7FFFFFFF  }
0x23f: {  	s30 =	sadd.s32 $0x1900, s25;
	(ifvalue) =	ssetifvalue $0x7FFFFFFF  }
0x240: {  	v60 =	vadd.s32 $0x16E4A00, v1;
	[tilespmem:s30], [sflag:$0x1] =	stream.indirect_vreg.gather [hbm4b:s2+s16], $0x1, v6, vm0, $0x4038;
	[tilespmem:$0x3900] =	vst v63  }
0x241: {  	v4 =	vnsel vm1, $0x7FFFFFFF, v60;
	(ifvalue) =	ssetifvalue $0x7FFFFFFF  }
0x242: {  	s31 =	sadd.s32 $0x1980, s25;
	(ifvalue) =	ssetifvalue $0x7FFFFFFF  }
0x243: {  	v3 =	vadd.s32 $0x16E4A80, v1;
	[tilespmem:s31], [sflag:$0x1] =	stream.indirect_vreg.gather [hbm4b:s2+s16], $0x1, v5, vm0, $0x4038;
	[tilespmem:$0x3900] =	vst v63  }
0x244: {  	v3 =	vnsel vm1, $0x7FFFFFFF, v3;
	(ifvalue) =	ssetifvalue $0x7FFFFFFF  }
0x245: {  	s29 =	sadd.s32 $0x1A00, s25;
	(ifvalue) =	ssetifvalue $0x7FFFFFFF  }
0x246: {  	v2 =	vadd.s32 $0x16E4B00, v1;
	[tilespmem:s29], [sflag:$0x1] =	stream.indirect_vreg.gather [hbm4b:s2+s16], $0x1, v4, vm0, $0x4038;
	[tilespmem:$0x3900] =	vst v63  }
0x247: {  	p1 =	sne.s32 s23, $0x1C0;
	v2 =	vnsel vm1, $0x7FFFFFFF, v2;
	(ifvalue) =	ssetifvalue $0x7FFFFFFF  }
0x248: {  	s24 =	smov.u32 s23;
	s30 =	sadd.s32 $0x1A80, s25;
	(ifvalue) =	ssetifvalue $0x7FFFFFFF  }
0x249: {  	[tilespmem:s30], [sflag:$0x1] =	stream.indirect_vreg.gather [hbm4b:s2+s16], $0x1, v3, vm0, $0x4038;
	[tilespmem:$0x3900] =	vst v63  }
.Ltmp3:
0x24a: {  	s23 =	sadd.s32 $0x40, s23;
	(ifvalue) =	ssetifvalue $0x7FFFFFFF;
	(pc) =	sbr.rel @p1 .LBB2_3-.Ltmp3, $4  }
0x24b: {  	s31 =	sadd.s32 $0x1B00, s25;
	s28 =	rddreg [dreg:$0x4];
	(ifvalue) =	ssetifvalue $0x7FFFFFFF  }
0x24c: {  	[tilespmem:s31], [sflag:$0x1] =	stream.indirect_vreg.gather [hbm4b:s2+s16], $0x1, v2, vm0, $0x4038;
	[tilespmem:$0x3900] =	vst v63  }
0x24d: {  	s22 =	sadd.s32 $0xFFFFFFF0, s22;
	s26 =	sshra.s32 s24, $0x2;
	v1 =	vadd.s32 $0x16E4B80, v1;
	(ifvalue) =	ssetifvalue $0x7FFFFFFF  }
0x24e: {  	s24 =	sadd.s32 $0x1B80, s25;
	v1 =	vnsel vm1, $0x7FFFFFFF, v1;
	s28 =	sadd.s32 s26, s28;
	(ifvalue) =	ssetifvalue $0x7FFFFFFF  }
.Ltmp4:
0x24f: {  	_ = 	snop;
	(pc) =	sbr.rel .LBB2_4-.Ltmp4, $1  }
0x250: {  	_ =	sdelay $0x3  }
.LBB2_6:
0x251: {  	_ =	sfence.sel $0x180000  }
0x252: {  	s2 =	simm.s32 $0x2;
	[bflag:$0x0] =	sbarrier.arrive $0xFFFF  }
0x253: {  	s30 =	simm.s32 $0x3;
	[sflag:s2] =	ssyncpa.u1 $0x1  }
0x254: {  	s31 =	simm.s32 $0x1;
	[sflag:s30] =	ssyncpa.u1 $0x1  }
0x255: {  	[sflag:s31] =	ssyncpa.u1 $0x1  }
0x256: {  	p0 =	sne.s32 s1, $0x0;
	_ =	strace $0x90000050  }
0x257: {  	s0 =	sadd.s32 @!p0 $0x100000, s0;
	[bflag:$0x2] =	sbarrier.arrive $0xFFFF  }
0x258: {  	[sflag:s0] =	ssyncadd.tile.s32 @!p0 $0x1;
	_ =	shalt  }
.Lfunc_end2:
_tile_overlayer_lowered:
.L_overlay_start_2:
0x259: {  	(tag) =	ssettag $0x2  }
0x25a: {  	s0 =	rddreg [dreg:$0x0];
	s2 =	stileid.u32  }
0x25b: {  	s1 =	rddreg [dreg:$0x1];
	p0 =	sne.s32 s2, $0x0  }
0x25c: {  	s3 =	rddreg [dreg:$0x2];
	[bflag:$0x3] =	sbarrier.arrive $0xFFFF;
	s2 =	simm.s32 @!p0 $0x1C01  }
0x25d: {  	[timem:s3], [sflag:s2] =	dma.local @!p0 [hbm:s0], s1  }
0x25e: {  	s0 =	simm.s32 @!p0 $0x1  }
0x25f: {  	_ =	swait.ge @!p0 [sflag:s0], s1  }
0x260: {  	s1 =	ssub.s32 @!p0 $0x0, s1;
	[sflag:s0] =	ssyncset.done @!p0 $0x0  }
0x261: {  	[sflag:s0] =	ssyncadd.s32 @!p0 s1  }
0x262: {  	[bflag:$0x3] =	sbarrier.arrive $0xFFFF  }
0x263: {  	_ =	shalt  }

// kernel: gather_offload_async_start
scs
__scs_entry_jumppad:
0x0: {  	(pc) =	sbr.rel $0x88, $3  }
0x1: {  	(tag) =	ssettag $0x0;
	lr =	simm.s32 $0x1  }
0x2: {  	[smem:$0x3F9D] =	sst lr;
	_ =	strace $0xD0000000  }
0x3: {  	_ = 	snop  }
0x4: {  	_ = 	snop  }
0x5: {  	_ = 	snop  }
0x6: {  	_ = 	snop  }
0x7: {  	_ = 	snop  }
__scs_overlays_trampoline_lowered:
0x8: {  	[smem:$0x3FAC] =	sst s0  }
0x9: {  	[smem:$0x3FAD] =	sst s1  }
0xa: {  	[smem:$0x3FAE] =	sst s2  }
0xb: {  	[smem:$0x3FAF] =	sst s3  }
0xc: {  	[smem:$0x3FB0] =	sst s4  }
0xd: {  	[smem:$0x3FB1] =	sst s5  }
0xe: {  	[smem:$0x3FB2] =	sst s6  }
0xf: {  	[smem:$0x3FB3] =	sst s7  }
0x10: {  	[smem:$0x3FB4] =	sst s8  }
0x11: {  	[smem:$0x3FB5] =	sst s9;
	s0 =	simm.s32 @!p0 $0x0  }
0x12: {  	s1 =	sld [smem:$0x3F9B];
	s0 =	simm.s32 @p0 $0x1  }
0x13: {  	[smem:$0x3FB6] =	sst s0;
	s0 =	simm.s32 @!p1 $0x0  }
0x14: {  	s2 =	sld [smem:$0x3F9A];
	s0 =	simm.s32 @p1 $0x1  }
0x15: {  	[smem:$0x3FB7] =	sst s0;
	s0 =	simm.s32 @!p2 $0x0  }
0x16: {  	s3 =	sld [smem:$0x3FDB];
	s0 =	simm.s32 @p2 $0x1  }
0x17: {  	s4 =	simm.s32 $0x1BF5;
	[smem:$0x3FB9] =	sst s0  }
0x18: {  	s0 =	sld [smem:$0x3F9C];
	_ =	swait.ge [sflag:s4], $0x0  }
0x19: {  	s7 =	sld [smem:$0x3F9D]  }
0x1a: {  	s8 =	sadd.s32 $0xFFFFE003, lr  }
0x1b: {  	s9 =	sadd.s32 $0xFFFFFEF7, lr;
	s5 =	simm.s32 $0xFFFFFFFF;
	p2 =	slt.u32 s8, $0xFFFFF086  }
0x1c: {  	p1 =	slt.u32 s9, $0xF7A;
	s5 =	simm.s32 @!p2 $0x0  }
0x1d: {  	s5 =	simm.s32 @p1 $0x1;
	p0 =	seq.s32 s7, s2  }
0x1e: {  	s7 =	smul.u32 @!p0 $0xF7A, s2;
	p2 =	seq.s32 @!p0 s5, $0x0  }
0x1f: {  	s9 =	smul.u32 $0xF7A, s1;
	s8 =	simm.s32 @!p0 $0x1BF5;
	p2 =	por !p2, p0  }
0x20: {  	[sflag:s8] =	ssyncset.s32 @!p0 $0xFFFFF086;
	s6 =	sadd.s32 @!p0 s3, s7;
	s7 =	simm.s32 @!p0 $0x108  }
0x21: {  	s3 =	sadd.s32 s3, s9;
	s6 =	sadd.s32 @!p0 $0x88, s6;
	s7 =	simm.s32 @p2 $0x1082  }
0x22: {  	[simem:s7], [sflag:s8] =	dma.local @!p0 [hbm:s6], $0xF7A  }
0x23: {  	s9 =	sor.u32 $0xD0000000, s2;
	s6 =	simm.s32 $0x108;
	_ =	swait.ge @!p0 [sflag:s8], $0x0  }
0x24: {  	s3 =	sadd.s32 $0x88, s3;
	s6 =	simm.s32 @!p1 $0x1082;
	[sflag:s4] =	ssyncset.s32 $0xFFFFF086  }
0x25: {  	[simem:s6], [sflag:s4] =	dma.local [hbm:s3], $0xF7A  }
0x26: {  	[smem:$0x3F9D] =	sst s1;
	(tag) =	ssettag s2;
	_ =	strace s9  }
0x27: {  	s1 =	sld [smem:$0x3FAD]  }
0x28: {  	s2 =	sld [smem:$0x3FAE]  }
0x29: {  	s4 =	sld [smem:$0x3FB0]  }
0x2a: {  	p0 =	seq.s32 s5, $0x0;
	s5 =	sld [smem:$0x3FB1]  }
0x2b: {  	s6 =	sld [smem:$0x3FB2]  }
0x2c: {  	s7 =	sld [smem:$0x3FB3]  }
0x2d: {  	s3 =	simm.s32 $0x108;
	s8 =	sld [smem:$0x3FB4]  }
0x2e: {  	s3 =	simm.s32 @!p0 $0x1082;
	s9 =	sld [smem:$0x3FB5]  }
0x2f: {  	lr =	sadd.s32 s0, s3;
	s0 =	sld [smem:$0x3FAC]  }
0x30: {  	s3 =	sld [smem:$0x3FAF]  }
0x31: {  	[smem:$0x3FB8] =	sst s10  }
0x32: {  	s10 =	sld [smem:$0x3FB6];
	_ =	sdelay $0x3  }
0x33: {  	p0 =	seq.s32 s10, $0x1;
	s10 =	sld [smem:$0x3FB8];
	_ =	sdelay $0x3  }
0x34: {  	[smem:$0x3FB8] =	sst s10  }
0x35: {  	s10 =	sld [smem:$0x3FB7];
	_ =	sdelay $0x3  }
0x36: {  	p1 =	seq.s32 s10, $0x1;
	s10 =	sld [smem:$0x3FB8];
	_ =	sdelay $0x3  }
0x37: {  	[smem:$0x3FB8] =	sst s10  }
0x38: {  	s10 =	sld [smem:$0x3FB9]  }
0x39: {  	_ = 	snop;
	(pc) =	sbr.ind lr, $3  }
0x3a: {  	_ = 	snop  }
0x3b: {  	_ = 	snop  }
0x3c: {  	p2 =	seq.s32 s10, $0x1;
	s10 =	sld [smem:$0x3FB8]  }
0x3d: {  	_ =	shalt  }
0x3e: {  	_ =	shalt  }
0x3f: {  	_ =	shalt  }
0x40: {  	_ =	shalt  }
0x41: {  	_ =	shalt  }
0x42: {  	_ =	shalt  }
0x43: {  	_ =	shalt  }
0x44: {  	_ =	shalt  }
0x45: {  	_ =	shalt  }
0x46: {  	_ =	shalt  }
0x47: {  	_ =	shalt  }
0x48: {  	_ =	shalt  }
0x49: {  	_ =	shalt  }
0x4a: {  	_ =	shalt  }
0x4b: {  	_ =	shalt  }
0x4c: {  	_ =	shalt  }
0x4d: {  	_ =	shalt  }
0x4e: {  	_ =	shalt  }
0x4f: {  	_ =	shalt  }
0x50: {  	_ =	shalt  }
0x51: {  	_ =	shalt  }
0x52: {  	_ =	shalt  }
0x53: {  	_ =	shalt  }
0x54: {  	_ =	shalt  }
0x55: {  	_ =	shalt  }
0x56: {  	_ =	shalt  }
0x57: {  	_ =	shalt  }
0x58: {  	_ =	shalt  }
0x59: {  	_ =	shalt  }
0x5a: {  	_ =	shalt  }
0x5b: {  	_ =	shalt  }
0x5c: {  	_ =	shalt  }
0x5d: {  	_ =	shalt  }
0x5e: {  	_ =	shalt  }
0x5f: {  	_ =	shalt  }
0x60: {  	_ =	shalt  }
0x61: {  	_ =	shalt  }
0x62: {  	_ =	shalt  }
0x63: {  	_ =	shalt  }
0x64: {  	_ =	shalt  }
0x65: {  	_ =	shalt  }
0x66: {  	_ =	shalt  }
0x67: {  	_ =	shalt  }
0x68: {  	_ =	shalt  }
0x69: {  	_ =	shalt  }
0x6a: {  	_ =	shalt  }
0x6b: {  	_ =	shalt  }
0x6c: {  	_ =	shalt  }
0x6d: {  	_ =	shalt  }
0x6e: {  	_ =	shalt  }
0x6f: {  	_ =	shalt  }
0x70: {  	_ =	shalt  }
0x71: {  	_ =	shalt  }
0x72: {  	_ =	shalt  }
0x73: {  	_ =	shalt  }
0x74: {  	_ =	shalt  }
0x75: {  	_ =	shalt  }
0x76: {  	_ =	shalt  }
0x77: {  	_ =	shalt  }
0x78: {  	_ =	shalt  }
0x79: {  	_ =	shalt  }
0x7a: {  	_ =	shalt  }
0x7b: {  	_ =	shalt  }
0x7c: {  	_ =	shalt  }
0x7d: {  	_ =	shalt  }
0x7e: {  	_ =	shalt  }
0x7f: {  	_ =	shalt  }
0x80: {  	_ =	shalt  }
0x81: {  	_ =	shalt  }
0x82: {  	_ =	shalt  }
0x83: {  	_ =	shalt  }
0x84: {  	_ =	shalt  }
0x85: {  	_ =	shalt  }
0x86: {  	_ =	shalt  }
0x87: {  	_ =	shalt  }
.Lfunc_end0:
.L_simem_size_0:
called_computation.1_lowered:
.L_overlay_start_0:
0x88: {  	s2 =	sld [smem:$0x3FD9]  }
0x89: {  	s3 =	sld [smem:$0x3FFE];
	_ =	sdelay $0x1  }
0x8a: {  	s1 =	srdreg.scid  }
0x8b: {  	s0 =	sand.u32 $0x1, s1  }
0x8c: {  	s14 =	sshll.u32 s0, $0xA;
	s2 =	sadd.s32 s3, s2  }
0x8d: {  	s2 =	sadd.s32 s2, s14  }
0x8e: {  	[smem:$0x3FC4] =	sst s2  }
0x8f: {  	_ = 	snop  }
0x90: {  	s2 =	sld [smem:$0x3FD0];
	_ =	sdelay $0x2  }
0x91: {  	s15 =	simm.s32 $0xD;
	s4 =	simm.s32 $0x10  }
0x92: {  	[smem:s4], [sflag:s15] =	dma.local [hbm:s2], $0x1  }
0x93: {  	_ =	swait.eq [sflag:s15], $0x1  }
0x94: {  	[sflag:s15] =	ssyncset.done $0x0  }
0x95: {  	[sflag:s15] =	ssyncadd.s32 $0xFFFFFFFF  }
0x96: {  	s16 =	sld [smem:$0x13];
	(tm) =	ssettm $0x1  }
0x97: {  	s17 =	sld [smem:$0x3FFB];
	_ =	sdelay $0x3  }
0x98: {  	_ =	strace s17  }
0x99: {  	s3 =	sld [smem:$0x3FFC];
	_ =	sdelay $0x3  }
0x9a: {  	_ =	strace s3  }
0x9b: {  	s3 =	sld [smem:$0x3FFD];
	_ =	sdelay $0x3  }
0x9c: {  	_ =	strace s3  }
0x9d: {  	_ =	strace $0x8FFFFFFF  }
0x9e: {  	s18 =	sld [smem:$0x3FDB];
	_ =	sdelay $0x1  }
0x9f: {  	s19 =	simm.s32 $_scs_section_size  }
0xa0: {  	s5 =	simm.s32 $_size__tile_overlayer_lowered;
	s6 =	simm.s32 $_tile_overlayer_lowered  }
0xa1: {  	s22 =	simm.s32 $0x1BFF;
	s21 =	sshll.u32 s6, $0x1;
	s3 =	sadd.s32 s19, s18  }
0xa2: {  	s7 =	simm.s32 $0x0;
	s20 =	sshll.u32 s5, $0x1;
	s5 =	sadd.s32 s21, s3  }
0xa3: {  	[timem:s7], [sflag:s22] =	dma.local [hbm:s5], s20  }
0xa4: {  	_ =	swait.ge [sflag:s22], s20  }
0xa5: {  	s4 =	ssub.s32 $0x0, s20;
	[sflag:s22] =	ssyncset.done $0x0  }
0xa6: {  	[sflag:s22] =	ssyncadd.s32 s4;
	_ =	sdelay $0x1  }
0xa7: {  	s23 =	simm.s32 $0x1B8B  }
0xa8: {  	_ =	swait.ge [sflag:s23], $0x1  }
0xa9: {  	[sflag:s23] =	ssyncset.done $0x0  }
0xaa: {  	s25 =	simm.s32 $0x1B8E;
	s24 =	sld [smem:$0x3FFE];
	[sflag:s23] =	ssyncadd.s32 $0xFFFFFFFF  }
0xab: {  	s26 =	simm.s32 $execute0_lowered;
	[smem:$0x3FD2] =	sst s25  }
0xac: {  	s5 =	sshll.u32 s26, $0x1;
	_ =	strace $0x80000049;
	[dreg:$0x1] =	wrdreg $0xFFFFFFFF  }
0xad: {  	s28 =	simm.s32 $_size_execute0_lowered;
	s3 =	sadd.s32 s3, s5;
	[dreg:$0x0] =	wrdreg $0x0  }
0xae: {  	s5 =	sshll.u32 s28, $0x1;
	[dreg:$0x2] =	wrdreg s3  }
0xaf: {  	[dreg:$0x3] =	wrdreg s5  }
0xb0: {  	[dreg:$0x4] =	wrdreg $0xC0  }
0xb1: {  	_ =	task [dreg:s7], $0x5FFFF  }
0xb2: {  	[dreg:$0x1] =	wrdreg $0xFFFFFFFF  }
0xb3: {  	[dreg:$0x0] =	wrdreg $0x60  }
0xb4: {  	[dreg:$0x2] =	wrdreg s24  }
0xb5: {  	[dreg:$0x3] =	wrdreg s16  }
0xb6: {  	[dreg:$0x4] =	wrdreg $0xA  }
0xb7: {  	_ =	task.clear_ibuf [dreg:s7], $0x5FFFF;
	_ =	strace $0x90000049  }
0xb8: {  	s29 =	simm.s32 $0xA;
	_ =	strace $0x8000004B  }
0xb9: {  	_ =	swait.ge [sflag:s29], $0x1  }
0xba: {  	[sflag:s29] =	ssyncadd.s32 $0xFFFFFFFF  }
0xbb: {  	_ =	strace $0x9000004B  }
0xbc: {  	_ =	sfence  }
0xbd: {  	s30 =	sld [smem:$0x0];
	_ =	sdelay $0x2  }
0xbe: {  	s31 =	sshll.u32 s1, $0xD;
	s1 =	sshrl.u32 s1, $0x2  }
0xbf: {  	s3 =	sand.u32 $0x4000, s31;
	s1 =	sadd.s32 s1, s30  }
0xc0: {  	s0 =	sor.u32 s3, s0;
	s1 =	sshll.u32 s1, $0x11  }
0xc1: {  	s0 =	sor.u32 s1, s0  }
0xc2: {  	s0 =	sadd.s32 $0x8F2B, s0  }
0xc3: {  	[sflag:s0] =	ssyncadd.remote.s32 $0x1  }
0xc4: {  	_ =	sfence.sel $0xFFFF  }
0xc5: {  	[dreg:$0x0] =	wrdreg $0xFFFFFFFF;
	(pc) =	sbr.abs _section_cstart, $3  }
0xc6: {  	[dreg:$0x1] =	wrdreg $0xFFFFFFFF  }
0xc7: {  	_ =	task.clear_ibuf [dreg:s7], $0x2FFFF;
	_ =	strace $0x9FFFFFFF  }
0xc8: {  	(tm) =	ssettm $0x7FFFFFFF  }
0xc9: {  	_ =	shalt  }
tec
execute0_lowered:
.L_overlay_start_1:
0x0: {  	(tag) =	ssettag $0x1  }
0x1: {  	s8 =	rddreg [dreg:$0x0];
	s0 =	stileid.u32  }
0x2: {  	s1 =	srdreg.scid;
	s2 =	rddreg [dreg:$0x1]  }
0x3: {  	s5 =	simm.s32 $0x1;
	s9 =	simm.s32 $0x1;
	s10 =	simm.s32 $0x3  }
0x4: {  	s13 =	simm.s32 $0x0;
	s3 =	sand.u32 $0x1, s1;
	s4 =	sshll.u32 s0, $0x1  }
0x5: {  	s12 =	simm.s32 $0x0;
	s1 =	rddreg [dreg:$0x2];
	s6 =	sor.u32 s4, s3  }
0x6: {  	_ =	strace $0x8000004A;
	s3 =	sadd.s32 $0x1A00, s8;
	s4 =	smul.u32 $0x3100, s6  }
0x7: {  	[sflag:s5] =	ssyncpa.u1 $0x0;
	p0 =	slt.u32 s6, $0x9;
	s6 =	simm.s32 $0x62000  }
.Ltmp0:
0x8: {  	s6 =	simm.s32 @!p0 $0x0;
	s7 =	ssub.s32 $0x7A800, s4;
	(pc) =	sbr.rel .LBB2_1-.Ltmp0, $4  }
0x9: {  	s9 =	simm.s32 @!p0 $0x0;
	p0 =	sne.s32 s7, s6;
	s7 =	simm.s32 $0x1  }
0xa: {  	s8 =	sadd.s32 $0x3F200, s8;
	s6 =	simm.s32 $0x2;
	s7 =	simm.s32 @!p0 $0x0  }
0xb: {  	s11 =	smov.u32 s4;
	[sflag:s6] =	ssyncpa.u1 $0x0;
	s7 =	sadd.s32 s9, s7  }
0xc: {  	vm0 =	vmmov $0xffff;
	[sflag:s10] =	ssyncpa.u1 $0x0;
	s10 =	simm.s32 $0x0;
	s9 =	sadd.s32 $0x1, s7  }
.LBB2_4:
0xd: {  	v2 =	vnsel vm1, $0x0, v2  }
0xe: {  	vm1 =	vgt.s32 v0, $0x0;
	v2 =	vmin.u32 v2, $0x7A7FF  }
0xf: {  	v0 =	vnsel vm1, $0x0, v0  }
0x10: {  	v0 =	vmin.u32 v0, $0x7A7FF  }
0x11: {  	[tilespmem:s18], [sflag:$0x1] =	stream.indirect_vreg.gather [hbm4b:s3+s10], $0x1, v1, vm0, $0x4038;
	[tilespmem:$0xC400] =	vst v63  }
0x12: {  	(ifvalue) =	ssetifvalue $0x7FFFFFFF  }
0x13: {  	[tilespmem:s15], [sflag:$0x1] =	stream.indirect_vreg.gather [hbm4b:s3+s10], $0x1, v2, vm0, $0x4038;
	[tilespmem:$0xC400] =	vst v63  }
0x14: {  	s29 =	sadd.s32 $0x10, s15;
	(ifvalue) =	ssetifvalue $0x7FFFFFFF  }
0x15: {  	[tilespmem:s29], [sflag:$0x1] =	stream.indirect_vreg.gather [hbm4b:s3+s10], $0x1, v0, vm0, $0x4038;
	[tilespmem:$0xC400] =	vst v63  }
0x16: {  	_ =	swait.ge [sflag:s5], $0x3100  }
0x17: {  	s30 =	sshrl.u32 s13, $0x3;
	[sflag:s5] =	ssyncset.done $0x0  }
0x18: {  	s31 =	sand.u32 $0x7, s13;
	s15 =	sadd.s32 s8, s30;
	[sflag:s5] =	ssyncadd.s32 $0xFFFFCF00  }
0x19: {  	[hbm4b:s15+s31] =	stream.linear.scatter [tilespmem:s14], [sflag:$0x3], $0x3100, $0x38;
	[tilespmem:$0xC400] =	vst v63  }
.LBB2_5:
0x1a: {  	s15 =	sadd.s32 $0x62000, s11  }
0x1b: {  	p1 =	sgt.s32 s15, $0x7A7FF  }
0x1c: {  	s15 =	smov.u32 @p1 s4;
	p1 =	sne.s32 s12, s9  }
.Ltmp1:
0x1d: {  	p0 =	slt.u32 s12, $0x2;
	(pc) =	sbr.rel @!p1 .LBB2_6-.Ltmp1, $4  }
0x1e: {  	s14 =	simm.s32 @!p0 $0x3  }
0x1f: {  	_ =	swait.ge @!p0 [sflag:s14], $0x3100  }
0x20: {  	s16 =	sadd.s32 $0x1, s12;
	s13 =	smov.u32 s11;
	[sflag:s14] =	ssyncset.done @!p0 $0x0  }
0x21: {  	s12 =	smov.u32 s16;
	s11 =	smov.u32 s15;
	[sflag:s14] =	ssyncadd.s32 @!p0 $0xFFFFCF00  }
.LBB2_1:
0x22: {  	p0 =	sge.u32 s12, s7  }
0x23: {  	s14 =	sxor.u32 @!p0 $0x1, s12  }
0x24: {  	s14 =	smul.u32 @!p0 $0xC400, s14  }
0x25: {  	s31 =	sadd.s32 $0xFFFFFFFF, s12;
	s15 =	sshrl.u32 @!p0 s11, $0x3  }
0x26: {  	s16 =	sand.u32 @!p0 $0x7, s11;
	s15 =	sadd.s32 @!p0 s2, s15;
	s14 =	sshra.s32 @!p0 s14, $0x2  }
0x27: {  	[tilespmem:s14], [sflag:$0x2] =	stream.linear.gather @!p0 [hbm4b:s15+s16], $0x3100, $0x38;
	[tilespmem:$0xC400] =	vst v63  }
0x28: {  	p0 =	sge.u32 s31, s7  }
.Ltmp2:
0x29: {  	_ = 	snop;
	(pc) =	sbr.rel @p0 .LBB2_5-.Ltmp2, $1  }
0x2a: {  	_ =	sdelay $0x3  }
0x2b: {  	s14 =	sand.u32 $0x1, s12  }
0x2c: {  	_ =	swait.ge [sflag:s6], $0x3100;
	p0 =	seq.s32 s14, $0x1;
	s14 =	simm.s32 $0x3100  }
0x2d: {  	[sflag:s6] =	ssyncset.done $0x0;
	s14 =	simm.s32 @!p0 $0x0  }
0x2e: {  	[sflag:s6] =	ssyncadd.s32 $0xFFFFCF00;
	(ifvalue) =	ssetifvalue $0x7FFFFFFF;
	v0 =	vld.msk [tilespmem:s14+$0x0 ss:$0x1], $0xffff;
	_ =	sdelay $0x4  }
0x2f: {  	s15 =	sadd.s32 $0x10, s14;
	vm1 =	vgt.s32 v0, $0x0  }
0x30: {  	v2 =	vld.msk [tilespmem:s15+$0x0 ss:$0x1], $0xffff;
	v1 =	vnsel vm1, $0x0, v0  }
0x31: {  	v1 =	vmin.u32 v1, $0x7A7FF;
	_ =	sdelay $0x2  }
0x32: {  	s17 =	simm.s32 $0x20;
	s14 =	sadd.s32 $0x6200, s14;
	s16 =	sadd.s32 $0x10, s15  }
0x33: {  	s15 =	sadd.s32 $0x10, s14;
	s18 =	smov.u32 s14;
	v0 =	vld.msk [tilespmem:s16+$0x0 ss:$0x1], $0xffff;
	vm1 =	vgt.s32 v2, $0x0;
	(ifvalue) =	ssetifvalue $0x7FFFFFFF  }
.LBB2_3:
0x34: {  	[tilespmem:s18], [sflag:$0x1] =	stream.indirect_vreg.gather [hbm4b:s3+s10], $0x1, v1, vm0, $0x4038;
	[tilespmem:$0xC400] =	vst v63  }
0x35: {  	s17 =	sadd.s32 $0x10, s17  }
0x36: {  	v2 =	vnsel vm1, $0x0, v2;
	p0 =	slt.u32 s17, $0x30F0  }
.Ltmp3:
0x37: {  	s18 =	smov.u32 s15;
	v1 =	vmin.u32 v2, $0x7A7FF;
	(pc) =	sbr.rel @p0 .LBB2_3-.Ltmp3, $3  }
0x38: {  	_ =	sdelay $0x1  }
0x39: {  	s16 =	sadd.s32 $0x10, s16  }
0x3a: {  	vm1 =	vgt.s32 v0, $0x0;
	s15 =	sadd.s32 $0x10, s15;
	v2 =	vmov v0;
	(ifvalue) =	ssetifvalue $0x7FFFFFFF;
	v0 =	vld.msk [tilespmem:s16+$0x0 ss:$0x1], $0xffff  }
.Ltmp4:
0x3b: {  	_ = 	snop;
	(pc) =	sbr.rel .LBB2_4-.Ltmp4, $1  }
0x3c: {  	_ =	sdelay $0x3  }
.LBB2_6:
0x3d: {  	_ =	sfence.sel $0x180000  }
0x3e: {  	s2 =	simm.s32 $0x2;
	[bflag:$0x0] =	sbarrier.arrive $0xFFFF  }
0x3f: {  	s30 =	simm.s32 $0x3;
	[sflag:s2] =	ssyncpa.u1 $0x1  }
0x40: {  	s31 =	simm.s32 $0x1;
	[sflag:s30] =	ssyncpa.u1 $0x1  }
0x41: {  	[sflag:s31] =	ssyncpa.u1 $0x1  }
0x42: {  	p0 =	sne.s32 s0, $0x0;
	_ =	strace $0x9000004A  }
0x43: {  	s0 =	sadd.s32 @!p0 $0x100000, s1;
	[bflag:$0x2] =	sbarrier.arrive $0xFFFF  }
0x44: {  	[sflag:s0] =	ssyncadd.tile.s32 @!p0 $0x1;
	_ =	shalt  }
.Lfunc_end2:
_tile_overlayer_lowered:
.L_overlay_start_2:
0x45: {  	(tag) =	ssettag $0x2  }
0x46: {  	s0 =	rddreg [dreg:$0x0];
	s2 =	stileid.u32  }
0x47: {  	s1 =	rddreg [dreg:$0x1];
	p0 =	sne.s32 s2, $0x0  }
0x48: {  	s3 =	rddreg [dreg:$0x2];
	[bflag:$0x3] =	sbarrier.arrive $0xFFFF;
	s2 =	simm.s32 @!p0 $0x1C01  }
0x49: {  	[timem:s3], [sflag:s2] =	dma.local @!p0 [hbm:s0], s1  }
0x4a: {  	s0 =	simm.s32 @!p0 $0x1  }
0x4b: {  	_ =	swait.ge @!p0 [sflag:s0], s1  }
0x4c: {  	s1 =	ssub.s32 @!p0 $0x0, s1;
	[sflag:s0] =	ssyncset.done @!p0 $0x0  }
0x4d: {  	[sflag:s0] =	ssyncadd.s32 @!p0 s1  }
0x4e: {  	[bflag:$0x3] =	sbarrier.arrive $0xFFFF  }
0x4f: {  	_ =	shalt  }

// kernel: kernel.6.cloned.1.call-start
scs
__scs_entry_jumppad:
0x0: {  	(pc) =	sbr.rel $0x88, $3  }
0x1: {  	(tag) =	ssettag $0x0;
	lr =	simm.s32 $0x1  }
0x2: {  	[smem:$0x3F9D] =	sst lr;
	_ =	strace $0xD0000000  }
0x3: {  	_ = 	snop  }
0x4: {  	_ = 	snop  }
0x5: {  	_ = 	snop  }
0x6: {  	_ = 	snop  }
0x7: {  	_ = 	snop  }
__scs_overlays_trampoline_lowered:
0x8: {  	[smem:$0x3FAC] =	sst s0  }
0x9: {  	[smem:$0x3FAD] =	sst s1  }
0xa: {  	[smem:$0x3FAE] =	sst s2  }
0xb: {  	[smem:$0x3FAF] =	sst s3  }
0xc: {  	[smem:$0x3FB0] =	sst s4  }
0xd: {  	[smem:$0x3FB1] =	sst s5  }
0xe: {  	[smem:$0x3FB2] =	sst s6  }
0xf: {  	[smem:$0x3FB3] =	sst s7  }
0x10: {  	[smem:$0x3FB4] =	sst s8  }
0x11: {  	[smem:$0x3FB5] =	sst s9;
	s0 =	simm.s32 @!p0 $0x0  }
0x12: {  	s1 =	sld [smem:$0x3F9B];
	s0 =	simm.s32 @p0 $0x1  }
0x13: {  	[smem:$0x3FB6] =	sst s0;
	s0 =	simm.s32 @!p1 $0x0  }
0x14: {  	s2 =	sld [smem:$0x3F9A];
	s0 =	simm.s32 @p1 $0x1  }
0x15: {  	[smem:$0x3FB7] =	sst s0;
	s0 =	simm.s32 @!p2 $0x0  }
0x16: {  	s3 =	sld [smem:$0x3FDB];
	s0 =	simm.s32 @p2 $0x1  }
0x17: {  	s4 =	simm.s32 $0x1BF5;
	[smem:$0x3FB9] =	sst s0  }
0x18: {  	s0 =	sld [smem:$0x3F9C];
	_ =	swait.ge [sflag:s4], $0x0  }
0x19: {  	s7 =	sld [smem:$0x3F9D]  }
0x1a: {  	s8 =	sadd.s32 $0xFFFFE003, lr  }
0x1b: {  	s9 =	sadd.s32 $0xFFFFFEF7, lr;
	s5 =	simm.s32 $0xFFFFFFFF;
	p2 =	slt.u32 s8, $0xFFFFF086  }
0x1c: {  	p1 =	slt.u32 s9, $0xF7A;
	s5 =	simm.s32 @!p2 $0x0  }
0x1d: {  	s5 =	simm.s32 @p1 $0x1;
	p0 =	seq.s32 s7, s2  }
0x1e: {  	s7 =	smul.u32 @!p0 $0xF7A, s2;
	p2 =	seq.s32 @!p0 s5, $0x0  }
0x1f: {  	s9 =	smul.u32 $0xF7A, s1;
	s8 =	simm.s32 @!p0 $0x1BF5;
	p2 =	por !p2, p0  }
0x20: {  	[sflag:s8] =	ssyncset.s32 @!p0 $0xFFFFF086;
	s6 =	sadd.s32 @!p0 s3, s7;
	s7 =	simm.s32 @!p0 $0x108  }
0x21: {  	s3 =	sadd.s32 s3, s9;
	s6 =	sadd.s32 @!p0 $0x88, s6;
	s7 =	simm.s32 @p2 $0x1082  }
0x22: {  	[simem:s7], [sflag:s8] =	dma.local @!p0 [hbm:s6], $0xF7A  }
0x23: {  	s9 =	sor.u32 $0xD0000000, s2;
	s6 =	simm.s32 $0x108;
	_ =	swait.ge @!p0 [sflag:s8], $0x0  }
0x24: {  	s3 =	sadd.s32 $0x88, s3;
	s6 =	simm.s32 @!p1 $0x1082;
	[sflag:s4] =	ssyncset.s32 $0xFFFFF086  }
0x25: {  	[simem:s6], [sflag:s4] =	dma.local [hbm:s3], $0xF7A  }
0x26: {  	[smem:$0x3F9D] =	sst s1;
	(tag) =	ssettag s2;
	_ =	strace s9  }
0x27: {  	s1 =	sld [smem:$0x3FAD]  }
0x28: {  	s2 =	sld [smem:$0x3FAE]  }
0x29: {  	s4 =	sld [smem:$0x3FB0]  }
0x2a: {  	p0 =	seq.s32 s5, $0x0;
	s5 =	sld [smem:$0x3FB1]  }
0x2b: {  	s6 =	sld [smem:$0x3FB2]  }
0x2c: {  	s7 =	sld [smem:$0x3FB3]  }
0x2d: {  	s3 =	simm.s32 $0x108;
	s8 =	sld [smem:$0x3FB4]  }
0x2e: {  	s3 =	simm.s32 @!p0 $0x1082;
	s9 =	sld [smem:$0x3FB5]  }
0x2f: {  	lr =	sadd.s32 s0, s3;
	s0 =	sld [smem:$0x3FAC]  }
0x30: {  	s3 =	sld [smem:$0x3FAF]  }
0x31: {  	[smem:$0x3FB8] =	sst s10  }
0x32: {  	s10 =	sld [smem:$0x3FB6];
	_ =	sdelay $0x3  }
0x33: {  	p0 =	seq.s32 s10, $0x1;
	s10 =	sld [smem:$0x3FB8];
	_ =	sdelay $0x3  }
0x34: {  	[smem:$0x3FB8] =	sst s10  }
0x35: {  	s10 =	sld [smem:$0x3FB7];
	_ =	sdelay $0x3  }
0x36: {  	p1 =	seq.s32 s10, $0x1;
	s10 =	sld [smem:$0x3FB8];
	_ =	sdelay $0x3  }
0x37: {  	[smem:$0x3FB8] =	sst s10  }
0x38: {  	s10 =	sld [smem:$0x3FB9]  }
0x39: {  	_ = 	snop;
	(pc) =	sbr.ind lr, $3  }
0x3a: {  	_ = 	snop  }
0x3b: {  	_ = 	snop  }
0x3c: {  	p2 =	seq.s32 s10, $0x1;
	s10 =	sld [smem:$0x3FB8]  }
0x3d: {  	_ =	shalt  }
0x3e: {  	_ =	shalt  }
0x3f: {  	_ =	shalt  }
0x40: {  	_ =	shalt  }
0x41: {  	_ =	shalt  }
0x42: {  	_ =	shalt  }
0x43: {  	_ =	shalt  }
0x44: {  	_ =	shalt  }
0x45: {  	_ =	shalt  }
0x46: {  	_ =	shalt  }
0x47: {  	_ =	shalt  }
0x48: {  	_ =	shalt  }
0x49: {  	_ =	shalt  }
0x4a: {  	_ =	shalt  }
0x4b: {  	_ =	shalt  }
0x4c: {  	_ =	shalt  }
0x4d: {  	_ =	shalt  }
0x4e: {  	_ =	shalt  }
0x4f: {  	_ =	shalt  }
0x50: {  	_ =	shalt  }
0x51: {  	_ =	shalt  }
0x52: {  	_ =	shalt  }
0x53: {  	_ =	shalt  }
0x54: {  	_ =	shalt  }
0x55: {  	_ =	shalt  }
0x56: {  	_ =	shalt  }
0x57: {  	_ =	shalt  }
0x58: {  	_ =	shalt  }
0x59: {  	_ =	shalt  }
0x5a: {  	_ =	shalt  }
0x5b: {  	_ =	shalt  }
0x5c: {  	_ =	shalt  }
0x5d: {  	_ =	shalt  }
0x5e: {  	_ =	shalt  }
0x5f: {  	_ =	shalt  }
0x60: {  	_ =	shalt  }
0x61: {  	_ =	shalt  }
0x62: {  	_ =	shalt  }
0x63: {  	_ =	shalt  }
0x64: {  	_ =	shalt  }
0x65: {  	_ =	shalt  }
0x66: {  	_ =	shalt  }
0x67: {  	_ =	shalt  }
0x68: {  	_ =	shalt  }
0x69: {  	_ =	shalt  }
0x6a: {  	_ =	shalt  }
0x6b: {  	_ =	shalt  }
0x6c: {  	_ =	shalt  }
0x6d: {  	_ =	shalt  }
0x6e: {  	_ =	shalt  }
0x6f: {  	_ =	shalt  }
0x70: {  	_ =	shalt  }
0x71: {  	_ =	shalt  }
0x72: {  	_ =	shalt  }
0x73: {  	_ =	shalt  }
0x74: {  	_ =	shalt  }
0x75: {  	_ =	shalt  }
0x76: {  	_ =	shalt  }
0x77: {  	_ =	shalt  }
0x78: {  	_ =	shalt  }
0x79: {  	_ =	shalt  }
0x7a: {  	_ =	shalt  }
0x7b: {  	_ =	shalt  }
0x7c: {  	_ =	shalt  }
0x7d: {  	_ =	shalt  }
0x7e: {  	_ =	shalt  }
0x7f: {  	_ =	shalt  }
0x80: {  	_ =	shalt  }
0x81: {  	_ =	shalt  }
0x82: {  	_ =	shalt  }
0x83: {  	_ =	shalt  }
0x84: {  	_ =	shalt  }
0x85: {  	_ =	shalt  }
0x86: {  	_ =	shalt  }
0x87: {  	_ =	shalt  }
.Lfunc_end0:
.L_simem_size_0:
called_computation.5_lowered:
.L_overlay_start_0:
0x88: {  	s2 =	sld [smem:$0x3FD9]  }
0x89: {  	s3 =	sld [smem:$0x3FFE];
	_ =	sdelay $0x1  }
0x8a: {  	s1 =	srdreg.scid  }
0x8b: {  	s0 =	sand.u32 $0x1, s1  }
0x8c: {  	s13 =	sshll.u32 s0, $0xA;
	s2 =	sadd.s32 s3, s2  }
0x8d: {  	s2 =	sadd.s32 s2, s13  }
0x8e: {  	[smem:$0x3FC4] =	sst s2  }
0x8f: {  	_ = 	snop  }
0x90: {  	s2 =	sld [smem:$0x3FD0];
	_ =	sdelay $0x3  }
0x91: {  	s4 =	simm.s32 $0xD;
	s5 =	simm.s32 $0x10;
	s14 =	sadd.s32 $0x1, s2  }
0x92: {  	[smem:s5], [sflag:s4] =	dma.local [hbm:s14], $0x1  }
0x93: {  	_ =	swait.eq [sflag:s4], $0x1  }
0x94: {  	[sflag:s4] =	ssyncset.done $0x0  }
0x95: {  	[sflag:s4] =	ssyncadd.s32 $0xFFFFFFFF  }
0x96: {  	s15 =	sld [smem:$0x10]  }
0x97: {  	[smem:s5], [sflag:s4] =	dma.local [hbm:s2], $0x1  }
0x98: {  	_ =	swait.eq [sflag:s4], $0x1  }
0x99: {  	[sflag:s4] =	ssyncset.done $0x0  }
0x9a: {  	s16 =	sld [smem:$0x12];
	[sflag:s4] =	ssyncadd.s32 $0xFFFFFFFF  }
0x9b: {  	s17 =	sld [smem:$0x13];
	(tm) =	ssettm $0x1  }
0x9c: {  	s18 =	sld [smem:$0x3FFB];
	_ =	sdelay $0x3  }
0x9d: {  	_ =	strace s18  }
0x9e: {  	s5 =	sld [smem:$0x3FFC];
	_ =	sdelay $0x3  }
0x9f: {  	_ =	strace s5  }
0xa0: {  	s5 =	sld [smem:$0x3FFD];
	_ =	sdelay $0x3  }
0xa1: {  	_ =	strace s5  }
0xa2: {  	_ =	strace $0x8FFFFFFF  }
0xa3: {  	s19 =	sld [smem:$0x3FDB];
	_ =	sdelay $0x1  }
0xa4: {  	s6 =	simm.s32 $_scs_section_size  }
0xa5: {  	s7 =	simm.s32 $_size__tile_overlayer_lowered;
	s8 =	simm.s32 $_tile_overlayer_lowered  }
0xa6: {  	s22 =	simm.s32 $0x1BFF;
	s21 =	sshll.u32 s8, $0x1;
	s5 =	sadd.s32 s6, s19  }
0xa7: {  	s9 =	simm.s32 $0x0;
	s20 =	sshll.u32 s7, $0x1;
	s7 =	sadd.s32 s21, s5  }
0xa8: {  	[timem:s9], [sflag:s22] =	dma.local [hbm:s7], s20  }
0xa9: {  	_ =	swait.ge [sflag:s22], s20  }
0xaa: {  	s6 =	ssub.s32 $0x0, s20;
	[sflag:s22] =	ssyncset.done $0x0  }
0xab: {  	[sflag:s22] =	ssyncadd.s32 s6;
	_ =	sdelay $0x1  }
0xac: {  	s23 =	simm.s32 $0x1B8B  }
0xad: {  	_ =	swait.ge [sflag:s23], $0x1  }
0xae: {  	[sflag:s23] =	ssyncset.done $0x0  }
0xaf: {  	s25 =	simm.s32 $0x1B8E;
	s24 =	sld [smem:$0x3FFE];
	[sflag:s23] =	ssyncadd.s32 $0xFFFFFFFF  }
0xb0: {  	s26 =	simm.s32 $execute0_lowered;
	[smem:$0x3FD2] =	sst s25  }
0xb1: {  	s7 =	sshll.u32 s26, $0x1;
	_ =	strace $0x80000046;
	[dreg:$0x1] =	wrdreg $0xFFFFFFFF  }
0xb2: {  	s28 =	simm.s32 $_size_execute0_lowered;
	s5 =	sadd.s32 s5, s7;
	[dreg:$0x0] =	wrdreg $0x0  }
0xb3: {  	s7 =	sshll.u32 s28, $0x1;
	[dreg:$0x2] =	wrdreg s5  }
0xb4: {  	[dreg:$0x3] =	wrdreg s7  }
0xb5: {  	[dreg:$0x4] =	wrdreg $0xC0  }
0xb6: {  	_ =	task [dreg:s9], $0x5FFFF  }
0xb7: {  	[dreg:$0x1] =	wrdreg $0xFFFFFFFF  }
0xb8: {  	[dreg:$0x0] =	wrdreg $0x60  }
0xb9: {  	[dreg:$0x2] =	wrdreg s16  }
0xba: {  	[dreg:$0x3] =	wrdreg s17  }
0xbb: {  	[dreg:$0x4] =	wrdreg s15  }
0xbc: {  	[dreg:$0x5] =	wrdreg s24  }
0xbd: {  	[dreg:$0x6] =	wrdreg $0x9  }
0xbe: {  	_ =	task.clear_ibuf [dreg:s9], $0x7FFFF;
	_ =	strace $0x90000046  }
0xbf: {  	s29 =	simm.s32 $0x9;
	_ =	strace $0x80000048  }
0xc0: {  	_ =	swait.ge [sflag:s29], $0x1  }
0xc1: {  	[sflag:s29] =	ssyncadd.s32 $0xFFFFFFFF  }
0xc2: {  	_ =	strace $0x90000048  }
0xc3: {  	_ =	sfence  }
0xc4: {  	s30 =	sld [smem:$0x0];
	_ =	sdelay $0x2  }
0xc5: {  	s31 =	sshll.u32 s1, $0xD;
	s1 =	sshrl.u32 s1, $0x2  }
0xc6: {  	s3 =	sand.u32 $0x4000, s31;
	s1 =	sadd.s32 s1, s30  }
0xc7: {  	s0 =	sor.u32 s3, s0;
	s1 =	sshll.u32 s1, $0x11  }
0xc8: {  	s0 =	sor.u32 s1, s0  }
0xc9: {  	s0 =	sadd.s32 $0x8F2B, s0  }
0xca: {  	[sflag:s0] =	ssyncadd.remote.s32 $0x1  }
0xcb: {  	_ =	sfence.sel $0xFFFF  }
0xcc: {  	[dreg:$0x0] =	wrdreg $0xFFFFFFFF;
	(pc) =	sbr.abs _section_cstart, $3  }
0xcd: {  	[dreg:$0x1] =	wrdreg $0xFFFFFFFF  }
0xce: {  	_ =	task.clear_ibuf [dreg:s9], $0x2FFFF;
	_ =	strace $0x9FFFFFFF  }
0xcf: {  	(tm) =	ssettm $0x7FFFFFFF  }
tec
execute0_lowered:
.L_overlay_start_1:
0x0: {  	(tag) =	ssettag $0x1  }
0x1: {  	s1 =	rddreg [dreg:$0x0]  }
0x2: {  	s5 =	rddreg [dreg:$0x1]  }
0x3: {  	s2 =	srdreg.scid;
	s0 =	stileid.u32  }
0x4: {  	s6 =	rddreg [dreg:$0x2];
	s7 =	sand.u32 $0x1, s2;
	s31 =	sshll.u32 s0, $0x1  }
0x5: {  	s8 =	rddreg [dreg:$0x3];
	s3 =	simm.s32 $0x0;
	s9 =	sor.u32 s7, s31  }
0x6: {  	s12 =	simm.s32 $0x0;
	s7 =	ssub.s32 $0x2, s7;
	s4 =	smul.u32 $0x3D40, s9  }
0x7: {  	[smem:$0x7FF] =	sst s3;
	s9 =	smul.u32 $0xF50, s9;
	s11 =	sshrl.u32 s7, $0x1  }
0x8: {  	s2 =	rddreg [dreg:$0x4];
	_ =	strace $0x80000047;
	s11 =	ssub.s32 s7, s11  }
0x9: {  	s10 =	sshrl.u32 s4, $0x3;
	s5 =	sadd.s32 s5, s9;
	s9 =	simm.s32 $0x1  }
0xa: {  	v0 =	vlaneseq.u32;
	s8 =	sadd.s32 s10, s8;
	s6 =	sadd.s32 s6, s10;
	s10 =	simm.s32 $0x4E80  }
0xb: {  	v0 =	vmul.u32 $0x2, v0;
	s7 =	sadd.s32 $0x1A00, s8;
	s8 =	smax.u32 s11, $0x1;
	s11 =	simm.s32 $0x10680  }
.LBB2_1:
0xc: {  	[tilespmem:s3], [sflag:$0x1] =	stream.linear.gather [hbm4b:s1+s3], $0x4E80, $0x38;
	[tilespmem:$0x14400] =	vst v63  }
0xd: {  	_ =	swait.ge [sflag:s9], $0x4E80  }
0xe: {  	[sflag:s9] =	ssyncset.done $0x0  }
0xf: {  	[sflag:s9] =	ssyncadd.s32 $0xFFFFB180  }
0x10: {  	[tilespmem:s10], [sflag:$0x1] =	stream.linear.gather [hbm4b:s5+s3], $0x7A80, $0x38;
	[tilespmem:$0x14400] =	vst v63  }
0x11: {  	v1 =	vmov s3;
	_ =	swait.ge [sflag:s9], $0x7A80  }
0x12: {  	v1 =	vshll.u32 v1, $0x1;
	[sflag:s9] =	ssyncset.done $0x0  }
0x13: {  	s13 =	simm.s32 $0xC900;
	v1 =	vor.u32 v0, v1;
	[sflag:s9] =	ssyncadd.s32 $0xFFFF8580  }
0x14: {  	[tilespmem:s13], [sflag:$0x1] =	stream.linear.gather [hbm4b:s6+s3], $0x3D40, $0x38;
	[tilespmem:$0x14400] =	vst v63  }
0x15: {  	v2 =	vor.u32 $0x1, v1;
	_ =	swait.ge [sflag:s9], $0x3D40  }
0x16: {  	[sflag:s9] =	ssyncset.done $0x0  }
0x17: {  	[sflag:s9] =	ssyncadd.s32 $0xFFFFC2C0  }
0x18: {  	v1 =	vld.idx.msk [tilespmem:v1+s10+$0x0], $0xffff;
	_ =	sdelay $0x1  }
0x19: {  	v2 =	vld.idx.msk [tilespmem:v2+s10+$0x0], $0xffff;
	_ =	sdelay $0x2  }
0x1a: {  	vm0 =	vgt.s32 v1, $0x0  }
0x1b: {  	v1 =	vnsel vm0, $0x0, v1  }
0x1c: {  	vm12 =	vgt.s32 v2, $0x0;
	v1 =	vmin.u32 v1, $0x4E1F  }
0x1d: {  	v2 =	vnsel vm12, $0x0, v2  }
0x1e: {  	v2 =	vmin.u32 v2, $0x4E1F;
	_ =	sdelay $0x1  }
0x1f: {  	v3 =	vld [tilespmem:s13+$0x0]  }
0x20: {  	v1 =	vld.idx.msk [tilespmem:v1+s3+$0x0], $0xffff;
	_ =	sdelay $0x1  }
0x21: {  	v2 =	vld.idx.msk [tilespmem:v2+s3+$0x0], $0xffff;
	_ =	sdelay $0x2  }
0x22: {  	v1 =	vmul.f32 v3, v1;
	_ =	sdelay $0x1  }
0x23: {  	s13 =	simm.s32 $0x10;
	v1 =	vmul.f32 v1, v2  }
0x24: {  	v2 =	vmov s13  }
0x25: {  	v2 =	vshll.u32 v2, $0x1;
	v3 =	vand.u32 $0x7FFFFFFF, v1  }
0x26: {  	v2 =	vor.u32 v0, v2;
	v3 =	vxor.u32 $0x80000000, v3  }
0x27: {  	s14 =	sadd.s32 $0x0, s4;
	vm13 =	vlt.s32 v1, $0x0;
	v3 =	vxor.u32 $0xFFFFFFFF, v3  }
0x28: {  	p0 =	slt.u32 s14, $0x7A120;
	v1 =	vsel vm13, v1, v3;
	v3 =	vor.u32 $0x1, v2  }
0x29: {  	v1 =	vpsel !p0, $0xFFFFFFFF, v1  }
0x2a: {  	[tilespmem:s11+$0x0] =	vst v1  }
0x2b: {  	v1 =	vld.idx.msk [tilespmem:v2+s10+$0x0], $0xffff;
	_ =	sdelay $0x1  }
0x2c: {  	v2 =	vld.idx.msk [tilespmem:v3+s10+$0x0], $0xffff;
	_ =	sdelay $0x2  }
0x2d: {  	vm14 =	vgt.s32 v1, $0x0  }
0x2e: {  	v1 =	vnsel vm14, $0x0, v1  }
0x2f: {  	v1 =	vmin.u32 v1, $0x4E1F;
	vm15 =	vgt.s32 v2, $0x0  }
0x30: {  	v2 =	vnsel vm15, $0x0, v2  }
0x31: {  	v2 =	vmin.u32 v2, $0x4E1F  }
0x32: {  	s15 =	simm.s32 $0xC910  }
0x33: {  	v3 =	vld [tilespmem:s15+$0x0]  }
0x34: {  	v1 =	vld.idx.msk [tilespmem:v1+s3+$0x0], $0xffff;
	_ =	sdelay $0x1  }
0x35: {  	v2 =	vld.idx.msk [tilespmem:v2+s3+$0x0], $0xffff;
	_ =	sdelay $0x2  }
0x36: {  	v1 =	vmul.f32 v3, v1;
	_ =	sdelay $0x1  }
0x37: {  	s14 =	simm.s32 $0x20;
	v1 =	vmul.f32 v1, v2  }
0x38: {  	s17 =	simm.s32 $0x30;
	s16 =	simm.s32 $0x10680;
	v2 =	vmov s14  }
.LBB2_2:
0x39: {  	p0 =	sne.s32 s17, $0x3D30;
	v2 =	vshll.u32 v2, $0x1;
	v3 =	vand.u32 $0x7FFFFFFF, v1  }
0x3a: {  	v2 =	vor.u32 v0, v2;
	v3 =	vxor.u32 $0x80000000, v3  }
0x3b: {  	vm0 =	vlt.s32 v1, $0x0;
	s18 =	sadd.s32 s4, s13;
	s13 =	smov.u32 s14;
	s14 =	smov.u32 s17;
	v3 =	vxor.u32 $0xFFFFFFFF, v3  }
0x3c: {  	p1 =	slt.u32 s18, $0x7A120;
	v4 =	vor.u32 $0x1, v2;
	v1 =	vsel vm0, v1, v3  }
0x3d: {  	s16 =	sadd.s32 $0x10, s16;
	v1 =	vpsel !p1, $0xFFFFFFFF, v1  }
0x3e: {  	[tilespmem:s16+$0x0] =	vst v1  }
0x3f: {  	v1 =	vld.idx.msk [tilespmem:v2+s10+$0x0], $0xffff;
	_ =	sdelay $0x1  }
0x40: {  	v2 =	vld.idx.msk [tilespmem:v4+s10+$0x0], $0xffff;
	_ =	sdelay $0x3  }
0x41: {  	vm0 =	vgt.s32 v1, $0x0  }
0x42: {  	v1 =	vnsel vm0, $0x0, v1  }
0x43: {  	v1 =	vmin.u32 v1, $0x4E1F;
	vm0 =	vgt.s32 v2, $0x0  }
0x44: {  	v2 =	vnsel vm0, $0x0, v2  }
0x45: {  	v2 =	vmin.u32 v2, $0x4E1F;
	_ =	sdelay $0x2  }
0x46: {  	s15 =	sadd.s32 $0x10, s15;
	v1 =	vld.idx.msk [tilespmem:v1+s3+$0x0], $0xffff  }
0x47: {  	v3 =	vld [tilespmem:s15+$0x0]  }
0x48: {  	v2 =	vld.idx.msk [tilespmem:v2+s3+$0x0], $0xffff;
	_ =	sdelay $0x2  }
.Ltmp0:
0x49: {  	(pc) =	sbr.rel @p0 .LBB2_2-.Ltmp0, $3  }
0x4a: {  	v1 =	vmul.f32 v3, v1;
	_ =	sdelay $0x1  }
0x4b: {  	v1 =	vmul.f32 v1, v2  }
0x4c: {  	s17 =	sadd.s32 $0x10, s17;
	v2 =	vmov s14  }
0x4d: {  	v2 =	vshll.u32 v2, $0x1;
	v3 =	vand.u32 $0x7FFFFFFF, v1  }
0x4e: {  	v2 =	vor.u32 v0, v2;
	v3 =	vxor.u32 $0x80000000, v3  }
0x4f: {  	vm0 =	vlt.s32 v1, $0x0;
	s13 =	sadd.s32 s4, s13;
	v3 =	vxor.u32 $0xFFFFFFFF, v3  }
0x50: {  	p0 =	slt.u32 s13, $0x7A120;
	v1 =	vsel vm0, v1, v3;
	v3 =	vor.u32 $0x1, v2  }
0x51: {  	s31 =	sadd.s32 $0x10, s16;
	v1 =	vpsel !p0, $0xFFFFFFFF, v1  }
0x52: {  	[tilespmem:s31+$0x0] =	vst v1  }
0x53: {  	v1 =	vld.idx.msk [tilespmem:v2+s10+$0x0], $0xffff;
	_ =	sdelay $0x1  }
0x54: {  	v2 =	vld.idx.msk [tilespmem:v3+s10+$0x0], $0xffff;
	_ =	sdelay $0x2  }
0x55: {  	vm13 =	vgt.s32 v1, $0x0  }
0x56: {  	v1 =	vnsel vm13, $0x0, v1  }
0x57: {  	v1 =	vmin.u32 v1, $0x4E1F;
	vm14 =	vgt.s32 v2, $0x0  }
0x58: {  	v2 =	vnsel vm14, $0x0, v2  }
0x59: {  	v2 =	vmin.u32 v2, $0x4E1F  }
0x5a: {  	s15 =	sadd.s32 $0x10, s15  }
0x5b: {  	v3 =	vld [tilespmem:s15+$0x0]  }
0x5c: {  	v1 =	vld.idx.msk [tilespmem:v1+s3+$0x0], $0xffff;
	_ =	sdelay $0x1  }
0x5d: {  	v2 =	vld.idx.msk [tilespmem:v2+s3+$0x0], $0xffff;
	_ =	sdelay $0x2  }
0x5e: {  	v1 =	vmul.f32 v3, v1;
	_ =	sdelay $0x1  }
0x5f: {  	v1 =	vmul.f32 v1, v2;
	_ =	sdelay $0x1  }
0x60: {  	v2 =	vand.u32 $0x7FFFFFFF, v1  }
0x61: {  	v2 =	vxor.u32 $0x80000000, v2  }
0x62: {  	s14 =	sadd.s32 s4, s14;
	vm15 =	vlt.s32 v1, $0x0;
	v2 =	vxor.u32 $0xFFFFFFFF, v2  }
0x63: {  	s12 =	sadd.s32 $0x1, s12;
	p6 =	slt.u32 s14, $0x7A120;
	v1 =	vsel vm15, v1, v2  }
0x64: {  	s13 =	sadd.s32 $0x10, s31;
	p0 =	sne.s32 s12, s8;
	v1 =	vpsel !p6, $0xFFFFFFFF, v1  }
.Ltmp1:
0x65: {  	[tilespmem:s13+$0x0] =	vst v1;
	(pc) =	sbr.rel @p0 .LBB2_1-.Ltmp1, $4  }
0x66: {  	[hbm4b:s7+s3] =	stream.linear.scatter [tilespmem:s11], [sflag:$0x1], $0x3D40, $0x38;
	[tilespmem:$0x14400] =	vst v63  }
0x67: {  	_ =	swait.ge [sflag:s9], $0x3D40  }
0x68: {  	[sflag:s9] =	ssyncset.done $0x0  }
0x69: {  	[sflag:s9] =	ssyncadd.s32 $0xFFFFC2C0  }
0x6a: {  	_ =	sfence.sel $0x180000  }
0x6b: {  	[bflag:$0x0] =	sbarrier.arrive $0xFFFF  }
0x6c: {  	p0 =	sne.s32 s0, $0x0;
	_ =	strace $0x90000047  }
0x6d: {  	s0 =	sadd.s32 @!p0 $0x100000, s2;
	[bflag:$0x2] =	sbarrier.arrive $0xFFFF  }
0x6e: {  	[sflag:s0] =	ssyncadd.tile.s32 @!p0 $0x1;
	_ =	shalt  }
.Lfunc_end2:
_tile_overlayer_lowered:
.L_overlay_start_2:
0x6f: {  	(tag) =	ssettag $0x2  }
0x70: {  	s0 =	rddreg [dreg:$0x0];
	s2 =	stileid.u32  }
0x71: {  	s1 =	rddreg [dreg:$0x1];
	p0 =	sne.s32 s2, $0x0  }
0x72: {  	s3 =	rddreg [dreg:$0x2];
	[bflag:$0x3] =	sbarrier.arrive $0xFFFF;
	s2 =	simm.s32 @!p0 $0x1C01  }
0x73: {  	[timem:s3], [sflag:s2] =	dma.local @!p0 [hbm:s0], s1  }
0x74: {  	s0 =	simm.s32 @!p0 $0x1  }
0x75: {  	_ =	swait.ge @!p0 [sflag:s0], s1  }
0x76: {  	s1 =	ssub.s32 @!p0 $0x0, s1;
	[sflag:s0] =	ssyncset.done @!p0 $0x0  }
0x77: {  	[sflag:s0] =	ssyncadd.s32 @!p0 s1  }
0x78: {  	[bflag:$0x3] =	sbarrier.arrive $0xFFFF  }
0x79: {  	_ =	shalt  }

// kernel: sparse-core-data-format-call.cloned.1.call-start
scs
called_computation_lowered:
.L_overlay_start_0:
0x0: {  	s2 =	sld [smem:$0x3FD9]  }
0x1: {  	s3 =	sld [smem:$0x3FFE];
	_ =	sdelay $0x1  }
0x2: {  	s1 =	srdreg.scid  }
0x3: {  	s0 =	sand.u32 $0x1, s1  }
0x4: {  	s16 =	sshll.u32 s0, $0xA;
	s2 =	sadd.s32 s3, s2  }
0x5: {  	s2 =	sadd.s32 s2, s16  }
0x6: {  	[smem:$0x3FC4] =	sst s2  }
0x7: {  	_ = 	snop  }
0x8: {  	s2 =	sld [smem:$0x3FD0];
	_ =	sdelay $0x3  }
0x9: {  	s17 =	simm.s32 $0xD;
	s4 =	simm.s32 $0x10;
	s2 =	sadd.s32 $0x1, s2  }
0xa: {  	[smem:s4], [sflag:s17] =	dma.local [hbm:s2], $0x1  }
0xb: {  	_ =	swait.eq [sflag:s17], $0x1  }
0xc: {  	[sflag:s17] =	ssyncset.done $0x0  }
0xd: {  	[sflag:s17] =	ssyncadd.s32 $0xFFFFFFFF  }
0xe: {  	s18 =	sld [smem:$0x10];
	(tm) =	ssettm $0x1  }
0xf: {  	s19 =	sld [smem:$0x3FFB];
	_ =	sdelay $0x3  }
0x10: {  	_ =	strace s19  }
0x11: {  	s2 =	sld [smem:$0x3FFC];
	_ =	sdelay $0x3  }
0x12: {  	_ =	strace s2  }
0x13: {  	s2 =	sld [smem:$0x3FFD];
	_ =	sdelay $0x3  }
0x14: {  	_ =	strace s2  }
0x15: {  	_ =	strace $0x8FFFFFFF  }
0x16: {  	s20 =	sld [smem:$0x3FDB];
	_ =	sdelay $0x1  }
0x17: {  	s21 =	simm.s32 $_scs_section_size  }
0x18: {  	s5 =	simm.s32 $_size__tile_overlayer_lowered;
	s6 =	simm.s32 $_tile_overlayer_lowered  }
0x19: {  	s7 =	simm.s32 $0x1BFF;
	s22 =	sshll.u32 s6, $0x1;
	s4 =	sadd.s32 s21, s20  }
0x1a: {  	s23 =	simm.s32 $0x0;
	s5 =	sshll.u32 s5, $0x1;
	s6 =	sadd.s32 s22, s4  }
0x1b: {  	[timem:s23], [sflag:s7] =	dma.local [hbm:s6], s5  }
0x1c: {  	_ =	swait.ge [sflag:s7], s5  }
0x1d: {  	s5 =	ssub.s32 $0x0, s5;
	[sflag:s7] =	ssyncset.done $0x0  }
0x1e: {  	[sflag:s7] =	ssyncadd.s32 s5;
	_ =	sdelay $0x1  }
0x1f: {  	s24 =	simm.s32 $0x1B8B  }
0x20: {  	_ =	swait.ge [sflag:s24], $0x1  }
0x21: {  	[sflag:s24] =	ssyncset.done $0x0  }
0x22: {  	[sflag:s24] =	ssyncadd.s32 $0xFFFFFFFF  }
0x23: {  	s5 =	sld [smem:$0x0]  }
0x24: {  	s6 =	sand.u32 $0xFFFFFFFE, s1  }
0x25: {  	p0 =	sne.s32 s1, s6  }
0x26: {  	s6 =	sshll.u32 @p0 s6, $0xE  }
0x27: {  	s6 =	sadd.s32 @p0 $0x11B8D, s6;
	s7 =	sshll.u32 @p0 s5, $0x11  }
0x28: {  	s6 =	sor.u32 @p0 s7, s6  }
0x29: {  	[sflag:s6] =	ssyncadd.remote.s32 @p0 $0x1;
	_ =	sdelay $0x1  }
0x2a: {  	s6 =	simm.s32 @p0 $0x1B8D  }
0x2b: {  	_ =	swait.eq @p0 [sflag:s6], $0x1  }
0x2c: {  	[sflag:s6] =	ssyncadd.s32 @p0 $0xFFFFFFFF  }
0x2d: {  	s7 =	sshll.u32 @!p0 s1, $0xE  }
0x2e: {  	s7 =	sor.u32 @!p0 $0x4000, s7;
	s6 =	simm.s32 @!p0 $0x1B8D  }
0x2f: {  	s5 =	sshll.u32 @!p0 s5, $0x11;
	s7 =	sadd.s32 @!p0 $0x11B8D, s7;
	_ =	swait.eq @!p0 [sflag:s6], $0x1  }
0x30: {  	s5 =	sor.u32 @!p0 s5, s7;
	[sflag:s6] =	ssyncadd.s32 @!p0 $0xFFFFFFFF  }
0x31: {  	s26 =	simm.s32 $0x1B8E;
	s25 =	sld [smem:$0x3FFE];
	[sflag:s5] =	ssyncadd.remote.s32 @!p0 $0x1  }
0x32: {  	s27 =	simm.s32 $execute0_lowered;
	[smem:$0x3FD2] =	sst s26  }
0x33: {  	s6 =	sshll.u32 s27, $0x1;
	_ =	strace $0x80000055;
	[dreg:$0x1] =	wrdreg $0xFFFFFFFF  }
0x34: {  	s28 =	simm.s32 $_size_execute0_lowered;
	s4 =	sadd.s32 s4, s6;
	[dreg:$0x0] =	wrdreg $0x0  }
0x35: {  	s6 =	sshll.u32 s28, $0x1;
	[dreg:$0x2] =	wrdreg s4  }
0x36: {  	[dreg:$0x3] =	wrdreg s6  }
0x37: {  	[dreg:$0x4] =	wrdreg $0xC0  }
0x38: {  	_ =	task [dreg:s23], $0x5FFFF  }
0x39: {  	[dreg:$0x1] =	wrdreg $0xFFFFFFFF  }
0x3a: {  	[dreg:$0x0] =	wrdreg $0x60  }
0x3b: {  	[dreg:$0x2] =	wrdreg s18  }
0x3c: {  	[dreg:$0x3] =	wrdreg s25  }
0x3d: {  	[dreg:$0x4] =	wrdreg $0xA  }
0x3e: {  	_ =	task.clear_ibuf [dreg:s23], $0x5FFFF;
	_ =	strace $0x90000055  }
0x3f: {  	s29 =	simm.s32 $0xA;
	_ =	strace $0x80000057  }
0x40: {  	_ =	swait.ge [sflag:s29], $0x1  }
0x41: {  	[sflag:s29] =	ssyncadd.s32 $0xFFFFFFFF  }
0x42: {  	_ =	strace $0x90000057  }
0x43: {  	_ =	sfence  }
0x44: {  	s30 =	sld [smem:$0x0];
	_ =	sdelay $0x2  }
0x45: {  	s31 =	sshll.u32 s1, $0xD;
	s1 =	sshrl.u32 s1, $0x2  }
0x46: {  	s4 =	sand.u32 $0x4000, s31;
	s1 =	sadd.s32 s1, s30  }
0x47: {  	s0 =	sor.u32 s4, s0;
	s1 =	sshll.u32 s1, $0x11  }
0x48: {  	s0 =	sor.u32 s1, s0  }
0x49: {  	s0 =	sadd.s32 $0x8F2B, s0  }
0x4a: {  	[sflag:s0] =	ssyncadd.remote.s32 $0x1  }
0x4b: {  	_ =	sfence.sel $0xFFFF  }
0x4c: {  	[dreg:$0x0] =	wrdreg $0xFFFFFFFF;
	(pc) =	sbr.abs _section_cstart, $3  }
0x4d: {  	[dreg:$0x1] =	wrdreg $0xFFFFFFFF  }
0x4e: {  	_ =	task.clear_ibuf [dreg:s23], $0x2FFFF;
	_ =	strace $0x9FFFFFFF  }
0x4f: {  	(tm) =	ssettm $0x7FFFFFFF  }
tec
execute0_lowered:
.L_overlay_start_1:
0x0: {  	(tag) =	ssettag $0x1  }
0x1: {  	s0 =	srdreg.scid  }
0x2: {  	s1 =	rddreg [dreg:$0x1];
	s2 =	stileid.u32  }
0x3: {  	_ =	strace $0x80000056;
	s29 =	simm.s32 $0x1;
	s0 =	sshll.u32 s0, $0x4  }
0x4: {  	s31 =	simm.s32 $0x2;
	s15 =	simm.s32 $0x0;
	s0 =	sand.u32 $0x10, s0  }
0x5: {  	s14 =	simm.s32 $0x0;
	s9 =	simm.s32 $0x0;
	s0 =	sor.u32 s2, s0  }
.Ltmp0:
0x6: {  	s28 =	sadd.s32 $0x3F200, s1;
	s10 =	sshll.u32 s0, $0x7;
	(pc) =	sbr.rel .LBB1_1-.Ltmp0, $4  }
0x7: {  	s11 =	simm.s32 $0x0;
	[dreg:$0x4] =	wrdreg s28;
	s30 =	ssub.s32 $0x7A100, s10  }
0x8: {  	s12 =	simm.s32 $0x0;
	[dreg:$0x3] =	wrdreg s10;
	s0 =	sshrl.u32 s30, $0xC  }
0x9: {  	[sflag:s29] =	ssyncpa.u1 $0x0;
	[dreg:$0x5] =	wrdreg s0;
	s8 =	sadd.s32 $0x2, s0  }
0xa: {  	s13 =	simm.s32 $0x0;
	[sflag:s31] =	ssyncpa.u1 $0x0;
	[dreg:$0x6] =	wrdreg s8  }
.LBB1_12:
0xb: {  	s9 =	rddreg [dreg:$0x7]  }
0xc: {  	s4 =	rddreg [dreg:$0xb]  }
0xd: {  	s1 =	sshll.u32 s11, $0x3;
	s24 =	rddreg [dreg:$0xa]  }
0xe: {  	s3 =	smov.u32 s11;
	s27 =	sshrl.u32 s11, $0x3;
	s29 =	rddreg [dreg:$0x4]  }
0xf: {  	s28 =	sand.u32 $0x7, s11;
	s8 =	rddreg [dreg:$0x6];
	s0 =	sshll.u32 s9, $0x7  }
0x10: {  	s1 =	sand.u32 $0xFFFFFC00, s1;
	p0 =	sgt.s32 s9, $0x7A0A0;
	s2 =	sand.u32 $0xFFFFFC00, s0  }
0x11: {  	s0 =	sand.u32 $0x380, s0;
	s1 =	sadd.s32 s1, s2;
	s2 =	smov.u32 s9  }
0x12: {  	s14 =	rddreg [dreg:$0x8];
	s0 =	sor.u32 s0, s1;
	s2 =	simm.s32 @!p0 $0x7A0A0  }
0x13: {  	p0 =	sgt.s32 s11, $0x40;
	s0 =	sshrl.u32 s0, $0x7;
	s2 =	sadd.s32 s4, s2  }
0x14: {  	s3 =	simm.s32 @!p0 $0x40;
	s23 =	smulhi.u32 $0x218DEF5, s0;
	s25 =	sadd.s32 $0xFFF85F60, s2  }
0x15: {  	s3 =	sadd.s32 s24, s3;
	s2 =	ssub.s32 $0x7A120, s2;
	p0 =	sgt.s32 s25, $0x7F  }
0x16: {  	s26 =	sadd.s32 $0xFFFFFFC0, s3;
	s3 =	ssub.s32 $0x80, s3;
	s1 =	sshrl.u32 s23, $0xC  }
0x17: {  	s2 =	simm.s32 @p0 $0x0;
	p0 =	sgt.s32 s26, $0x3F;
	s1 =	smul.u32 $0x7A120, s1  }
0x18: {  	s31 =	simm.s32 $0x80;
	s15 =	rddreg [dreg:$0x9];
	s3 =	simm.s32 @p0 $0x0  }
0x19: {  	s2 =	smul.u32 s3, s2;
	s0 =	ssub.s32 s0, s1;
	s1 =	sand.u32 $0xF, s27  }
0x1a: {  	s3 =	sshll.u32 s28, $0x12;
	s0 =	sshll.u32 s0, $0x4;
	s1 =	sadd.s32 s29, s1  }
0x1b: {  	s30 =	sor.u32 $0x40, s3;
	s2 =	sand.u32 $0x3FFFFFFF, s2;
	s0 =	sadd.s32 s0, s1  }
0x1c: {  	[hbm4b:s0+s30] =	stream.strided.scatter [tilespmem:s18], [sflag:$0x2], s2, s31, s30, $0x18;
	[tilespmem:$0x8100] =	vst v63  }
.LBB1_13:
0x1d: {  	p0 =	slt.u32 s13, $0x2  }
0x1e: {  	s1 =	smov.u32 s15;
	s2 =	smov.u32 s14;
	p1 =	sgt.s32 @!p0 s15, $0x7A0A0  }
0x1f: {  	s0 =	sshra.s32 @!p0 s15, $0x1F;
	p2 =	sgt.s32 @!p0 s14, $0x40;
	s3 =	sshra.s32 @!p0 s14, $0x1F  }
0x20: {  	p1 =	por !p1, p0;
	s0 =	sand.u32 @!p0 s0, s15;
	p2 =	por !p2, p0  }
0x21: {  	s3 =	sand.u32 @!p0 s3, s14;
	s1 =	simm.s32 @p1 $0x7A0A0;
	s2 =	simm.s32 @p2 $0x40  }
0x22: {  	s0 =	ssub.s32 @!p0 s1, s0;
	s1 =	ssub.s32 @!p0 s2, s3  }
0x23: {  	s2 =	sadd.s32 @!p0 $0xFFF85F60, s0;
	s3 =	sadd.s32 @!p0 $0xFFFFFFC0, s1  }
0x24: {  	s0 =	ssub.s32 @!p0 $0x7A120, s0;
	p1 =	sgt.s32 @!p0 s2, $0x7F;
	p2 =	sgt.s32 @!p0 s3, $0x3F  }
0x25: {  	s1 =	ssub.s32 @!p0 $0x80, s1;
	p1 =	por !p1, p0;
	p2 =	por !p2, p0  }
0x26: {  	s0 =	simm.s32 @!p1 $0x0;
	s1 =	simm.s32 @!p2 $0x0  }
0x27: {  	s0 =	smul.u32 @!p0 s1, s0  }
0x28: {  	s4 =	smov.u32 s12  }
0x29: {  	s2 =	simm.s32 @!p0 $0x2;
	s1 =	sadd.s32 $0x1000, s10;
	s0 =	sand.u32 @!p0 $0x3FFFFFFF, s0  }
0x2a: {  	s3 =	sadd.s32 $0x40, s12;
	p1 =	sgt.s32 s1, $0x7A11F;
	_ =	swait.ge @!p0 [sflag:s2], s0  }
0x2b: {  	s4 =	smov.u32 @p1 s3;
	s3 =	rddreg [dreg:$0x3]  }
0x2c: {  	s1 =	smov.u32 @p1 s3;
	p1 =	sgt.s32 s4, $0x32  }
0x2d: {  	s4 =	simm.s32 @p1 $0x0;
	p1 =	sne.s32 s13, s8  }
.Ltmp1:
0x2e: {  	_ = 	snop;
	(pc) =	sbr.rel @!p1 .LBB1_14-.Ltmp1, $4  }
0x2f: {  	s15 =	smov.u32 s9  }
0x30: {  	s14 =	smov.u32 s11;
	s0 =	ssub.s32 @!p0 $0x0, s0;
	[sflag:s2] =	ssyncset.done @!p0 $0x0  }
0x31: {  	s9 =	smov.u32 s10;
	s11 =	smov.u32 s12;
	[sflag:s2] =	ssyncadd.s32 @!p0 s0  }
0x32: {  	s13 =	sadd.s32 $0x1, s13;
	s10 =	smov.u32 s1;
	s12 =	smov.u32 s4  }
.LBB1_1:
0x33: {  	s0 =	rddreg [dreg:$0x5]  }
0x34: {  	p0 =	sgt.u32 s13, s0  }
0x35: {  	s6 =	smov.u32 s10;
	s0 =	sshrl.u32 @!p0 s12, $0x3  }
0x36: {  	s1 =	sshll.u32 @!p0 s10, $0x3;
	s2 =	sshll.u32 @!p0 s12, $0x7;
	s0 =	smul.u32 @!p0 $0x3D0C00, s0  }
0x37: {  	s3 =	sand.u32 @!p0 $0x7F, s10;
	p1 =	sgt.s32 @!p0 s12, $0xFFFFFFF8;
	s1 =	sand.u32 @!p0 $0xFFFFFC00, s1  }
0x38: {  	s5 =	sshra.s32 @!p0 s12, $0x1F;
	s0 =	sadd.s32 @!p0 s0, s1;
	s1 =	sand.u32 @!p0 $0x380, s2  }
0x39: {  	s7 =	sshra.s32 @!p0 s10, $0x1F;
	p1 =	por !p1, p0;
	s0 =	sor.u32 @!p0 s1, s0  }
0x3a: {  	s5 =	sand.u32 @!p0 s5, s12;
	s7 =	sand.u32 @!p0 s7, s10;
	s1 =	sshrl.u32 @!p0 s0, $0x7  }
0x3b: {  	s0 =	sor.u32 @!p0 s3, s0;
	s3 =	smov.u32 s12;
	s1 =	smulhi.u32 @!p0 $0x10C6249, s1  }
0x3c: {  	s2 =	sxor.u32 @!p0 $0xFFFFFFFF, s13;
	s3 =	simm.s32 @p1 $0xFFFFFFF8;
	p1 =	sgt.s32 @!p0 s10, $0x7A100  }
0x3d: {  	s2 =	sshll.u32 @!p0 s2, $0xD;
	p1 =	por !p1, p0;
	s1 =	sshrl.u32 @!p0 s1, $0x4  }
0x3e: {  	s3 =	ssub.s32 @!p0 s3, s5;
	s6 =	simm.s32 @p1 $0x7A100;
	s4 =	smul.u32 @!p0 $0x4925, s1  }
0x3f: {  	s5 =	ssub.s32 @!p0 s6, s7;
	s6 =	sadd.s32 @!p0 $0x8, s3;
	s3 =	ssub.s32 @!p0 $0x38, s3  }
0x40: {  	s7 =	sadd.s32 @!p0 $0xFFF85F00, s5;
	p1 =	sgt.s32 @!p0 s6, $0x3F;
	s4 =	sshrl.u32 @!p0 s4, $0x14  }
0x41: {  	p2 =	sgt.s32 @!p0 s7, $0x7F;
	p1 =	por !p1, p0;
	s4 =	smul.u32 @!p0 $0x38, s4  }
0x42: {  	s5 =	ssub.s32 @!p0 $0x7A180, s5;
	p2 =	por !p2, p0;
	s3 =	simm.s32 @!p1 $0x0  }
0x43: {  	s5 =	simm.s32 @!p2 $0x0;
	s4 =	ssub.s32 @!p0 s1, s4;
	s1 =	smul.u32 @!p0 $0x7A180, s1  }
0x44: {  	s2 =	sand.u32 @!p0 $0x2000, s2;
	s3 =	smul.u32 @!p0 s3, s5  }
0x45: {  	s5 =	rddreg [dreg:$0x0];
	s0 =	ssub.s32 @!p0 s0, s1;
	s1 =	sand.u32 @!p0 $0xFFFF, s4  }
0x46: {  	s1 =	smul.u32 @!p0 $0xF430, s1;
	s4 =	sshrl.u32 @!p0 s0, $0x3;
	s0 =	sand.u32 @!p0 $0x7, s0  }
0x47: {  	s3 =	sand.u32 @!p0 $0x3FFFFFFF, s3;
	s4 =	sadd.s32 @!p0 s5, s4;
	s0 =	sshll.u32 @!p0 s0, $0x12  }
0x48: {  	s1 =	sadd.s32 @!p0 s1, s4;
	s0 =	sor.u32 @!p0 $0x400, s0;
	s4 =	simm.s32 @!p0 $0x3D0C00  }
0x49: {  	[tilespmem:s2], [sflag:$0x1] =	stream.strided.gather @!p0 [hbm4b:s1+s0], s3, s4, s0, $0x38;
	[tilespmem:$0x8100] =	vst v63  }
0x4a: {  	p0 =	seq.s32 s13, $0x0  }
0x4b: {  	p1 =	sge.u32 @!p0 s13, s8  }
0x4c: {  	p0 =	por p0, p1  }
.Ltmp2:
0x4d: {  	_ = 	snop;
	(pc) =	sbr.rel @p0 .LBB1_13-.Ltmp2, $1  }
0x4e: {  	_ =	sdelay $0x3  }
0x4f: {  	s0 =	ssub.s32 $0x0, s11;
	s1 =	sshra.s32 s11, $0x1F;
	p0 =	sgt.s32 s11, $0xFFFFFFF8  }
0x50: {  	s2 =	smov.u32 s11;
	s25 =	ssub.s32 $0x0, s9;
	s26 =	sshra.s32 s9, $0x1F  }
0x51: {  	s3 =	smov.u32 s9;
	s2 =	simm.s32 @!p0 $0xFFFFFFF8;
	p0 =	sgt.s32 s9, $0x7A100  }
0x52: {  	s4 =	sand.u32 s0, s1;
	s1 =	sand.u32 s25, s26;
	s3 =	simm.s32 @!p0 $0x7A100  }
0x53: {  	s2 =	sadd.s32 s4, s2;
	[dreg:$0xb] =	wrdreg s1;
	s1 =	sadd.s32 s1, s3  }
0x54: {  	s27 =	sadd.s32 $0x8, s2;
	s2 =	ssub.s32 $0x38, s2;
	s28 =	sadd.s32 $0xFFF85F00, s1  }
0x55: {  	p0 =	sgt.s32 s27, $0x3F;
	s0 =	ssub.s32 $0x7A180, s1;
	p1 =	sgt.s32 s28, $0x7F  }
0x56: {  	s2 =	simm.s32 @p0 $0x0;
	s0 =	simm.s32 @p1 $0x0  }
0x57: {  	s29 =	smul.u32 s2, s0;
	s2 =	sadd.s32 $0x40, s11  }
0x58: {  	p0 =	slt.s32 s2, $0x33  }
0x59: {  	s2 =	simm.s32 @!p0 $0x33  }
0x5a: {  	[dreg:$0x9] =	wrdreg s15;
	s19 =	ssub.s32 s2, s11  }
0x5b: {  	[dreg:$0x8] =	wrdreg s14;
	p0 =	slt.s32 s19, $0x1  }
.Ltmp3:
0x5c: {  	[dreg:$0x7] =	wrdreg s9;
	s30 =	simm.s32 $0x1;
	(pc) =	sbr.rel @p0 .LBB1_12-.Ltmp3, $4  }
0x5d: {  	[dreg:$0xa] =	wrdreg s4;
	s0 =	sand.u32 $0x1, s13;
	s1 =	sand.u32 $0x3FFFFFFF, s29  }
0x5e: {  	s31 =	smul.u32 $0x2080, s0;
	_ =	swait.ge [sflag:s30], s1  }
0x5f: {  	s1 =	ssub.s32 $0x0, s1;
	[sflag:s30] =	ssyncset.done $0x0  }
0x60: {  	s18 =	sor.u32 $0x4000, s31;
	[sflag:s30] =	ssyncadd.s32 s1  }
0x61: {  	s2 =	rddreg [dreg:$0x7]  }
0x62: {  	s1 =	sadd.s32 $0x80, s2  }
0x63: {  	p0 =	slt.s32 s1, $0x7A120  }
.Ltmp4:
0x64: {  	s1 =	simm.s32 @!p0 $0x7A120;
	(pc) =	sbr.rel .LBB1_4-.Ltmp4, $4  }
0x65: {  	s22 =	sshll.u32 s0, $0xD;
	s1 =	ssub.s32 s1, s2  }
0x66: {  	s24 =	simm.s32 $0x0;
	s25 =	simm.s32 $0x400;
	s1 =	sadd.s32 $0xF, s1  }
0x67: {  	s20 =	sand.u32 $0xFFFFFFF0, s1;
	s21 =	sand.u32 $0xFFFFFF00, s1;
	s31 =	sshll.u32 s1, $0x3  }
0x68: {  	p0 =	slt.s32 s1, $0x100;
	s23 =	sand.u32 $0xFFFFF800, s31;
	p1 =	sge.s32 s21, s20  }
.LBB1_11:
0x69: {  	s24 =	sadd.s32 $0x1, s24  }
0x6a: {  	p2 =	sne.s32 s24, s19  }
.Ltmp5:
0x6b: {  	_ = 	snop;
	(pc) =	sbr.rel @!p2 .LBB1_12-.Ltmp5, $2  }
0x6c: {  	_ =	sdelay $0x2  }
0x6d: {  	s25 =	sadd.s32 $0x80, s25  }
.LBB1_4:
.Ltmp6:
0x6e: {  	(pc) =	sbr.rel @p0 .LBB1_8-.Ltmp6, $2  }
0x6f: {  	_ =	sdelay $0x2  }
0x70: {  	s26 =	sshll.u32 s24, $0x7;
	s27 =	sand.u32 $0x7F, s24  }
0x71: {  	s1 =	sshll.u32 s24, $0x3  }
0x72: {  	s5 =	sand.u32 $0x380, s26;
	s3 =	sshrl.u32 s1, $0x7  }
0x73: {  	s2 =	sadd.s32 $0x800, s1;
	s6 =	sadd.s32 $0x1000, s1;
	s17 =	sadd.s32 s5, s22  }
0x74: {  	s9 =	sadd.s32 $0x1800, s1;
	s16 =	sadd.s32 $0x2800, s1;
	s7 =	sadd.s32 $0x3000, s1  }
0x75: {  	s1 =	sadd.s32 $0x3800, s1;
	s0 =	sand.u32 $0x78, s3;
	s2 =	sshrl.u32 s2, $0x7  }
0x76: {  	s8 =	sshrl.u32 s6, $0x7;
	s6 =	sshrl.u32 s9, $0x7;
	s9 =	sshrl.u32 s1, $0x7  }
0x77: {  	v0 =	vmov s17;
	s17 =	sand.u32 $0x1C00, s25;
	s4 =	smul.u32 $0x104, s0;
	s2 =	sand.u32 $0x78, s2  }
0x78: {  	s5 =	sand.u32 $0x78, s8;
	s14 =	sand.u32 $0x78, s6;
	s2 =	smul.u32 $0x104, s2  }
0x79: {  	s0 =	sxor.u32 $0x40, s0;
	s8 =	sshrl.u32 s7, $0x7;
	s5 =	smul.u32 $0x104, s5  }
0x7a: {  	s7 =	sadd.s32 $0x30, s3;
	s0 =	smul.u32 $0x104, s0;
	s4 =	sshrl.u32 s4, $0x2  }
0x7b: {  	s4 =	sadd.s32 s4, s18;
	s2 =	sshrl.u32 s2, $0x2;
	s15 =	sshrl.u32 s5, $0x2  }
0x7c: {  	s5 =	sshrl.u32 s16, $0x7;
	s0 =	sshrl.u32 s0, $0x2;
	s16 =	sadd.s32 $0x20, s3  }
0x7d: {  	s2 =	sadd.s32 s2, s18;
	s28 =	sadd.s32 s27, s4;
	s4 =	sadd.s32 s15, s18  }
0x7e: {  	s6 =	sadd.s32 s0, s18;
	s29 =	sadd.s32 s27, s2;
	s2 =	smul.u32 $0x104, s14  }
0x7f: {  	s15 =	sadd.s32 $0x10, s3;
	s30 =	sadd.s32 s27, s4;
	s4 =	sand.u32 $0x78, s5  }
0x80: {  	s5 =	sand.u32 $0x78, s15;
	s4 =	smul.u32 $0x104, s4;
	s2 =	sshrl.u32 s2, $0x2  }
0x81: {  	s31 =	sadd.s32 s27, s6;
	s5 =	smul.u32 $0x104, s5;
	s2 =	sadd.s32 s2, s18  }
0x82: {  	s4 =	sshrl.u32 s4, $0x2;
	s0 =	sadd.s32 s27, s2;
	s2 =	sand.u32 $0x78, s8  }
0x83: {  	s14 =	sand.u32 $0x78, s9;
	s4 =	sadd.s32 s4, s18;
	s2 =	smul.u32 $0x104, s2  }
0x84: {  	s6 =	sand.u32 $0x78, s16;
	s1 =	sadd.s32 s27, s4;
	s4 =	smul.u32 $0x104, s14  }
0x85: {  	s5 =	sshrl.u32 s5, $0x2;
	s14 =	sadd.s32 $0x60, s3;
	s2 =	sshrl.u32 s2, $0x2  }
0x86: {  	s14 =	sand.u32 $0x78, s14;
	s4 =	sshrl.u32 s4, $0x2;
	s2 =	sadd.s32 s2, s18  }
0x87: {  	s14 =	smul.u32 $0x104, s14;
	s8 =	sadd.s32 s27, s2;
	s2 =	sadd.s32 s4, s18  }
0x88: {  	s4 =	smul.u32 $0x104, s6;
	s6 =	sand.u32 $0x78, s7;
	s7 =	sadd.s32 $0x50, s3  }
0x89: {  	s3 =	sadd.s32 $0x70, s3;
	s6 =	smul.u32 $0x104, s6;
	s7 =	sand.u32 $0x78, s7  }
0x8a: {  	v1 =	vld.idx.msk [tilespmem:v0+s17+$0x0 ss:$0x1], $0xffff;
	s5 =	sadd.s32 s5, s18;
	s3 =	sand.u32 $0x78, s3;
	s7 =	smul.u32 $0x104, s7  }
0x8b: {  	s14 =	sshrl.u32 s14, $0x2;
	s3 =	smul.u32 $0x104, s3;
	s6 =	sshrl.u32 s6, $0x2  }
0x8c: {  	s14 =	sadd.s32 s14, s18;
	s15 =	sadd.s32 s6, s18;
	s6 =	sadd.s32 s27, s5  }
0x8d: {  	s7 =	sshrl.u32 s7, $0x2;
	s3 =	sshrl.u32 s3, $0x2;
	s5 =	sadd.s32 s27, s15  }
0x8e: {  	s7 =	sadd.s32 s7, s18;
	s9 =	sadd.s32 s3, s18;
	s15 =	sadd.s32 $0xFFFFFC00, s25  }
0x8f: {  	[tilespmem:s28+$0x0 ss:$0x41] =	vst.msk $0xffff, v1;
	v1 =	vld.idx.msk [tilespmem:v0+s17+$0x20 ss:$0x1], $0xffff;
	s3 =	sadd.s32 s27, s7;
	s7 =	sadd.s32 s27, s14;
	s14 =	sand.u32 $0x1C00, s15  }
0x90: {  	v2 =	vld.idx.msk [tilespmem:v0+s14+$0x70 ss:$0x1], $0xffff  }
0x91: {  	v3 =	vld.idx.msk [tilespmem:v0+s14+$0x0 ss:$0x1], $0xffff  }
0x92: {  	v4 =	vld.idx.msk [tilespmem:v0+s14+$0x10 ss:$0x1], $0xffff  }
0x93: {  	v5 =	vld.idx.msk [tilespmem:v0+s14+$0x20 ss:$0x1], $0xffff  }
0x94: {  	s2 =	sadd.s32 s27, s2;
	v6 =	vld.idx.msk [tilespmem:v0+s14+$0x30 ss:$0x1], $0xffff  }
0x95: {  	v7 =	vld.idx.msk [tilespmem:v0+s14+$0x40 ss:$0x1], $0xffff;
	[tilespmem:s2+$0x0 ss:$0x41] =	vst.msk $0xffff, v2  }
0x96: {  	v8 =	vld.idx.msk [tilespmem:v0+s14+$0x50 ss:$0x1], $0xffff;
	[tilespmem:s28+$0x0 ss:$0x41] =	vst.msk $0xffff, v3  }
0x97: {  	p2 =	sgt.s32 s21, $0x100;
	v9 =	vld.idx.msk [tilespmem:v0+s14+$0x60 ss:$0x1], $0xffff;
	[tilespmem:s29+$0x0 ss:$0x41] =	vst.msk $0xffff, v4  }
.Ltmp7:
0x98: {  	v4 =	vld.idx.msk [tilespmem:v0+s17+$0x10 ss:$0x1], $0xffff;
	[tilespmem:s30+$0x0 ss:$0x41] =	vst.msk $0xffff, v5;
	(pc) =	sbr.rel @!p2 .LBB1_7-.Ltmp7, $4  }
0x99: {  	s4 =	sshrl.u32 s4, $0x2;
	[tilespmem:s0+$0x0 ss:$0x41] =	vst.msk $0xffff, v6;
	v2 =	vld.idx.msk [tilespmem:v0+s17+$0x30 ss:$0x1], $0xffff  }
0x9a: {  	s4 =	sadd.s32 s4, s18;
	[tilespmem:s31+$0x0 ss:$0x41] =	vst.msk $0xffff, v7;
	v3 =	vld.idx.msk [tilespmem:v0+s17+$0x40 ss:$0x1], $0xffff  }
0x9b: {  	s4 =	sadd.s32 s27, s4;
	[tilespmem:s1+$0x0 ss:$0x41] =	vst.msk $0xffff, v8;
	v5 =	vld.idx.msk [tilespmem:v0+s17+$0x50 ss:$0x1], $0xffff  }
0x9c: {  	s16 =	sadd.s32 s27, s9;
	s15 =	sadd.s32 $0x800, s25;
	s14 =	simm.s32 $0x100;
	[tilespmem:s8+$0x0 ss:$0x41] =	vst.msk $0xffff, v9;
	v6 =	vld.idx.msk [tilespmem:v0+s17+$0x60 ss:$0x1], $0xffff  }
.LBB1_6:
0x9d: {  	s9 =	sadd.s32 $0xFFFFFC00, s15;
	s14 =	sadd.s32 $0x100, s14;
	[tilespmem:s6+$0x0 ss:$0x41] =	vst.msk $0xffff, v4;
	v4 =	vld.idx.msk [tilespmem:v0+s17+$0x70 ss:$0x1], $0xffff;
	s17 =	sand.u32 $0x1C00, s15  }
0x9e: {  	s9 =	sand.u32 $0x1C00, s9;
	v7 =	vld.idx.msk [tilespmem:v0+s17+$0x0 ss:$0x1], $0xffff;
	p2 =	slt.s32 s14, s21;
	[tilespmem:s4+$0x0 ss:$0x41] =	vst.msk $0xffff, v1  }
0x9f: {  	v1 =	vld.idx.msk [tilespmem:v0+s9+$0x70 ss:$0x1], $0xffff;
	[tilespmem:s5+$0x0 ss:$0x41] =	vst.msk $0xffff, v2  }
0xa0: {  	v2 =	vld.idx.msk [tilespmem:v0+s9+$0x0 ss:$0x1], $0xffff;
	[tilespmem:s31+$0x0 ss:$0x41] =	vst.msk $0xffff, v3  }
0xa1: {  	v3 =	vld.idx.msk [tilespmem:v0+s9+$0x10 ss:$0x1], $0xffff;
	[tilespmem:s3+$0x0 ss:$0x41] =	vst.msk $0xffff, v5  }
0xa2: {  	v5 =	vld.idx.msk [tilespmem:v0+s9+$0x20 ss:$0x1], $0xffff;
	[tilespmem:s7+$0x0 ss:$0x41] =	vst.msk $0xffff, v6  }
0xa3: {  	v6 =	vld.idx.msk [tilespmem:v0+s9+$0x30 ss:$0x1], $0xffff;
	[tilespmem:s16+$0x0 ss:$0x41] =	vst.msk $0xffff, v4  }
0xa4: {  	v8 =	vld.idx.msk [tilespmem:v0+s9+$0x40 ss:$0x1], $0xffff;
	[tilespmem:s28+$0x0 ss:$0x41] =	vst.msk $0xffff, v7  }
0xa5: {  	v7 =	vld.idx.msk [tilespmem:v0+s9+$0x50 ss:$0x1], $0xffff;
	[tilespmem:s2+$0x0 ss:$0x41] =	vst.msk $0xffff, v1  }
0xa6: {  	[tilespmem:s28+$0x0 ss:$0x41] =	vst.msk $0xffff, v2;
	v9 =	vld.idx.msk [tilespmem:v0+s9+$0x60 ss:$0x1], $0xffff  }
0xa7: {  	[tilespmem:s29+$0x0 ss:$0x41] =	vst.msk $0xffff, v3;
	v4 =	vld.idx.msk [tilespmem:v0+s17+$0x10 ss:$0x1], $0xffff  }
.Ltmp8:
0xa8: {  	[tilespmem:s30+$0x0 ss:$0x41] =	vst.msk $0xffff, v5;
	v1 =	vld.idx.msk [tilespmem:v0+s17+$0x20 ss:$0x1], $0xffff;
	(pc) =	sbr.rel @p2 .LBB1_6-.Ltmp8, $4  }
0xa9: {  	[tilespmem:s0+$0x0 ss:$0x41] =	vst.msk $0xffff, v6;
	v2 =	vld.idx.msk [tilespmem:v0+s17+$0x30 ss:$0x1], $0xffff  }
0xaa: {  	[tilespmem:s31+$0x0 ss:$0x41] =	vst.msk $0xffff, v8;
	v3 =	vld.idx.msk [tilespmem:v0+s17+$0x40 ss:$0x1], $0xffff  }
0xab: {  	[tilespmem:s1+$0x0 ss:$0x41] =	vst.msk $0xffff, v7;
	v5 =	vld.idx.msk [tilespmem:v0+s17+$0x50 ss:$0x1], $0xffff  }
0xac: {  	s15 =	sadd.s32 $0x800, s15;
	[tilespmem:s8+$0x0 ss:$0x41] =	vst.msk $0xffff, v9;
	v6 =	vld.idx.msk [tilespmem:v0+s17+$0x60 ss:$0x1], $0xffff  }
.LBB1_7:
0xad: {  	_ =	sdelay $0x2  }
0xae: {  	[tilespmem:s6+$0x0 ss:$0x41] =	vst.msk $0xffff, v4  }
0xaf: {  	v0 =	vld.idx.msk [tilespmem:v0+s17+$0x70 ss:$0x1], $0xffff;
	[tilespmem:s4+$0x0 ss:$0x41] =	vst.msk $0xffff, v1  }
0xb0: {  	[tilespmem:s5+$0x0 ss:$0x41] =	vst.msk $0xffff, v2  }
0xb1: {  	[tilespmem:s31+$0x0 ss:$0x41] =	vst.msk $0xffff, v3  }
0xb2: {  	[tilespmem:s3+$0x0 ss:$0x41] =	vst.msk $0xffff, v5  }
0xb3: {  	[tilespmem:s7+$0x0 ss:$0x41] =	vst.msk $0xffff, v6  }
0xb4: {  	[tilespmem:s16+$0x0 ss:$0x41] =	vst.msk $0xffff, v0  }
.LBB1_8:
.Ltmp9:
0xb5: {  	(pc) =	sbr.rel @p1 .LBB1_11-.Ltmp9, $1  }
0xb6: {  	_ =	sdelay $0x3  }
0xb7: {  	s1 =	sand.u32 $0x380, s26;
	s0 =	sshrl.u32 s24, $0x4;
	s2 =	sadd.s32 s27, s18  }
0xb8: {  	s3 =	smov.u32 s23;
	s4 =	smov.u32 s21;
	s1 =	sadd.s32 s1, s22  }
.LBB1_10:
0xb9: {  	s5 =	sand.u32 $0x1C00, s3  }
0xba: {  	s5 =	sadd.s32 s26, s5  }
0xbb: {  	s5 =	sand.u32 $0x1C00, s5  }
0xbc: {  	s6 =	sand.u32 $0x70, s4;
	s30 =	sadd.s32 s4, s0;
	s5 =	sadd.s32 s5, s1  }
0xbd: {  	s4 =	sadd.s32 $0x10, s4;
	s31 =	sand.u32 $0x78, s30;
	s5 =	sadd.s32 s6, s5  }
0xbe: {  	p2 =	slt.s32 s4, s20;
	v0 =	vld [tilespmem:s5+$0x0];
	s5 =	smul.u32 $0x104, s31  }
.Ltmp10:
0xbf: {  	_ = 	snop;
	(pc) =	sbr.rel @p2 .LBB1_10-.Ltmp10, $4  }
0xc0: {  	_ = 	snop  }
0xc1: {  	s5 =	sshrl.u32 s5, $0x2  }
0xc2: {  	s5 =	sadd.s32 s5, s2  }
0xc3: {  	s3 =	sadd.s32 $0x80, s3;
	[tilespmem:s5+$0x0 ss:$0x41] =	vst.msk $0xffff, v0  }
.Ltmp11:
0xc4: {  	_ = 	snop;
	(pc) =	sbr.rel .LBB1_11-.Ltmp11, $1  }
0xc5: {  	_ =	sdelay $0x3  }
.LBB1_14:
0xc6: {  	_ =	sfence.sel $0x180000  }
0xc7: {  	s0 =	simm.s32 $0x1;
	[bflag:$0x0] =	sbarrier.arrive $0xFFFF  }
0xc8: {  	s30 =	simm.s32 $0x2;
	[sflag:s0] =	ssyncpa.u1 $0x1  }
0xc9: {  	[sflag:s30] =	ssyncpa.u1 $0x1  }
0xca: {  	_ =	strace $0x90000056  }
0xcb: {  	s31 =	stileid.u32;
	[bflag:$0x2] =	sbarrier.arrive $0xFFFF  }
0xcc: {  	p0 =	sne.s32 s31, $0x0;
	s0 =	rddreg [dreg:$0x2]  }
0xcd: {  	s0 =	sadd.s32 @!p0 $0x100000, s0  }
0xce: {  	[sflag:s0] =	ssyncadd.tile.s32 @!p0 $0x1;
	_ =	shalt  }
.Lfunc_end1:
_tile_overlayer_lowered:
.L_overlay_start_2:
0xcf: {  	(tag) =	ssettag $0x2  }
0xd0: {  	s0 =	rddreg [dreg:$0x0];
	s2 =	stileid.u32  }
0xd1: {  	s1 =	rddreg [dreg:$0x1];
	p0 =	sne.s32 s2, $0x0  }
0xd2: {  	s3 =	rddreg [dreg:$0x2];
	[bflag:$0x3] =	sbarrier.arrive $0xFFFF;
	s2 =	simm.s32 @!p0 $0x1C01  }
0xd3: {  	[timem:s3], [sflag:s2] =	dma.local @!p0 [hbm:s0], s1  }
0xd4: {  	s0 =	simm.s32 @!p0 $0x1  }
0xd5: {  	_ =	swait.ge @!p0 [sflag:s0], s1  }
0xd6: {  	s1 =	ssub.s32 @!p0 $0x0, s1;
	[sflag:s0] =	ssyncset.done @!p0 $0x0  }
0xd7: {  	[sflag:s0] =	ssyncadd.s32 @!p0 s1  }
0xd8: {  	[bflag:$0x3] =	sbarrier.arrive $0xFFFF  }
0xd9: {  	_ =	shalt  }

</sc_bundles>
